<compile_context>
chip_gen: v7x
topology: tpu7x:2x2x1
jax: 0.10.2.dev20260603
libtpu: 0.0.44.dev20260713+nightly
codegen_flags: <defaults>
</compile_context>

<pallas_src>
import functools

import jax
import jax.numpy as jnp
from jax import lax
from jax.experimental import pallas as pl
from jax.experimental.pallas import tpu as pltpu
from jax.experimental.pallas import tpu_sc as plsc

N = 10000
E = 320000
D = 128
H = 128
G = 64

_INV = 0.9999950000374996

_EDGE_BLK = 128
_NBLOCKS = E // _EDGE_BLK
_NTILES = 32
_BLK_FULL = 80
_BLK_LAST = _NBLOCKS - 31 * _BLK_FULL
_HALF = _BLK_FULL // 2
_NBUF = 2

_RPS = 640
_LAST_ROWS = N - 15 * _RPS

_TC_BLK = 1000
_TC_GRID = N // _TC_BLK


def _sc_aggregate(h, edge_index, zeros_blk):
    mesh = plsc.VectorSubcoreMesh(core_axis_name="c", subcore_axis_name="s")

    @functools.partial(
        pl.kernel,
        mesh=mesh,
        out_type=(jax.ShapeDtypeStruct((N, D), jnp.float32),
                  jax.ShapeDtypeStruct((N, D), jnp.float32)),
        scratch_types=[
            pltpu.VMEM((_HALF * _EDGE_BLK,), jnp.int32),
            pltpu.VMEM((_HALF * _EDGE_BLK,), jnp.int32),
            pltpu.VMEM((_EDGE_BLK, D), jnp.float32),
            pltpu.VMEM((_EDGE_BLK, D), jnp.float32),
            pltpu.VMEM_SHARED((N, D), jnp.float32),
            pltpu.SemaphoreType.DMA,
            pltpu.SemaphoreType.DMA,
        ],
    )
    def k(h_hbm, ei_hbm, zeros_hbm, out0_hbm, out1_hbm,
          src_v, dst_v, rows_v0, rows_v1, acc_sh, gsem0, gsem1):
        rows_b = (rows_v0, rows_v1)
        gsem_b = (gsem0, gsem1)
        c = lax.axis_index("c")
        s = lax.axis_index("s")
        wid = c * 16 + s
        is_last = wid == _NTILES - 1

        @pl.when(s < 15)
        def _():
            pltpu.async_copy(zeros_hbm, acc_sh.at[pl.ds(s * _RPS, _RPS)],
                             gsem0)

        @pl.when(s == 15)
        def _():
            pltpu.async_copy(zeros_hbm.at[pl.ds(0, _LAST_ROWS)],
                             acc_sh.at[pl.ds(15 * _RPS, _LAST_ROWS)], gsem0)

        def start_gather(j, b):
            pltpu.async_copy(h_hbm.at[src_v.at[pl.ds(j * _EDGE_BLK, _EDGE_BLK)]],
                             rows_b[b], gsem_b[b])

        def wait_gather(j, b):
            pltpu.make_async_copy(
                h_hbm.at[src_v.at[pl.ds(j * _EDGE_BLK, _EDGE_BLK)]],
                rows_b[b], gsem_b[b]).wait()

        def run_pipeline(n_iters, fire_limit):
            for b in range(_NBUF):
                start_gather(b, b)

            def body(g, carry):
                for b in range(_NBUF):
                    j = g * _NBUF + b
                    wait_gather(j, b)
                    pltpu.sync_copy(
                        rows_b[b],
                        acc_sh.at[dst_v.at[pl.ds(j * _EDGE_BLK, _EDGE_BLK)]],
                        add=True)

                    @pl.when(j + _NBUF < fire_limit)
                    def _():
                        start_gather(j + _NBUF, b)
                return carry

            lax.fori_loop(0, n_iters, body, 0)

        def stage_async(eblk_off, nblk):
            ne = nblk * _EDGE_BLK
            pltpu.async_copy(ei_hbm.at[0, pl.ds(eblk_off * _EDGE_BLK, ne)],
                             src_v.at[pl.ds(0, ne)], gsem1)
            pltpu.async_copy(ei_hbm.at[1, pl.ds(eblk_off * _EDGE_BLK, ne)],
                             dst_v.at[pl.ds(0, ne)], gsem0)

        def stage_wait(eblk_off, nblk):
            ne = nblk * _EDGE_BLK
            pltpu.make_async_copy(
                ei_hbm.at[0, pl.ds(eblk_off * _EDGE_BLK, ne)],
                src_v.at[pl.ds(0, ne)], gsem1).wait()
            pltpu.make_async_copy(
                ei_hbm.at[1, pl.ds(eblk_off * _EDGE_BLK, ne)],
                dst_v.at[pl.ds(0, ne)], gsem0).wait()

        base_blk = wid * _BLK_FULL

        @pl.when(is_last)
        def _():
            stage_async(31 * _BLK_FULL, _BLK_LAST)

        @pl.when(jnp.logical_not(is_last))
        def _():
            stage_async(base_blk, _HALF)

        @pl.when(s < 15)
        def _():
            pltpu.make_async_copy(zeros_hbm, acc_sh.at[pl.ds(s * _RPS, _RPS)],
                                  gsem0).wait()

        @pl.when(s == 15)
        def _():
            pltpu.make_async_copy(
                zeros_hbm.at[pl.ds(0, _LAST_ROWS)],
                acc_sh.at[pl.ds(15 * _RPS, _LAST_ROWS)], gsem0).wait()

        plsc.subcore_barrier()

        @pl.when(is_last)
        def _():
            stage_wait(31 * _BLK_FULL, _BLK_LAST)

        @pl.when(jnp.logical_not(is_last))
        def _():
            stage_wait(base_blk, _HALF)

        n0 = jnp.where(is_last, _BLK_LAST // _NBUF, _HALF // _NBUF)
        lim0 = jnp.where(is_last, _BLK_LAST, _HALF)
        run_pipeline(n0, lim0)

        @pl.when(jnp.logical_not(is_last))
        def _():
            stage_async(base_blk + _HALF, _HALF)
            stage_wait(base_blk + _HALF, _HALF)
            run_pipeline(_HALF // _NBUF, _HALF)

        plsc.subcore_barrier()

        out_hbm = (out0_hbm, out1_hbm)
        for ci in range(2):
            @pl.when((c == ci) & (s < 15))
            def _(ci=ci):
                rows = pl.ds(s * _RPS, _RPS)
                pltpu.sync_copy(acc_sh.at[rows], out_hbm[ci].at[rows])

            @pl.when((c == ci) & (s == 15))
            def _(ci=ci):
                rows = pl.ds(15 * _RPS, _LAST_ROWS)
                pltpu.sync_copy(acc_sh.at[rows], out_hbm[ci].at[rows])

    return k(h, edge_index, zeros_blk)


def _tc_layer(h, a0, a1, w1, b1, w2, b2, gamma, beta):
    def body(h_ref, a0_ref, a1_ref, w1_ref, b1_ref, w2_ref, b2_ref,
             g_ref, bt_ref, o_ref):
        hin = h_ref[...] + a0_ref[...] + a1_ref[...]
        z = jax.lax.dot_general(hin, w1_ref[...], (((1,), (0,)), ((), ())),
                                preferred_element_type=jnp.float32)
        z = jnp.maximum(z + b1_ref[...], 0.0)
        o = jax.lax.dot_general(z, w2_ref[...], (((1,), (0,)), ((), ())),
                                preferred_element_type=jnp.float32)
        o = (o + b2_ref[...]) * (g_ref[...] * _INV) + bt_ref[...]
        o_ref[...] = jnp.maximum(o, 0.0)

    row_spec = pl.BlockSpec((_TC_BLK, D), lambda i: (i, 0))
    full = lambda shape: pl.BlockSpec(shape, lambda i: (0,) * len(shape))
    return pl.pallas_call(
        body,
        grid=(_TC_GRID,),
        in_specs=[row_spec, row_spec, row_spec,
                  full((D, H)), full((1, H)), full((H, H)), full((1, H)),
                  full((1, H)), full((1, H))],
        out_specs=row_spec,
        out_shape=jax.ShapeDtypeStruct((N, H), jnp.float32),
    )(h, a0, a1, w1, b1, w2, b2, gamma, beta)


def _tc_pool_head(h, batch3d, fc1_w, fc1_b, fc2_w, fc2_b):
    def body(h_ref, b_ref, w1_ref, b1_ref, w2_ref, b2_ref, o_ref, acc, cnt):
        i = pl.program_id(0)

        @pl.when(i == 0)
        def _():
            acc[...] = jnp.zeros_like(acc)
            cnt[...] = jnp.zeros_like(cnt)

        bm = b_ref[0]
        gids = jax.lax.broadcasted_iota(jnp.int32, (G, _TC_BLK), 0)
        onehot_t = (gids == bm).astype(jnp.float32)
        acc[...] += jax.lax.dot_general(
            onehot_t, h_ref[...], (((1,), (0,)), ((), ())),
            preferred_element_type=jnp.float32)
        cnt[...] += jnp.sum(onehot_t, axis=1, keepdims=True)

        @pl.when(i == _TC_GRID - 1)
        def _():
            pooled = acc[...] / jnp.maximum(cnt[...], 1.0)
            z = jax.lax.dot_general(pooled, w1_ref[...], (((1,), (0,)), ((), ())),
                                    preferred_element_type=jnp.float32)
            z = jnp.maximum(z + b1_ref[...], 0.0)
            o = jax.lax.dot_general(z, w2_ref[...], (((1,), (0,)), ((), ())),
                                    preferred_element_type=jnp.float32)
            o_ref[...] = o + b2_ref[...]

    full = lambda shape: pl.BlockSpec(shape, lambda i: (0,) * len(shape))
    return pl.pallas_call(
        body,
        grid=(_TC_GRID,),
        in_specs=[pl.BlockSpec((_TC_BLK, D), lambda i: (i, 0)),
                  pl.BlockSpec((1, 1, _TC_BLK), lambda i: (i, 0, 0)),
                  full((H, G)), full((1, G)), full((G, 1)), full((1, 1))],
        out_specs=full((G, 1)),
        out_shape=jax.ShapeDtypeStruct((G, 1), jnp.float32),
        scratch_shapes=[pltpu.VMEM((G, D), jnp.float32),
                        pltpu.VMEM((G, 1), jnp.float32)],
        compiler_params=pltpu.CompilerParams(
            dimension_semantics=("arbitrary",)),
    )(h, batch3d, fc1_w, fc1_b, fc2_w, fc2_b)


def kernel(x, edge_index, batch,
           l0_w1, l0_b1, l0_w2, l0_b2, l0_gamma, l0_beta,
           l1_w1, l1_b1, l1_w2, l1_b2, l1_gamma, l1_beta,
           l2_w1, l2_b1, l2_w2, l2_b2, l2_gamma, l2_beta,
           fc1_w, fc1_b, fc2_w, fc2_b):
    batch3d = batch.reshape(_TC_GRID, 1, _TC_BLK)
    zeros_blk = jnp.zeros((_RPS, D), jnp.float32)

    h = x
    params = [
        (l0_w1, l0_b1, l0_w2, l0_b2, l0_gamma, l0_beta),
        (l1_w1, l1_b1, l1_w2, l1_b2, l1_gamma, l1_beta),
        (l2_w1, l2_b1, l2_w2, l2_b2, l2_gamma, l2_beta),
    ]
    for w1, b1, w2, b2, g, b in params:
        agg0, agg1 = _sc_aggregate(h, edge_index, zeros_blk)
        h = _tc_layer(h, agg0, agg1, w1, b1.reshape(1, H),
                      w2, b2.reshape(1, H), g.reshape(1, H), b.reshape(1, H))

    out = _tc_pool_head(h, batch3d, fc1_w, fc1_b.reshape(1, G),
                        fc2_w, fc2_b.reshape(1, 1))
    return jnp.squeeze(out, axis=-1)

# --- scband reference (transcript-rebuilt; emitter-appended) ---
"""Pipeline reference for scband-ginregression-72215580115596 (READ-ONLY COPY).

The authoritative reference and input builder live on the scoring server;
editing this copy changes nothing except your own understanding.
"""

import jax, jax.numpy as jnp
import numpy as np

N = 10000
E = 320000
D = 128
H = 128
G = 64


def _param(key, shape, scale=0.05):
    return jax.random.normal(key, shape, dtype=jnp.float32) * scale


def setup_inputs(seed: int = 0):
    key = jax.random.key(seed)
    ks = jax.random.split(key, 32)
    inp = {}
    inp["x"] = jax.random.normal(ks[0], (N, D), dtype=jnp.float32)
    inp["edge_index"] = jax.random.randint(ks[1], (2, E), 0, N, dtype=jnp.int32)
    inp["batch"] = jnp.sort(jax.random.randint(ks[2], (N,), 0, G, dtype=jnp.int32))
    dims = [D, H, H]
    k = 3
    for i in range(3):
        inp[f"l{i}_w1"] = _param(ks[k], (dims[i], H)); k += 1
        inp[f"l{i}_b1"] = jnp.zeros((H,), dtype=jnp.float32)
        inp[f"l{i}_w2"] = _param(ks[k], (H, H)); k += 1
        inp[f"l{i}_b2"] = jnp.zeros((H,), dtype=jnp.float32)
        inp[f"l{i}_gamma"] = jnp.ones((H,), dtype=jnp.float32)
        inp[f"l{i}_beta"] = jnp.zeros((H,), dtype=jnp.float32)
    inp["fc1_w"] = _param(ks[k], (H, H // 2)); k += 1
    inp["fc1_b"] = jnp.zeros((H // 2,), dtype=jnp.float32)
    inp["fc2_w"] = _param(ks[k], (H // 2, 1)); k += 1
    inp["fc2_b"] = jnp.zeros((1,), dtype=jnp.float32)
    return inp


def _forward(x, edge_index, batch, params, fc1_w, fc1_b, fc2_w, fc2_b):
    src = edge_index[0]
    dst = edge_index[1]
    h = x
    inv = jax.lax.rsqrt(jnp.float32(1.0 + 1e-5))
    for i in range(3):
        w1, b1, w2, b2, g, b = params[i]
        # GINConv: out = MLP((1 + eps) * x + sum_{j in N(i)} x_j), eps = 0 (train_eps=False)
        agg = jnp.zeros_like(h).at[dst].add(h[src])
        h = h + agg
        h = jnp.maximum(h @ w1 + b1, 0.0)
        h = h @ w2 + b2
        # eval-mode BatchNorm1d: running_mean=0, running_var=1
        h = h * (g * inv) + b
        h = jnp.maximum(h, 0.0)
        # dropout is identity in eval mode
    sums = jax.ops.segment_sum(h, batch, num_segments=G)
    counts = jax.ops.segment_sum(jnp.ones((h.shape[0], 1), dtype=h.dtype), batch, num_segments=G)
    pooled = sums / jnp.maximum(counts, 1.0)
    out = jnp.maximum(pooled @ fc1_w + fc1_b, 0.0)
    out = out @ fc2_w + fc2_b
    return jnp.squeeze(out, axis=-1)


def reference(x, edge_index, batch,
              l0_w1, l0_b1, l0_w2, l0_b2, l0_gamma, l0_beta,
              l1_w1, l1_b1, l1_w2, l1_b2, l1_gamma, l1_beta,
              l2_w1, l2_b1, l2_w2, l2_b2, l2_gamma, l2_beta,
              fc1_w, fc1_b, fc2_w, fc2_b):
    params = [
        (l0_w1, l0_b1, l0_w2, l0_b2, l0_gamma, l0_beta),
        (l1_w1, l1_b1, l1_w2, l1_b2, l1_gamma, l1_beta),
        (l2_w1, l2_b1, l2_w2, l2_b2, l2_gamma, l2_beta),
    ]
    return _forward(x, edge_index, batch, params, fc1_w, fc1_b, fc2_w, fc2_b)

if __name__ == "__main__":
    import jax
    _d = setup_inputs()
    print(jax.jit(kernel)(*tuple(_d.values())))

</pallas_src>

<mosaic_0001>
#map = affine_map<(d0, d1) -> (0, 0)>
module attributes {stable_mosaic.version = 14 : i64} {
  func.func @k(%arg0: i32, %arg1: i32, %arg2: memref<10000x128xf32, #tpu.memory_space<hbm>>, %arg3: memref<2x320000xi32, #tpu.memory_space<hbm>>, %arg4: memref<640x128xf32, #tpu.memory_space<hbm>>, %arg5: memref<10000x128xf32, #tpu.memory_space<hbm>>, %arg6: memref<10000x128xf32, #tpu.memory_space<hbm>>, %arg7: memref<5120xi32, #tpu.memory_space<vmem>>, %arg8: memref<5120xi32, #tpu.memory_space<vmem>>, %arg9: memref<128x128xf32, #tpu.memory_space<vmem>>, %arg10: memref<128x128xf32, #tpu.memory_space<vmem>>, %arg11: memref<10000x128xf32, #tpu.memory_space<vmem_shared>>, %arg12: memref<!tpu.dma_semaphore, #tpu.memory_space<semaphore_mem>>, %arg13: memref<!tpu.dma_semaphore, #tpu.memory_space<semaphore_mem>>) attributes {dimension_semantics = [#tpu.dimension_semantics<core_parallel>, #tpu.dimension_semantics<subcore_parallel>], iteration_bounds = array<i64: 2, 16>, scalar_prefetch = 0 : i64, scratch_operands = 7 : i64, tpu.core_type = #tpu.core_type<sc_vector_subcore>, window_params = [{transform_indices = #map}, {transform_indices = #map}, {transform_indices = #map}, {transform_indices = #map}, {transform_indices = #map}]} {
    %mul3A = arith.constant 16 : i32
    %mul3A_0 = arith.muli %arg0, %mul3A : i32
    %add3A = arith.addi %mul3A_0, %arg1 : i32
    %eq3A = arith.constant 31 : i32
    %eq3A_1 = arith.cmpi eq, %add3A, %eq3A : i32
    %lt3A = arith.constant 15 : i32
    %lt3A_2 = arith.cmpi slt, %arg1, %lt3A : i32
    %convert_element_type3A = arith.extui %lt3A_2 : i1 to i32
    %cond3A = arith.constant 0 : i32
    %cond3A_3 = arith.cmpi ne, %convert_element_type3A, %cond3A : i32
    scf.if %cond3A_3 {
      %mul3A_95 = arith.constant 640 : i32
      %mul3A_96 = arith.muli %arg1, %mul3A_95 : i32
      %dma_start3A_97 = arith.constant 0 : i32
      %dma_start3A_98 = tpu.memref_slice %arg11[%mul3A_96, %dma_start3A_97] : memref<10000x128xf32, #tpu.memory_space<vmem_shared>> -> memref<640x128xf32, #tpu.memory_space<vmem_shared>>
      tpu.enqueue_dma source(%arg4 : memref<640x128xf32, #tpu.memory_space<hbm>>) target(%dma_start3A_98 : memref<640x128xf32, #tpu.memory_space<vmem_shared>>) target_semaphore(%arg12 : memref<!tpu.dma_semaphore, #tpu.memory_space<semaphore_mem>>)
    } else {
    }
    %eq3A_4 = arith.constant 15 : i32
    %eq3A_5 = arith.cmpi eq, %arg1, %eq3A_4 : i32
    %convert_element_type3A_6 = arith.extui %eq3A_5 : i1 to i32
    %cond3A_7 = arith.constant 0 : i32
    %cond3A_8 = arith.cmpi ne, %convert_element_type3A_6, %cond3A_7 : i32
    scf.if %cond3A_8 {
      %dma_start3A_95 = arith.constant 9600 : i32
      %dma_start3A_96 = arith.constant 0 : i32
      %dma_start3A_97 = tpu.memref_slice %arg11[%dma_start3A_95, %dma_start3A_96] : memref<10000x128xf32, #tpu.memory_space<vmem_shared>> -> memref<400x128xf32, #tpu.memory_space<vmem_shared>>
      %dma_start3A_98 = arith.constant 0 : i32
      %dma_start3A_99 = arith.constant 0 : i32
      %dma_start3A_100 = tpu.memref_slice %arg4[%dma_start3A_98, %dma_start3A_99] : memref<640x128xf32, #tpu.memory_space<hbm>> -> memref<400x128xf32, #tpu.memory_space<hbm>>
      tpu.enqueue_dma source(%dma_start3A_100 : memref<400x128xf32, #tpu.memory_space<hbm>>) target(%dma_start3A_97 : memref<400x128xf32, #tpu.memory_space<vmem_shared>>) target_semaphore(%arg12 : memref<!tpu.dma_semaphore, #tpu.memory_space<semaphore_mem>>)
    } else {
    }
    %mul3A_9 = arith.constant 80 : i32
    %mul3A_10 = arith.muli %add3A, %mul3A_9 : i32
    %convert_element_type3A_11 = arith.extui %eq3A_1 : i1 to i32
    %cond3A_12 = arith.constant 0 : i32
    %cond3A_13 = arith.cmpi ne, %convert_element_type3A_11, %cond3A_12 : i32
    scf.if %cond3A_13 {
      %dma_start3A_95 = arith.constant 0 : i32
      %dma_start3A_96 = arith.constant 0 : i32
      %dma_start3A_97 = tpu.memref_slice %arg7[%dma_start3A_96] : memref<5120xi32, #tpu.memory_space<vmem>> -> memref<2560xi32, #tpu.memory_space<vmem>>
      %dma_start3A_98 = arith.constant 317440 : i32
      %dma_start3A_99 = tpu.memref_slice %arg3[%dma_start3A_95, %dma_start3A_98] : memref<2x320000xi32, #tpu.memory_space<hbm>> -> memref<1x2560xi32, #tpu.memory_space<hbm>>
      %dma_start3A_100 = tpu.memref_squeeze %dma_start3A_99 : memref<1x2560xi32, #tpu.memory_space<hbm>> -> memref<2560xi32, #tpu.memory_space<hbm>>
      %dma_start3A_101 = arith.constant 0 : i32
      %dma_start3A_102 = tpu.memref_slice %arg7[%dma_start3A_101] : memref<5120xi32, #tpu.memory_space<vmem>> -> memref<2560xi32, #tpu.memory_space<vmem>>
      %dma_start3A_103 = arith.constant 317440 : i32
      %dma_start3A_104 = tpu.memref_slice %arg3[%dma_start3A_95, %dma_start3A_103] : memref<2x320000xi32, #tpu.memory_space<hbm>> -> memref<1x2560xi32, #tpu.memory_space<hbm>>
      %dma_start3A_105 = tpu.memref_squeeze %dma_start3A_104 : memref<1x2560xi32, #tpu.memory_space<hbm>> -> memref<2560xi32, #tpu.memory_space<hbm>>
      tpu.enqueue_dma source(%dma_start3A_105 : memref<2560xi32, #tpu.memory_space<hbm>>) target(%dma_start3A_102 : memref<2560xi32, #tpu.memory_space<vmem>>) target_semaphore(%arg13 : memref<!tpu.dma_semaphore, #tpu.memory_space<semaphore_mem>>)
      %dma_start3A_106 = arith.constant 1 : i32
      %dma_start3A_107 = arith.constant 0 : i32
      %dma_start3A_108 = tpu.memref_slice %arg8[%dma_start3A_107] : memref<5120xi32, #tpu.memory_space<vmem>> -> memref<2560xi32, #tpu.memory_space<vmem>>
      %dma_start3A_109 = arith.constant 317440 : i32
      %dma_start3A_110 = tpu.memref_slice %arg3[%dma_start3A_106, %dma_start3A_109] : memref<2x320000xi32, #tpu.memory_space<hbm>> -> memref<1x2560xi32, #tpu.memory_space<hbm>>
      %dma_start3A_111 = tpu.memref_squeeze %dma_start3A_110 : memref<1x2560xi32, #tpu.memory_space<hbm>> -> memref<2560xi32, #tpu.memory_space<hbm>>
      %dma_start3A_112 = arith.constant 0 : i32
      %dma_start3A_113 = tpu.memref_slice %arg8[%dma_start3A_112] : memref<5120xi32, #tpu.memory_space<vmem>> -> memref<2560xi32, #tpu.memory_space<vmem>>
      %dma_start3A_114 = arith.constant 317440 : i32
      %dma_start3A_115 = tpu.memref_slice %arg3[%dma_start3A_106, %dma_start3A_114] : memref<2x320000xi32, #tpu.memory_space<hbm>> -> memref<1x2560xi32, #tpu.memory_space<hbm>>
      %dma_start3A_116 = tpu.memref_squeeze %dma_start3A_115 : memref<1x2560xi32, #tpu.memory_space<hbm>> -> memref<2560xi32, #tpu.memory_space<hbm>>
      tpu.enqueue_dma source(%dma_start3A_116 : memref<2560xi32, #tpu.memory_space<hbm>>) target(%dma_start3A_113 : memref<2560xi32, #tpu.memory_space<vmem>>) target_semaphore(%arg12 : memref<!tpu.dma_semaphore, #tpu.memory_space<semaphore_mem>>)
    } else {
    }
    %not3A = arith.constant true
    %not3A_14 = arith.xori %eq3A_1, %not3A : i1
    %convert_element_type3A_15 = arith.extui %not3A_14 : i1 to i32
    %cond3A_16 = arith.constant 0 : i32
    %cond3A_17 = arith.cmpi ne, %convert_element_type3A_15, %cond3A_16 : i32
    scf.if %cond3A_17 {
      %mul3A_95 = arith.constant 128 : i32
      %mul3A_96 = arith.muli %mul3A_10, %mul3A_95 : i32
      %dma_start3A_97 = arith.constant 0 : i32
      %dma_start3A_98 = arith.constant 0 : i32
      %dma_start3A_99 = tpu.memref_slice %arg7[%dma_start3A_98] : memref<5120xi32, #tpu.memory_space<vmem>> -> memref<5120xi32, #tpu.memory_space<vmem>>
      %dma_start3A_100 = tpu.memref_slice %arg3[%dma_start3A_97, %mul3A_96] : memref<2x320000xi32, #tpu.memory_space<hbm>> -> memref<1x5120xi32, #tpu.memory_space<hbm>>
      %dma_start3A_101 = tpu.memref_squeeze %dma_start3A_100 : memref<1x5120xi32, #tpu.memory_space<hbm>> -> memref<5120xi32, #tpu.memory_space<hbm>>
      %dma_start3A_102 = arith.constant 0 : i32
      %dma_start3A_103 = tpu.memref_slice %arg7[%dma_start3A_102] : memref<5120xi32, #tpu.memory_space<vmem>> -> memref<5120xi32, #tpu.memory_space<vmem>>
      %dma_start3A_104 = tpu.memref_slice %arg3[%dma_start3A_97, %mul3A_96] : memref<2x320000xi32, #tpu.memory_space<hbm>> -> memref<1x5120xi32, #tpu.memory_space<hbm>>
      %dma_start3A_105 = tpu.memref_squeeze %dma_start3A_104 : memref<1x5120xi32, #tpu.memory_space<hbm>> -> memref<5120xi32, #tpu.memory_space<hbm>>
      tpu.enqueue_dma source(%dma_start3A_105 : memref<5120xi32, #tpu.memory_space<hbm>>) target(%dma_start3A_103 : memref<5120xi32, #tpu.memory_space<vmem>>) target_semaphore(%arg13 : memref<!tpu.dma_semaphore, #tpu.memory_space<semaphore_mem>>)
      %mul3A_106 = arith.constant 128 : i32
      %mul3A_107 = arith.muli %mul3A_10, %mul3A_106 : i32
      %dma_start3A_108 = arith.constant 1 : i32
      %dma_start3A_109 = arith.constant 0 : i32
      %dma_start3A_110 = tpu.memref_slice %arg8[%dma_start3A_109] : memref<5120xi32, #tpu.memory_space<vmem>> -> memref<5120xi32, #tpu.memory_space<vmem>>
      %dma_start3A_111 = tpu.memref_slice %arg3[%dma_start3A_108, %mul3A_107] : memref<2x320000xi32, #tpu.memory_space<hbm>> -> memref<1x5120xi32, #tpu.memory_space<hbm>>
      %dma_start3A_112 = tpu.memref_squeeze %dma_start3A_111 : memref<1x5120xi32, #tpu.memory_space<hbm>> -> memref<5120xi32, #tpu.memory_space<hbm>>
      %dma_start3A_113 = arith.constant 0 : i32
      %dma_start3A_114 = tpu.memref_slice %arg8[%dma_start3A_113] : memref<5120xi32, #tpu.memory_space<vmem>> -> memref<5120xi32, #tpu.memory_space<vmem>>
      %dma_start3A_115 = tpu.memref_slice %arg3[%dma_start3A_108, %mul3A_107] : memref<2x320000xi32, #tpu.memory_space<hbm>> -> memref<1x5120xi32, #tpu.memory_space<hbm>>
      %dma_start3A_116 = tpu.memref_squeeze %dma_start3A_115 : memref<1x5120xi32, #tpu.memory_space<hbm>> -> memref<5120xi32, #tpu.memory_space<hbm>>
      tpu.enqueue_dma source(%dma_start3A_116 : memref<5120xi32, #tpu.memory_space<hbm>>) target(%dma_start3A_114 : memref<5120xi32, #tpu.memory_space<vmem>>) target_semaphore(%arg12 : memref<!tpu.dma_semaphore, #tpu.memory_space<semaphore_mem>>)
    } else {
    }
    %lt3A_18 = arith.constant 15 : i32
    %lt3A_19 = arith.cmpi slt, %arg1, %lt3A_18 : i32
    %convert_element_type3A_20 = arith.extui %lt3A_19 : i1 to i32
    %cond3A_21 = arith.constant 0 : i32
    %cond3A_22 = arith.cmpi ne, %convert_element_type3A_20, %cond3A_21 : i32
    scf.if %cond3A_22 {
      %mul3A_95 = arith.constant 640 : i32
      %mul3A_96 = arith.muli %arg1, %mul3A_95 : i32
      %dma_wait3A = arith.constant 0 : i32
      %dma_wait3A_97 = tpu.memref_slice %arg11[%mul3A_96, %dma_wait3A] : memref<10000x128xf32, #tpu.memory_space<vmem_shared>> -> memref<640x128xf32, #tpu.memory_space<vmem_shared>>
      tpu.wait_dma2 semaphore(%arg12 : memref<!tpu.dma_semaphore, #tpu.memory_space<semaphore_mem>>) src(%arg4 : memref<640x128xf32, #tpu.memory_space<hbm>>) dst(%dma_wait3A_97 : memref<640x128xf32, #tpu.memory_space<vmem_shared>>)
    } else {
    }
    %eq3A_23 = arith.constant 15 : i32
    %eq3A_24 = arith.cmpi eq, %arg1, %eq3A_23 : i32
    %convert_element_type3A_25 = arith.extui %eq3A_24 : i1 to i32
    %cond3A_26 = arith.constant 0 : i32
    %cond3A_27 = arith.cmpi ne, %convert_element_type3A_25, %cond3A_26 : i32
    scf.if %cond3A_27 {
      %dma_wait3A = arith.constant 9600 : i32
      %dma_wait3A_95 = arith.constant 0 : i32
      %dma_wait3A_96 = tpu.memref_slice %arg11[%dma_wait3A, %dma_wait3A_95] : memref<10000x128xf32, #tpu.memory_space<vmem_shared>> -> memref<400x128xf32, #tpu.memory_space<vmem_shared>>
      %dma_wait3A_97 = arith.constant 0 : i32
      %dma_wait3A_98 = arith.constant 0 : i32
      %dma_wait3A_99 = tpu.memref_slice %arg4[%dma_wait3A_97, %dma_wait3A_98] : memref<640x128xf32, #tpu.memory_space<hbm>> -> memref<400x128xf32, #tpu.memory_space<hbm>>
      tpu.wait_dma2 semaphore(%arg12 : memref<!tpu.dma_semaphore, #tpu.memory_space<semaphore_mem>>) src(%dma_wait3A_99 : memref<400x128xf32, #tpu.memory_space<hbm>>) dst(%dma_wait3A_96 : memref<400x128xf32, #tpu.memory_space<vmem_shared>>)
    } else {
    }
    %barrier3A = arith.constant 0 : index
    tpu.barrier barrier_id(%barrier3A)
    %convert_element_type3A_28 = arith.extui %eq3A_1 : i1 to i32
    %cond3A_29 = arith.constant 0 : i32
    %cond3A_30 = arith.cmpi ne, %convert_element_type3A_28, %cond3A_29 : i32
    scf.if %cond3A_30 {
      %dma_wait3A = arith.constant 0 : i32
      %dma_wait3A_95 = arith.constant 0 : i32
      %dma_wait3A_96 = tpu.memref_slice %arg7[%dma_wait3A_95] : memref<5120xi32, #tpu.memory_space<vmem>> -> memref<2560xi32, #tpu.memory_space<vmem>>
      %dma_wait3A_97 = arith.constant 317440 : i32
      %dma_wait3A_98 = tpu.memref_slice %arg3[%dma_wait3A, %dma_wait3A_97] : memref<2x320000xi32, #tpu.memory_space<hbm>> -> memref<1x2560xi32, #tpu.memory_space<hbm>>
      %dma_wait3A_99 = tpu.memref_squeeze %dma_wait3A_98 : memref<1x2560xi32, #tpu.memory_space<hbm>> -> memref<2560xi32, #tpu.memory_space<hbm>>
      %dma_wait3A_100 = arith.constant 0 : i32
      %dma_wait3A_101 = tpu.memref_slice %arg7[%dma_wait3A_100] : memref<5120xi32, #tpu.memory_space<vmem>> -> memref<2560xi32, #tpu.memory_space<vmem>>
      %dma_wait3A_102 = arith.constant 317440 : i32
      %dma_wait3A_103 = tpu.memref_slice %arg3[%dma_wait3A, %dma_wait3A_102] : memref<2x320000xi32, #tpu.memory_space<hbm>> -> memref<1x2560xi32, #tpu.memory_space<hbm>>
      %dma_wait3A_104 = tpu.memref_squeeze %dma_wait3A_103 : memref<1x2560xi32, #tpu.memory_space<hbm>> -> memref<2560xi32, #tpu.memory_space<hbm>>
      tpu.wait_dma2 semaphore(%arg13 : memref<!tpu.dma_semaphore, #tpu.memory_space<semaphore_mem>>) src(%dma_wait3A_104 : memref<2560xi32, #tpu.memory_space<hbm>>) dst(%dma_wait3A_101 : memref<2560xi32, #tpu.memory_space<vmem>>)
      %dma_wait3A_105 = arith.constant 1 : i32
      %dma_wait3A_106 = arith.constant 0 : i32
      %dma_wait3A_107 = tpu.memref_slice %arg8[%dma_wait3A_106] : memref<5120xi32, #tpu.memory_space<vmem>> -> memref<2560xi32, #tpu.memory_space<vmem>>
      %dma_wait3A_108 = arith.constant 317440 : i32
      %dma_wait3A_109 = tpu.memref_slice %arg3[%dma_wait3A_105, %dma_wait3A_108] : memref<2x320000xi32, #tpu.memory_space<hbm>> -> memref<1x2560xi32, #tpu.memory_space<hbm>>
      %dma_wait3A_110 = tpu.memref_squeeze %dma_wait3A_109 : memref<1x2560xi32, #tpu.memory_space<hbm>> -> memref<2560xi32, #tpu.memory_space<hbm>>
      %dma_wait3A_111 = arith.constant 0 : i32
      %dma_wait3A_112 = tpu.memref_slice %arg8[%dma_wait3A_111] : memref<5120xi32, #tpu.memory_space<vmem>> -> memref<2560xi32, #tpu.memory_space<vmem>>
      %dma_wait3A_113 = arith.constant 317440 : i32
      %dma_wait3A_114 = tpu.memref_slice %arg3[%dma_wait3A_105, %dma_wait3A_113] : memref<2x320000xi32, #tpu.memory_space<hbm>> -> memref<1x2560xi32, #tpu.memory_space<hbm>>
      %dma_wait3A_115 = tpu.memref_squeeze %dma_wait3A_114 : memref<1x2560xi32, #tpu.memory_space<hbm>> -> memref<2560xi32, #tpu.memory_space<hbm>>
      tpu.wait_dma2 semaphore(%arg12 : memref<!tpu.dma_semaphore, #tpu.memory_space<semaphore_mem>>) src(%dma_wait3A_115 : memref<2560xi32, #tpu.memory_space<hbm>>) dst(%dma_wait3A_112 : memref<2560xi32, #tpu.memory_space<vmem>>)
    } else {
    }
    %not3A_31 = arith.constant true
    %not3A_32 = arith.xori %eq3A_1, %not3A_31 : i1
    %convert_element_type3A_33 = arith.extui %not3A_32 : i1 to i32
    %cond3A_34 = arith.constant 0 : i32
    %cond3A_35 = arith.cmpi ne, %convert_element_type3A_33, %cond3A_34 : i32
    scf.if %cond3A_35 {
      %mul3A_95 = arith.constant 128 : i32
      %mul3A_96 = arith.muli %mul3A_10, %mul3A_95 : i32
      %dma_wait3A = arith.constant 0 : i32
      %dma_wait3A_97 = arith.constant 0 : i32
      %dma_wait3A_98 = tpu.memref_slice %arg7[%dma_wait3A_97] : memref<5120xi32, #tpu.memory_space<vmem>> -> memref<5120xi32, #tpu.memory_space<vmem>>
      %dma_wait3A_99 = tpu.memref_slice %arg3[%dma_wait3A, %mul3A_96] : memref<2x320000xi32, #tpu.memory_space<hbm>> -> memref<1x5120xi32, #tpu.memory_space<hbm>>
      %dma_wait3A_100 = tpu.memref_squeeze %dma_wait3A_99 : memref<1x5120xi32, #tpu.memory_space<hbm>> -> memref<5120xi32, #tpu.memory_space<hbm>>
      %dma_wait3A_101 = arith.constant 0 : i32
      %dma_wait3A_102 = tpu.memref_slice %arg7[%dma_wait3A_101] : memref<5120xi32, #tpu.memory_space<vmem>> -> memref<5120xi32, #tpu.memory_space<vmem>>
      %dma_wait3A_103 = tpu.memref_slice %arg3[%dma_wait3A, %mul3A_96] : memref<2x320000xi32, #tpu.memory_space<hbm>> -> memref<1x5120xi32, #tpu.memory_space<hbm>>
      %dma_wait3A_104 = tpu.memref_squeeze %dma_wait3A_103 : memref<1x5120xi32, #tpu.memory_space<hbm>> -> memref<5120xi32, #tpu.memory_space<hbm>>
      tpu.wait_dma2 semaphore(%arg13 : memref<!tpu.dma_semaphore, #tpu.memory_space<semaphore_mem>>) src(%dma_wait3A_104 : memref<5120xi32, #tpu.memory_space<hbm>>) dst(%dma_wait3A_102 : memref<5120xi32, #tpu.memory_space<vmem>>)
      %mul3A_105 = arith.constant 128 : i32
      %mul3A_106 = arith.muli %mul3A_10, %mul3A_105 : i32
      %dma_wait3A_107 = arith.constant 1 : i32
      %dma_wait3A_108 = arith.constant 0 : i32
      %dma_wait3A_109 = tpu.memref_slice %arg8[%dma_wait3A_108] : memref<5120xi32, #tpu.memory_space<vmem>> -> memref<5120xi32, #tpu.memory_space<vmem>>
      %dma_wait3A_110 = tpu.memref_slice %arg3[%dma_wait3A_107, %mul3A_106] : memref<2x320000xi32, #tpu.memory_space<hbm>> -> memref<1x5120xi32, #tpu.memory_space<hbm>>
      %dma_wait3A_111 = tpu.memref_squeeze %dma_wait3A_110 : memref<1x5120xi32, #tpu.memory_space<hbm>> -> memref<5120xi32, #tpu.memory_space<hbm>>
      %dma_wait3A_112 = arith.constant 0 : i32
      %dma_wait3A_113 = tpu.memref_slice %arg8[%dma_wait3A_112] : memref<5120xi32, #tpu.memory_space<vmem>> -> memref<5120xi32, #tpu.memory_space<vmem>>
      %dma_wait3A_114 = tpu.memref_slice %arg3[%dma_wait3A_107, %mul3A_106] : memref<2x320000xi32, #tpu.memory_space<hbm>> -> memref<1x5120xi32, #tpu.memory_space<hbm>>
      %dma_wait3A_115 = tpu.memref_squeeze %dma_wait3A_114 : memref<1x5120xi32, #tpu.memory_space<hbm>> -> memref<5120xi32, #tpu.memory_space<hbm>>
      tpu.wait_dma2 semaphore(%arg12 : memref<!tpu.dma_semaphore, #tpu.memory_space<semaphore_mem>>) src(%dma_wait3A_115 : memref<5120xi32, #tpu.memory_space<hbm>>) dst(%dma_wait3A_113 : memref<5120xi32, #tpu.memory_space<vmem>>)
    } else {
    }
    %jit3A = arith.constant 10 : i32
    %jit3A_36 = arith.constant 20 : i32
    %select_n3A = arith.select %eq3A_1, %jit3A, %jit3A_36 : i32
    %jit3A_37 = arith.constant 20 : i32
    %jit3A_38 = arith.constant 40 : i32
    %select_n3A_39 = arith.select %eq3A_1, %jit3A_37, %jit3A_38 : i32
    %dma_start3A = arith.constant 0 : i32
    %dma_start3A_40 = tpu.memref_slice %arg7[%dma_start3A] : memref<5120xi32, #tpu.memory_space<vmem>> -> memref<128xi32, #tpu.memory_space<vmem>>
    %dma_start3A_41 = arith.constant 0 : i32
    %dma_start3A_42 = arith.constant 0 : i32
    %dma_start3A_43 = tpu.memref_slice %arg2[%dma_start3A_41, %dma_start3A_42] : memref<10000x128xf32, #tpu.memory_space<hbm>> -> memref<10000x128xf32, #tpu.memory_space<hbm>>
    tpu.enqueue_indirect_dma source(%dma_start3A_43 : memref<10000x128xf32, #tpu.memory_space<hbm>>) target(%arg9 : memref<128x128xf32, #tpu.memory_space<vmem>>) offsets(%dma_start3A_40 : memref<128xi32, #tpu.memory_space<vmem>>) semaphore(%arg12 : memref<!tpu.dma_semaphore, #tpu.memory_space<semaphore_mem>>)
    %dma_start3A_44 = arith.constant 128 : i32
    %dma_start3A_45 = tpu.memref_slice %arg7[%dma_start3A_44] : memref<5120xi32, #tpu.memory_space<vmem>> -> memref<128xi32, #tpu.memory_space<vmem>>
    %dma_start3A_46 = arith.constant 0 : i32
    %dma_start3A_47 = arith.constant 0 : i32
    %dma_start3A_48 = tpu.memref_slice %arg2[%dma_start3A_46, %dma_start3A_47] : memref<10000x128xf32, #tpu.memory_space<hbm>> -> memref<10000x128xf32, #tpu.memory_space<hbm>>
    tpu.enqueue_indirect_dma source(%dma_start3A_48 : memref<10000x128xf32, #tpu.memory_space<hbm>>) target(%arg10 : memref<128x128xf32, #tpu.memory_space<vmem>>) offsets(%dma_start3A_45 : memref<128xi32, #tpu.memory_space<vmem>>) semaphore(%arg13 : memref<!tpu.dma_semaphore, #tpu.memory_space<semaphore_mem>>)
    %while3A = arith.constant 0 : i32
    %while3A_49 = arith.constant 0 : i32
    %while3A_50 = arith.subi %select_n3A, %while3A_49 : i32
    %while3A_51 = arith.addi %while3A_49, %while3A_50 : i32
    %while3A_52 = arith.constant 1 : i32
    %while3A_53 = arith.divsi %while3A_50, %while3A_52 : i32
    %while3A_54 = arith.muli %while3A_53, %while3A_52 : i32
    %while3A_55 = arith.addi %while3A_49, %while3A_54 : i32
    %while3A_56 = arith.constant 1 : i32
    scf.for %while3A_95 = %while3A_49 to %while3A_55 step %while3A_56  : i32 {
      %mul3A_96 = arith.constant 2 : i32
      %mul3A_97 = arith.muli %while3A_95, %mul3A_96 : i32
      %add3A_98 = arith.constant 0 : i32
      %add3A_99 = arith.addi %mul3A_97, %add3A_98 : i32
      %mul3A_100 = arith.constant 128 : i32
      %mul3A_101 = arith.muli %add3A_99, %mul3A_100 : i32
      %dma_wait3A = tpu.memref_slice %arg7[%mul3A_101] : memref<5120xi32, #tpu.memory_space<vmem>> -> memref<128xi32, #tpu.memory_space<vmem>>
      %dma_wait3A_102 = arith.constant 0 : i32
      %dma_wait3A_103 = arith.constant 0 : i32
      %dma_wait3A_104 = tpu.memref_slice %arg2[%dma_wait3A_102, %dma_wait3A_103] : memref<10000x128xf32, #tpu.memory_space<hbm>> -> memref<10000x128xf32, #tpu.memory_space<hbm>>
      tpu.wait_indirect_dma semaphore(%arg12 : memref<!tpu.dma_semaphore, #tpu.memory_space<semaphore_mem>>) src(%dma_wait3A_104 : memref<10000x128xf32, #tpu.memory_space<hbm>>) dst(%arg9 : memref<128x128xf32, #tpu.memory_space<vmem>>)
      %mul3A_105 = arith.constant 128 : i32
      %mul3A_106 = arith.muli %add3A_99, %mul3A_105 : i32
      "tpu.region"() ({
        %run_scoped3A = tpu.sem_alloc : memref<!tpu.dma_semaphore, #tpu.memory_space<semaphore_mem>>
        %dma_start3A_131 = tpu.memref_slice %arg8[%mul3A_106] : memref<5120xi32, #tpu.memory_space<vmem>> -> memref<128xi32, #tpu.memory_space<vmem>>
        %dma_start3A_132 = arith.constant 0 : i32
        %dma_start3A_133 = arith.constant 0 : i32
        %dma_start3A_134 = tpu.memref_slice %arg11[%dma_start3A_132, %dma_start3A_133] : memref<10000x128xf32, #tpu.memory_space<vmem_shared>> -> memref<10000x128xf32, #tpu.memory_space<vmem_shared>>
        tpu.enqueue_indirect_dma source(%arg9 : memref<128x128xf32, #tpu.memory_space<vmem>>) target(%dma_start3A_134 : memref<10000x128xf32, #tpu.memory_space<vmem_shared>>) offsets(%dma_start3A_131 : memref<128xi32, #tpu.memory_space<vmem>>) semaphore(%run_scoped3A : memref<!tpu.dma_semaphore, #tpu.memory_space<semaphore_mem>>) {add = true}
        %dma_wait3A_135 = tpu.memref_slice %arg8[%mul3A_106] : memref<5120xi32, #tpu.memory_space<vmem>> -> memref<128xi32, #tpu.memory_space<vmem>>
        %dma_wait3A_136 = arith.constant 0 : i32
        %dma_wait3A_137 = arith.constant 0 : i32
        %dma_wait3A_138 = tpu.memref_slice %arg11[%dma_wait3A_136, %dma_wait3A_137] : memref<10000x128xf32, #tpu.memory_space<vmem_shared>> -> memref<10000x128xf32, #tpu.memory_space<vmem_shared>>
        tpu.wait_indirect_dma semaphore(%run_scoped3A : memref<!tpu.dma_semaphore, #tpu.memory_space<semaphore_mem>>) src(%arg9 : memref<128x128xf32, #tpu.memory_space<vmem>>) dst(%dma_wait3A_138 : memref<10000x128xf32, #tpu.memory_space<vmem_shared>>)
        tpu.yield
      }) : () -> ()
      %add3A_107 = arith.constant 2 : i32
      %add3A_108 = arith.addi %add3A_99, %add3A_107 : i32
      %lt3A_109 = arith.cmpi slt, %add3A_108, %select_n3A_39 : i32
      %convert_element_type3A_110 = arith.extui %lt3A_109 : i1 to i32
      %cond3A_111 = arith.constant 0 : i32
      %cond3A_112 = arith.cmpi ne, %convert_element_type3A_110, %cond3A_111 : i32
      scf.if %cond3A_112 {
        %add3A_131 = arith.constant 2 : i32
        %add3A_132 = arith.addi %add3A_99, %add3A_131 : i32
        %mul3A_133 = arith.constant 128 : i32
        %mul3A_134 = arith.muli %add3A_132, %mul3A_133 : i32
        %dma_start3A_135 = tpu.memref_slice %arg7[%mul3A_134] : memref<5120xi32, #tpu.memory_space<vmem>> -> memref<128xi32, #tpu.memory_space<vmem>>
        %dma_start3A_136 = arith.constant 0 : i32
        %dma_start3A_137 = arith.constant 0 : i32
        %dma_start3A_138 = tpu.memref_slice %arg2[%dma_start3A_136, %dma_start3A_137] : memref<10000x128xf32, #tpu.memory_space<hbm>> -> memref<10000x128xf32, #tpu.memory_space<hbm>>
        tpu.enqueue_indirect_dma source(%dma_start3A_138 : memref<10000x128xf32, #tpu.memory_space<hbm>>) target(%arg9 : memref<128x128xf32, #tpu.memory_space<vmem>>) offsets(%dma_start3A_135 : memref<128xi32, #tpu.memory_space<vmem>>) semaphore(%arg12 : memref<!tpu.dma_semaphore, #tpu.memory_space<semaphore_mem>>)
      } else {
      }
      %mul3A_113 = arith.constant 2 : i32
      %mul3A_114 = arith.muli %while3A_95, %mul3A_113 : i32
      %add3A_115 = arith.constant 1 : i32
      %add3A_116 = arith.addi %mul3A_114, %add3A_115 : i32
      %mul3A_117 = arith.constant 128 : i32
      %mul3A_118 = arith.muli %add3A_116, %mul3A_117 : i32
      %dma_wait3A_119 = tpu.memref_slice %arg7[%mul3A_118] : memref<5120xi32, #tpu.memory_space<vmem>> -> memref<128xi32, #tpu.memory_space<vmem>>
      %dma_wait3A_120 = arith.constant 0 : i32
      %dma_wait3A_121 = arith.constant 0 : i32
      %dma_wait3A_122 = tpu.memref_slice %arg2[%dma_wait3A_120, %dma_wait3A_121] : memref<10000x128xf32, #tpu.memory_space<hbm>> -> memref<10000x128xf32, #tpu.memory_space<hbm>>
      tpu.wait_indirect_dma semaphore(%arg13 : memref<!tpu.dma_semaphore, #tpu.memory_space<semaphore_mem>>) src(%dma_wait3A_122 : memref<10000x128xf32, #tpu.memory_space<hbm>>) dst(%arg10 : memref<128x128xf32, #tpu.memory_space<vmem>>)
      %mul3A_123 = arith.constant 128 : i32
      %mul3A_124 = arith.muli %add3A_116, %mul3A_123 : i32
      "tpu.region"() ({
        %run_scoped3A = tpu.sem_alloc : memref<!tpu.dma_semaphore, #tpu.memory_space<semaphore_mem>>
        %dma_start3A_131 = tpu.memref_slice %arg8[%mul3A_124] : memref<5120xi32, #tpu.memory_space<vmem>> -> memref<128xi32, #tpu.memory_space<vmem>>
        %dma_start3A_132 = arith.constant 0 : i32
        %dma_start3A_133 = arith.constant 0 : i32
        %dma_start3A_134 = tpu.memref_slice %arg11[%dma_start3A_132, %dma_start3A_133] : memref<10000x128xf32, #tpu.memory_space<vmem_shared>> -> memref<10000x128xf32, #tpu.memory_space<vmem_shared>>
        tpu.enqueue_indirect_dma source(%arg10 : memref<128x128xf32, #tpu.memory_space<vmem>>) target(%dma_start3A_134 : memref<10000x128xf32, #tpu.memory_space<vmem_shared>>) offsets(%dma_start3A_131 : memref<128xi32, #tpu.memory_space<vmem>>) semaphore(%run_scoped3A : memref<!tpu.dma_semaphore, #tpu.memory_space<semaphore_mem>>) {add = true}
        %dma_wait3A_135 = tpu.memref_slice %arg8[%mul3A_124] : memref<5120xi32, #tpu.memory_space<vmem>> -> memref<128xi32, #tpu.memory_space<vmem>>
        %dma_wait3A_136 = arith.constant 0 : i32
        %dma_wait3A_137 = arith.constant 0 : i32
        %dma_wait3A_138 = tpu.memref_slice %arg11[%dma_wait3A_136, %dma_wait3A_137] : memref<10000x128xf32, #tpu.memory_space<vmem_shared>> -> memref<10000x128xf32, #tpu.memory_space<vmem_shared>>
        tpu.wait_indirect_dma semaphore(%run_scoped3A : memref<!tpu.dma_semaphore, #tpu.memory_space<semaphore_mem>>) src(%arg10 : memref<128x128xf32, #tpu.memory_space<vmem>>) dst(%dma_wait3A_138 : memref<10000x128xf32, #tpu.memory_space<vmem_shared>>)
        tpu.yield
      }) : () -> ()
      %add3A_125 = arith.constant 2 : i32
      %add3A_126 = arith.addi %add3A_116, %add3A_125 : i32
      %lt3A_127 = arith.cmpi slt, %add3A_126, %select_n3A_39 : i32
      %convert_element_type3A_128 = arith.extui %lt3A_127 : i1 to i32
      %cond3A_129 = arith.constant 0 : i32
      %cond3A_130 = arith.cmpi ne, %convert_element_type3A_128, %cond3A_129 : i32
      scf.if %cond3A_130 {
        %add3A_131 = arith.constant 2 : i32
        %add3A_132 = arith.addi %add3A_116, %add3A_131 : i32
        %mul3A_133 = arith.constant 128 : i32
        %mul3A_134 = arith.muli %add3A_132, %mul3A_133 : i32
        %dma_start3A_135 = tpu.memref_slice %arg7[%mul3A_134] : memref<5120xi32, #tpu.memory_space<vmem>> -> memref<128xi32, #tpu.memory_space<vmem>>
        %dma_start3A_136 = arith.constant 0 : i32
        %dma_start3A_137 = arith.constant 0 : i32
        %dma_start3A_138 = tpu.memref_slice %arg2[%dma_start3A_136, %dma_start3A_137] : memref<10000x128xf32, #tpu.memory_space<hbm>> -> memref<10000x128xf32, #tpu.memory_space<hbm>>
        tpu.enqueue_indirect_dma source(%dma_start3A_138 : memref<10000x128xf32, #tpu.memory_space<hbm>>) target(%arg10 : memref<128x128xf32, #tpu.memory_space<vmem>>) offsets(%dma_start3A_135 : memref<128xi32, #tpu.memory_space<vmem>>) semaphore(%arg13 : memref<!tpu.dma_semaphore, #tpu.memory_space<semaphore_mem>>)
      } else {
      }
    }
    %while3A_57 = arith.constant 1 : i32
    scf.for %while3A_95 = %while3A_55 to %while3A_51 step %while3A_57  : i32 {
      %mul3A_96 = arith.constant 2 : i32
      %mul3A_97 = arith.muli %while3A_95, %mul3A_96 : i32
      %add3A_98 = arith.constant 0 : i32
      %add3A_99 = arith.addi %mul3A_97, %add3A_98 : i32
      %mul3A_100 = arith.constant 128 : i32
      %mul3A_101 = arith.muli %add3A_99, %mul3A_100 : i32
      %dma_wait3A = tpu.memref_slice %arg7[%mul3A_101] : memref<5120xi32, #tpu.memory_space<vmem>> -> memref<128xi32, #tpu.memory_space<vmem>>
      %dma_wait3A_102 = arith.constant 0 : i32
      %dma_wait3A_103 = arith.constant 0 : i32
      %dma_wait3A_104 = tpu.memref_slice %arg2[%dma_wait3A_102, %dma_wait3A_103] : memref<10000x128xf32, #tpu.memory_space<hbm>> -> memref<10000x128xf32, #tpu.memory_space<hbm>>
      tpu.wait_indirect_dma semaphore(%arg12 : memref<!tpu.dma_semaphore, #tpu.memory_space<semaphore_mem>>) src(%dma_wait3A_104 : memref<10000x128xf32, #tpu.memory_space<hbm>>) dst(%arg9 : memref<128x128xf32, #tpu.memory_space<vmem>>)
      %mul3A_105 = arith.constant 128 : i32
      %mul3A_106 = arith.muli %add3A_99, %mul3A_105 : i32
      "tpu.region"() ({
        %run_scoped3A = tpu.sem_alloc : memref<!tpu.dma_semaphore, #tpu.memory_space<semaphore_mem>>
        %dma_start3A_131 = tpu.memref_slice %arg8[%mul3A_106] : memref<5120xi32, #tpu.memory_space<vmem>> -> memref<128xi32, #tpu.memory_space<vmem>>
        %dma_start3A_132 = arith.constant 0 : i32
        %dma_start3A_133 = arith.constant 0 : i32
        %dma_start3A_134 = tpu.memref_slice %arg11[%dma_start3A_132, %dma_start3A_133] : memref<10000x128xf32, #tpu.memory_space<vmem_shared>> -> memref<10000x128xf32, #tpu.memory_space<vmem_shared>>
        tpu.enqueue_indirect_dma source(%arg9 : memref<128x128xf32, #tpu.memory_space<vmem>>) target(%dma_start3A_134 : memref<10000x128xf32, #tpu.memory_space<vmem_shared>>) offsets(%dma_start3A_131 : memref<128xi32, #tpu.memory_space<vmem>>) semaphore(%run_scoped3A : memref<!tpu.dma_semaphore, #tpu.memory_space<semaphore_mem>>) {add = true}
        %dma_wait3A_135 = tpu.memref_slice %arg8[%mul3A_106] : memref<5120xi32, #tpu.memory_space<vmem>> -> memref<128xi32, #tpu.memory_space<vmem>>
        %dma_wait3A_136 = arith.constant 0 : i32
        %dma_wait3A_137 = arith.constant 0 : i32
        %dma_wait3A_138 = tpu.memref_slice %arg11[%dma_wait3A_136, %dma_wait3A_137] : memref<10000x128xf32, #tpu.memory_space<vmem_shared>> -> memref<10000x128xf32, #tpu.memory_space<vmem_shared>>
        tpu.wait_indirect_dma semaphore(%run_scoped3A : memref<!tpu.dma_semaphore, #tpu.memory_space<semaphore_mem>>) src(%arg9 : memref<128x128xf32, #tpu.memory_space<vmem>>) dst(%dma_wait3A_138 : memref<10000x128xf32, #tpu.memory_space<vmem_shared>>)
        tpu.yield
      }) : () -> ()
      %add3A_107 = arith.constant 2 : i32
      %add3A_108 = arith.addi %add3A_99, %add3A_107 : i32
      %lt3A_109 = arith.cmpi slt, %add3A_108, %select_n3A_39 : i32
      %convert_element_type3A_110 = arith.extui %lt3A_109 : i1 to i32
      %cond3A_111 = arith.constant 0 : i32
      %cond3A_112 = arith.cmpi ne, %convert_element_type3A_110, %cond3A_111 : i32
      scf.if %cond3A_112 {
        %add3A_131 = arith.constant 2 : i32
        %add3A_132 = arith.addi %add3A_99, %add3A_131 : i32
        %mul3A_133 = arith.constant 128 : i32
        %mul3A_134 = arith.muli %add3A_132, %mul3A_133 : i32
        %dma_start3A_135 = tpu.memref_slice %arg7[%mul3A_134] : memref<5120xi32, #tpu.memory_space<vmem>> -> memref<128xi32, #tpu.memory_space<vmem>>
        %dma_start3A_136 = arith.constant 0 : i32
        %dma_start3A_137 = arith.constant 0 : i32
        %dma_start3A_138 = tpu.memref_slice %arg2[%dma_start3A_136, %dma_start3A_137] : memref<10000x128xf32, #tpu.memory_space<hbm>> -> memref<10000x128xf32, #tpu.memory_space<hbm>>
        tpu.enqueue_indirect_dma source(%dma_start3A_138 : memref<10000x128xf32, #tpu.memory_space<hbm>>) target(%arg9 : memref<128x128xf32, #tpu.memory_space<vmem>>) offsets(%dma_start3A_135 : memref<128xi32, #tpu.memory_space<vmem>>) semaphore(%arg12 : memref<!tpu.dma_semaphore, #tpu.memory_space<semaphore_mem>>)
      } else {
      }
      %mul3A_113 = arith.constant 2 : i32
      %mul3A_114 = arith.muli %while3A_95, %mul3A_113 : i32
      %add3A_115 = arith.constant 1 : i32
      %add3A_116 = arith.addi %mul3A_114, %add3A_115 : i32
      %mul3A_117 = arith.constant 128 : i32
      %mul3A_118 = arith.muli %add3A_116, %mul3A_117 : i32
      %dma_wait3A_119 = tpu.memref_slice %arg7[%mul3A_118] : memref<5120xi32, #tpu.memory_space<vmem>> -> memref<128xi32, #tpu.memory_space<vmem>>
      %dma_wait3A_120 = arith.constant 0 : i32
      %dma_wait3A_121 = arith.constant 0 : i32
      %dma_wait3A_122 = tpu.memref_slice %arg2[%dma_wait3A_120, %dma_wait3A_121] : memref<10000x128xf32, #tpu.memory_space<hbm>> -> memref<10000x128xf32, #tpu.memory_space<hbm>>
      tpu.wait_indirect_dma semaphore(%arg13 : memref<!tpu.dma_semaphore, #tpu.memory_space<semaphore_mem>>) src(%dma_wait3A_122 : memref<10000x128xf32, #tpu.memory_space<hbm>>) dst(%arg10 : memref<128x128xf32, #tpu.memory_space<vmem>>)
      %mul3A_123 = arith.constant 128 : i32
      %mul3A_124 = arith.muli %add3A_116, %mul3A_123 : i32
      "tpu.region"() ({
        %run_scoped3A = tpu.sem_alloc : memref<!tpu.dma_semaphore, #tpu.memory_space<semaphore_mem>>
        %dma_start3A_131 = tpu.memref_slice %arg8[%mul3A_124] : memref<5120xi32, #tpu.memory_space<vmem>> -> memref<128xi32, #tpu.memory_space<vmem>>
        %dma_start3A_132 = arith.constant 0 : i32
        %dma_start3A_133 = arith.constant 0 : i32
        %dma_start3A_134 = tpu.memref_slice %arg11[%dma_start3A_132, %dma_start3A_133] : memref<10000x128xf32, #tpu.memory_space<vmem_shared>> -> memref<10000x128xf32, #tpu.memory_space<vmem_shared>>
        tpu.enqueue_indirect_dma source(%arg10 : memref<128x128xf32, #tpu.memory_space<vmem>>) target(%dma_start3A_134 : memref<10000x128xf32, #tpu.memory_space<vmem_shared>>) offsets(%dma_start3A_131 : memref<128xi32, #tpu.memory_space<vmem>>) semaphore(%run_scoped3A : memref<!tpu.dma_semaphore, #tpu.memory_space<semaphore_mem>>) {add = true}
        %dma_wait3A_135 = tpu.memref_slice %arg8[%mul3A_124] : memref<5120xi32, #tpu.memory_space<vmem>> -> memref<128xi32, #tpu.memory_space<vmem>>
        %dma_wait3A_136 = arith.constant 0 : i32
        %dma_wait3A_137 = arith.constant 0 : i32
        %dma_wait3A_138 = tpu.memref_slice %arg11[%dma_wait3A_136, %dma_wait3A_137] : memref<10000x128xf32, #tpu.memory_space<vmem_shared>> -> memref<10000x128xf32, #tpu.memory_space<vmem_shared>>
        tpu.wait_indirect_dma semaphore(%run_scoped3A : memref<!tpu.dma_semaphore, #tpu.memory_space<semaphore_mem>>) src(%arg10 : memref<128x128xf32, #tpu.memory_space<vmem>>) dst(%dma_wait3A_138 : memref<10000x128xf32, #tpu.memory_space<vmem_shared>>)
        tpu.yield
      }) : () -> ()
      %add3A_125 = arith.constant 2 : i32
      %add3A_126 = arith.addi %add3A_116, %add3A_125 : i32
      %lt3A_127 = arith.cmpi slt, %add3A_126, %select_n3A_39 : i32
      %convert_element_type3A_128 = arith.extui %lt3A_127 : i1 to i32
      %cond3A_129 = arith.constant 0 : i32
      %cond3A_130 = arith.cmpi ne, %convert_element_type3A_128, %cond3A_129 : i32
      scf.if %cond3A_130 {
        %add3A_131 = arith.constant 2 : i32
        %add3A_132 = arith.addi %add3A_116, %add3A_131 : i32
        %mul3A_133 = arith.constant 128 : i32
        %mul3A_134 = arith.muli %add3A_132, %mul3A_133 : i32
        %dma_start3A_135 = tpu.memref_slice %arg7[%mul3A_134] : memref<5120xi32, #tpu.memory_space<vmem>> -> memref<128xi32, #tpu.memory_space<vmem>>
        %dma_start3A_136 = arith.constant 0 : i32
        %dma_start3A_137 = arith.constant 0 : i32
        %dma_start3A_138 = tpu.memref_slice %arg2[%dma_start3A_136, %dma_start3A_137] : memref<10000x128xf32, #tpu.memory_space<hbm>> -> memref<10000x128xf32, #tpu.memory_space<hbm>>
        tpu.enqueue_indirect_dma source(%dma_start3A_138 : memref<10000x128xf32, #tpu.memory_space<hbm>>) target(%arg10 : memref<128x128xf32, #tpu.memory_space<vmem>>) offsets(%dma_start3A_135 : memref<128xi32, #tpu.memory_space<vmem>>) semaphore(%arg13 : memref<!tpu.dma_semaphore, #tpu.memory_space<semaphore_mem>>)
      } else {
      }
    }
    %not3A_58 = arith.constant true
    %not3A_59 = arith.xori %eq3A_1, %not3A_58 : i1
    %convert_element_type3A_60 = arith.extui %not3A_59 : i1 to i32
    %cond3A_61 = arith.constant 0 : i32
    %cond3A_62 = arith.cmpi ne, %convert_element_type3A_60, %cond3A_61 : i32
    scf.if %cond3A_62 {
      %add3A_95 = arith.constant 40 : i32
      %add3A_96 = arith.addi %mul3A_10, %add3A_95 : i32
      %mul3A_97 = arith.constant 128 : i32
      %mul3A_98 = arith.muli %add3A_96, %mul3A_97 : i32
      %dma_start3A_99 = arith.constant 0 : i32
      %dma_start3A_100 = arith.constant 0 : i32
      %dma_start3A_101 = tpu.memref_slice %arg7[%dma_start3A_100] : memref<5120xi32, #tpu.memory_space<vmem>> -> memref<5120xi32, #tpu.memory_space<vmem>>
      %dma_start3A_102 = tpu.memref_slice %arg3[%dma_start3A_99, %mul3A_98] : memref<2x320000xi32, #tpu.memory_space<hbm>> -> memref<1x5120xi32, #tpu.memory_space<hbm>>
      %dma_start3A_103 = tpu.memref_squeeze %dma_start3A_102 : memref<1x5120xi32, #tpu.memory_space<hbm>> -> memref<5120xi32, #tpu.memory_space<hbm>>
      %dma_start3A_104 = arith.constant 0 : i32
      %dma_start3A_105 = tpu.memref_slice %arg7[%dma_start3A_104] : memref<5120xi32, #tpu.memory_space<vmem>> -> memref<5120xi32, #tpu.memory_space<vmem>>
      %dma_start3A_106 = tpu.memref_slice %arg3[%dma_start3A_99, %mul3A_98] : memref<2x320000xi32, #tpu.memory_space<hbm>> -> memref<1x5120xi32, #tpu.memory_space<hbm>>
      %dma_start3A_107 = tpu.memref_squeeze %dma_start3A_106 : memref<1x5120xi32, #tpu.memory_space<hbm>> -> memref<5120xi32, #tpu.memory_space<hbm>>
      tpu.enqueue_dma source(%dma_start3A_107 : memref<5120xi32, #tpu.memory_space<hbm>>) target(%dma_start3A_105 : memref<5120xi32, #tpu.memory_space<vmem>>) target_semaphore(%arg13 : memref<!tpu.dma_semaphore, #tpu.memory_space<semaphore_mem>>)
      %mul3A_108 = arith.constant 128 : i32
      %mul3A_109 = arith.muli %add3A_96, %mul3A_108 : i32
      %dma_start3A_110 = arith.constant 1 : i32
      %dma_start3A_111 = arith.constant 0 : i32
      %dma_start3A_112 = tpu.memref_slice %arg8[%dma_start3A_111] : memref<5120xi32, #tpu.memory_space<vmem>> -> memref<5120xi32, #tpu.memory_space<vmem>>
      %dma_start3A_113 = tpu.memref_slice %arg3[%dma_start3A_110, %mul3A_109] : memref<2x320000xi32, #tpu.memory_space<hbm>> -> memref<1x5120xi32, #tpu.memory_space<hbm>>
      %dma_start3A_114 = tpu.memref_squeeze %dma_start3A_113 : memref<1x5120xi32, #tpu.memory_space<hbm>> -> memref<5120xi32, #tpu.memory_space<hbm>>
      %dma_start3A_115 = arith.constant 0 : i32
      %dma_start3A_116 = tpu.memref_slice %arg8[%dma_start3A_115] : memref<5120xi32, #tpu.memory_space<vmem>> -> memref<5120xi32, #tpu.memory_space<vmem>>
      %dma_start3A_117 = tpu.memref_slice %arg3[%dma_start3A_110, %mul3A_109] : memref<2x320000xi32, #tpu.memory_space<hbm>> -> memref<1x5120xi32, #tpu.memory_space<hbm>>
      %dma_start3A_118 = tpu.memref_squeeze %dma_start3A_117 : memref<1x5120xi32, #tpu.memory_space<hbm>> -> memref<5120xi32, #tpu.memory_space<hbm>>
      tpu.enqueue_dma source(%dma_start3A_118 : memref<5120xi32, #tpu.memory_space<hbm>>) target(%dma_start3A_116 : memref<5120xi32, #tpu.memory_space<vmem>>) target_semaphore(%arg12 : memref<!tpu.dma_semaphore, #tpu.memory_space<semaphore_mem>>)
      %add3A_119 = arith.constant 40 : i32
      %add3A_120 = arith.addi %mul3A_10, %add3A_119 : i32
      %mul3A_121 = arith.constant 128 : i32
      %mul3A_122 = arith.muli %add3A_120, %mul3A_121 : i32
      %dma_wait3A = arith.constant 0 : i32
      %dma_wait3A_123 = arith.constant 0 : i32
      %dma_wait3A_124 = tpu.memref_slice %arg7[%dma_wait3A_123] : memref<5120xi32, #tpu.memory_space<vmem>> -> memref<5120xi32, #tpu.memory_space<vmem>>
      %dma_wait3A_125 = tpu.memref_slice %arg3[%dma_wait3A, %mul3A_122] : memref<2x320000xi32, #tpu.memory_space<hbm>> -> memref<1x5120xi32, #tpu.memory_space<hbm>>
      %dma_wait3A_126 = tpu.memref_squeeze %dma_wait3A_125 : memref<1x5120xi32, #tpu.memory_space<hbm>> -> memref<5120xi32, #tpu.memory_space<hbm>>
      %dma_wait3A_127 = arith.constant 0 : i32
      %dma_wait3A_128 = tpu.memref_slice %arg7[%dma_wait3A_127] : memref<5120xi32, #tpu.memory_space<vmem>> -> memref<5120xi32, #tpu.memory_space<vmem>>
      %dma_wait3A_129 = tpu.memref_slice %arg3[%dma_wait3A, %mul3A_122] : memref<2x320000xi32, #tpu.memory_space<hbm>> -> memref<1x5120xi32, #tpu.memory_space<hbm>>
      %dma_wait3A_130 = tpu.memref_squeeze %dma_wait3A_129 : memref<1x5120xi32, #tpu.memory_space<hbm>> -> memref<5120xi32, #tpu.memory_space<hbm>>
      tpu.wait_dma2 semaphore(%arg13 : memref<!tpu.dma_semaphore, #tpu.memory_space<semaphore_mem>>) src(%dma_wait3A_130 : memref<5120xi32, #tpu.memory_space<hbm>>) dst(%dma_wait3A_128 : memref<5120xi32, #tpu.memory_space<vmem>>)
      %mul3A_131 = arith.constant 128 : i32
      %mul3A_132 = arith.muli %add3A_120, %mul3A_131 : i32
      %dma_wait3A_133 = arith.constant 1 : i32
      %dma_wait3A_134 = arith.constant 0 : i32
      %dma_wait3A_135 = tpu.memref_slice %arg8[%dma_wait3A_134] : memref<5120xi32, #tpu.memory_space<vmem>> -> memref<5120xi32, #tpu.memory_space<vmem>>
      %dma_wait3A_136 = tpu.memref_slice %arg3[%dma_wait3A_133, %mul3A_132] : memref<2x320000xi32, #tpu.memory_space<hbm>> -> memref<1x5120xi32, #tpu.memory_space<hbm>>
      %dma_wait3A_137 = tpu.memref_squeeze %dma_wait3A_136 : memref<1x5120xi32, #tpu.memory_space<hbm>> -> memref<5120xi32, #tpu.memory_space<hbm>>
      %dma_wait3A_138 = arith.constant 0 : i32
      %dma_wait3A_139 = tpu.memref_slice %arg8[%dma_wait3A_138] : memref<5120xi32, #tpu.memory_space<vmem>> -> memref<5120xi32, #tpu.memory_space<vmem>>
      %dma_wait3A_140 = tpu.memref_slice %arg3[%dma_wait3A_133, %mul3A_132] : memref<2x320000xi32, #tpu.memory_space<hbm>> -> memref<1x5120xi32, #tpu.memory_space<hbm>>
      %dma_wait3A_141 = tpu.memref_squeeze %dma_wait3A_140 : memref<1x5120xi32, #tpu.memory_space<hbm>> -> memref<5120xi32, #tpu.memory_space<hbm>>
      tpu.wait_dma2 semaphore(%arg12 : memref<!tpu.dma_semaphore, #tpu.memory_space<semaphore_mem>>) src(%dma_wait3A_141 : memref<5120xi32, #tpu.memory_space<hbm>>) dst(%dma_wait3A_139 : memref<5120xi32, #tpu.memory_space<vmem>>)
      %dma_start3A_142 = arith.constant 0 : i32
      %dma_start3A_143 = tpu.memref_slice %arg7[%dma_start3A_142] : memref<5120xi32, #tpu.memory_space<vmem>> -> memref<128xi32, #tpu.memory_space<vmem>>
      %dma_start3A_144 = arith.constant 0 : i32
      %dma_start3A_145 = arith.constant 0 : i32
      %dma_start3A_146 = tpu.memref_slice %arg2[%dma_start3A_144, %dma_start3A_145] : memref<10000x128xf32, #tpu.memory_space<hbm>> -> memref<10000x128xf32, #tpu.memory_space<hbm>>
      tpu.enqueue_indirect_dma source(%dma_start3A_146 : memref<10000x128xf32, #tpu.memory_space<hbm>>) target(%arg9 : memref<128x128xf32, #tpu.memory_space<vmem>>) offsets(%dma_start3A_143 : memref<128xi32, #tpu.memory_space<vmem>>) semaphore(%arg12 : memref<!tpu.dma_semaphore, #tpu.memory_space<semaphore_mem>>)
      %dma_start3A_147 = arith.constant 128 : i32
      %dma_start3A_148 = tpu.memref_slice %arg7[%dma_start3A_147] : memref<5120xi32, #tpu.memory_space<vmem>> -> memref<128xi32, #tpu.memory_space<vmem>>
      %dma_start3A_149 = arith.constant 0 : i32
      %dma_start3A_150 = arith.constant 0 : i32
      %dma_start3A_151 = tpu.memref_slice %arg2[%dma_start3A_149, %dma_start3A_150] : memref<10000x128xf32, #tpu.memory_space<hbm>> -> memref<10000x128xf32, #tpu.memory_space<hbm>>
      tpu.enqueue_indirect_dma source(%dma_start3A_151 : memref<10000x128xf32, #tpu.memory_space<hbm>>) target(%arg10 : memref<128x128xf32, #tpu.memory_space<vmem>>) offsets(%dma_start3A_148 : memref<128xi32, #tpu.memory_space<vmem>>) semaphore(%arg13 : memref<!tpu.dma_semaphore, #tpu.memory_space<semaphore_mem>>)
      %scan3A = arith.constant 0 : i32
      %scan3A_152 = arith.constant 0 : i32
      %scan3A_153 = arith.constant 20 : i32
      %scan3A_154 = arith.addi %scan3A_152, %scan3A_153 : i32
      %scan3A_155 = arith.constant 1 : i32
      scf.for %scan3A_157 = %scan3A_152 to %scan3A_154 step %scan3A_155  : i32 {
        %mul3A_158 = arith.constant 2 : i32
        %mul3A_159 = arith.muli %scan3A_157, %mul3A_158 : i32
        %add3A_160 = arith.constant 0 : i32
        %add3A_161 = arith.addi %mul3A_159, %add3A_160 : i32
        %mul3A_162 = arith.constant 128 : i32
        %mul3A_163 = arith.muli %add3A_161, %mul3A_162 : i32
        %dma_wait3A_164 = tpu.memref_slice %arg7[%mul3A_163] : memref<5120xi32, #tpu.memory_space<vmem>> -> memref<128xi32, #tpu.memory_space<vmem>>
        %dma_wait3A_165 = arith.constant 0 : i32
        %dma_wait3A_166 = arith.constant 0 : i32
        %dma_wait3A_167 = tpu.memref_slice %arg2[%dma_wait3A_165, %dma_wait3A_166] : memref<10000x128xf32, #tpu.memory_space<hbm>> -> memref<10000x128xf32, #tpu.memory_space<hbm>>
        tpu.wait_indirect_dma semaphore(%arg12 : memref<!tpu.dma_semaphore, #tpu.memory_space<semaphore_mem>>) src(%dma_wait3A_167 : memref<10000x128xf32, #tpu.memory_space<hbm>>) dst(%arg9 : memref<128x128xf32, #tpu.memory_space<vmem>>)
        %mul3A_168 = arith.constant 128 : i32
        %mul3A_169 = arith.muli %add3A_161, %mul3A_168 : i32
        "tpu.region"() ({
          %run_scoped3A = tpu.sem_alloc : memref<!tpu.dma_semaphore, #tpu.memory_space<semaphore_mem>>
          %dma_start3A_196 = tpu.memref_slice %arg8[%mul3A_169] : memref<5120xi32, #tpu.memory_space<vmem>> -> memref<128xi32, #tpu.memory_space<vmem>>
          %dma_start3A_197 = arith.constant 0 : i32
          %dma_start3A_198 = arith.constant 0 : i32
          %dma_start3A_199 = tpu.memref_slice %arg11[%dma_start3A_197, %dma_start3A_198] : memref<10000x128xf32, #tpu.memory_space<vmem_shared>> -> memref<10000x128xf32, #tpu.memory_space<vmem_shared>>
          tpu.enqueue_indirect_dma source(%arg9 : memref<128x128xf32, #tpu.memory_space<vmem>>) target(%dma_start3A_199 : memref<10000x128xf32, #tpu.memory_space<vmem_shared>>) offsets(%dma_start3A_196 : memref<128xi32, #tpu.memory_space<vmem>>) semaphore(%run_scoped3A : memref<!tpu.dma_semaphore, #tpu.memory_space<semaphore_mem>>) {add = true}
          %dma_wait3A_200 = tpu.memref_slice %arg8[%mul3A_169] : memref<5120xi32, #tpu.memory_space<vmem>> -> memref<128xi32, #tpu.memory_space<vmem>>
          %dma_wait3A_201 = arith.constant 0 : i32
          %dma_wait3A_202 = arith.constant 0 : i32
          %dma_wait3A_203 = tpu.memref_slice %arg11[%dma_wait3A_201, %dma_wait3A_202] : memref<10000x128xf32, #tpu.memory_space<vmem_shared>> -> memref<10000x128xf32, #tpu.memory_space<vmem_shared>>
          tpu.wait_indirect_dma semaphore(%run_scoped3A : memref<!tpu.dma_semaphore, #tpu.memory_space<semaphore_mem>>) src(%arg9 : memref<128x128xf32, #tpu.memory_space<vmem>>) dst(%dma_wait3A_203 : memref<10000x128xf32, #tpu.memory_space<vmem_shared>>)
          tpu.yield
        }) : () -> ()
        %add3A_170 = arith.constant 2 : i32
        %add3A_171 = arith.addi %add3A_161, %add3A_170 : i32
        %lt3A_172 = arith.constant 40 : i32
        %lt3A_173 = arith.cmpi slt, %add3A_171, %lt3A_172 : i32
        %convert_element_type3A_174 = arith.extui %lt3A_173 : i1 to i32
        %cond3A_175 = arith.constant 0 : i32
        %cond3A_176 = arith.cmpi ne, %convert_element_type3A_174, %cond3A_175 : i32
        scf.if %cond3A_176 {
          %add3A_196 = arith.constant 2 : i32
          %add3A_197 = arith.addi %add3A_161, %add3A_196 : i32
          %mul3A_198 = arith.constant 128 : i32
          %mul3A_199 = arith.muli %add3A_197, %mul3A_198 : i32
          %dma_start3A_200 = tpu.memref_slice %arg7[%mul3A_199] : memref<5120xi32, #tpu.memory_space<vmem>> -> memref<128xi32, #tpu.memory_space<vmem>>
          %dma_start3A_201 = arith.constant 0 : i32
          %dma_start3A_202 = arith.constant 0 : i32
          %dma_start3A_203 = tpu.memref_slice %arg2[%dma_start3A_201, %dma_start3A_202] : memref<10000x128xf32, #tpu.memory_space<hbm>> -> memref<10000x128xf32, #tpu.memory_space<hbm>>
          tpu.enqueue_indirect_dma source(%dma_start3A_203 : memref<10000x128xf32, #tpu.memory_space<hbm>>) target(%arg9 : memref<128x128xf32, #tpu.memory_space<vmem>>) offsets(%dma_start3A_200 : memref<128xi32, #tpu.memory_space<vmem>>) semaphore(%arg12 : memref<!tpu.dma_semaphore, #tpu.memory_space<semaphore_mem>>)
        } else {
        }
        %mul3A_177 = arith.constant 2 : i32
        %mul3A_178 = arith.muli %scan3A_157, %mul3A_177 : i32
        %add3A_179 = arith.constant 1 : i32
        %add3A_180 = arith.addi %mul3A_178, %add3A_179 : i32
        %mul3A_181 = arith.constant 128 : i32
        %mul3A_182 = arith.muli %add3A_180, %mul3A_181 : i32
        %dma_wait3A_183 = tpu.memref_slice %arg7[%mul3A_182] : memref<5120xi32, #tpu.memory_space<vmem>> -> memref<128xi32, #tpu.memory_space<vmem>>
        %dma_wait3A_184 = arith.constant 0 : i32
        %dma_wait3A_185 = arith.constant 0 : i32
        %dma_wait3A_186 = tpu.memref_slice %arg2[%dma_wait3A_184, %dma_wait3A_185] : memref<10000x128xf32, #tpu.memory_space<hbm>> -> memref<10000x128xf32, #tpu.memory_space<hbm>>
        tpu.wait_indirect_dma semaphore(%arg13 : memref<!tpu.dma_semaphore, #tpu.memory_space<semaphore_mem>>) src(%dma_wait3A_186 : memref<10000x128xf32, #tpu.memory_space<hbm>>) dst(%arg10 : memref<128x128xf32, #tpu.memory_space<vmem>>)
        %mul3A_187 = arith.constant 128 : i32
        %mul3A_188 = arith.muli %add3A_180, %mul3A_187 : i32
        "tpu.region"() ({
          %run_scoped3A = tpu.sem_alloc : memref<!tpu.dma_semaphore, #tpu.memory_space<semaphore_mem>>
          %dma_start3A_196 = tpu.memref_slice %arg8[%mul3A_188] : memref<5120xi32, #tpu.memory_space<vmem>> -> memref<128xi32, #tpu.memory_space<vmem>>
          %dma_start3A_197 = arith.constant 0 : i32
          %dma_start3A_198 = arith.constant 0 : i32
          %dma_start3A_199 = tpu.memref_slice %arg11[%dma_start3A_197, %dma_start3A_198] : memref<10000x128xf32, #tpu.memory_space<vmem_shared>> -> memref<10000x128xf32, #tpu.memory_space<vmem_shared>>
          tpu.enqueue_indirect_dma source(%arg10 : memref<128x128xf32, #tpu.memory_space<vmem>>) target(%dma_start3A_199 : memref<10000x128xf32, #tpu.memory_space<vmem_shared>>) offsets(%dma_start3A_196 : memref<128xi32, #tpu.memory_space<vmem>>) semaphore(%run_scoped3A : memref<!tpu.dma_semaphore, #tpu.memory_space<semaphore_mem>>) {add = true}
          %dma_wait3A_200 = tpu.memref_slice %arg8[%mul3A_188] : memref<5120xi32, #tpu.memory_space<vmem>> -> memref<128xi32, #tpu.memory_space<vmem>>
          %dma_wait3A_201 = arith.constant 0 : i32
          %dma_wait3A_202 = arith.constant 0 : i32
          %dma_wait3A_203 = tpu.memref_slice %arg11[%dma_wait3A_201, %dma_wait3A_202] : memref<10000x128xf32, #tpu.memory_space<vmem_shared>> -> memref<10000x128xf32, #tpu.memory_space<vmem_shared>>
          tpu.wait_indirect_dma semaphore(%run_scoped3A : memref<!tpu.dma_semaphore, #tpu.memory_space<semaphore_mem>>) src(%arg10 : memref<128x128xf32, #tpu.memory_space<vmem>>) dst(%dma_wait3A_203 : memref<10000x128xf32, #tpu.memory_space<vmem_shared>>)
          tpu.yield
        }) : () -> ()
        %add3A_189 = arith.constant 2 : i32
        %add3A_190 = arith.addi %add3A_180, %add3A_189 : i32
        %lt3A_191 = arith.constant 40 : i32
        %lt3A_192 = arith.cmpi slt, %add3A_190, %lt3A_191 : i32
        %convert_element_type3A_193 = arith.extui %lt3A_192 : i1 to i32
        %cond3A_194 = arith.constant 0 : i32
        %cond3A_195 = arith.cmpi ne, %convert_element_type3A_193, %cond3A_194 : i32
        scf.if %cond3A_195 {
          %add3A_196 = arith.constant 2 : i32
          %add3A_197 = arith.addi %add3A_180, %add3A_196 : i32
          %mul3A_198 = arith.constant 128 : i32
          %mul3A_199 = arith.muli %add3A_197, %mul3A_198 : i32
          %dma_start3A_200 = tpu.memref_slice %arg7[%mul3A_199] : memref<5120xi32, #tpu.memory_space<vmem>> -> memref<128xi32, #tpu.memory_space<vmem>>
          %dma_start3A_201 = arith.constant 0 : i32
          %dma_start3A_202 = arith.constant 0 : i32
          %dma_start3A_203 = tpu.memref_slice %arg2[%dma_start3A_201, %dma_start3A_202] : memref<10000x128xf32, #tpu.memory_space<hbm>> -> memref<10000x128xf32, #tpu.memory_space<hbm>>
          tpu.enqueue_indirect_dma source(%dma_start3A_203 : memref<10000x128xf32, #tpu.memory_space<hbm>>) target(%arg10 : memref<128x128xf32, #tpu.memory_space<vmem>>) offsets(%dma_start3A_200 : memref<128xi32, #tpu.memory_space<vmem>>) semaphore(%arg13 : memref<!tpu.dma_semaphore, #tpu.memory_space<semaphore_mem>>)
        } else {
        }
      }
      %scan3A_156 = arith.constant 20 : i32
    } else {
    }
    %barrier3A_63 = arith.constant 0 : index
    tpu.barrier barrier_id(%barrier3A_63)
    %eq3A_64 = arith.constant 0 : i32
    %eq3A_65 = arith.cmpi eq, %arg0, %eq3A_64 : i32
    %lt3A_66 = arith.constant 15 : i32
    %lt3A_67 = arith.cmpi slt, %arg1, %lt3A_66 : i32
    %and3A = arith.andi %eq3A_65, %lt3A_67 : i1
    %convert_element_type3A_68 = arith.extui %and3A : i1 to i32
    %cond3A_69 = arith.constant 0 : i32
    %cond3A_70 = arith.cmpi ne, %convert_element_type3A_68, %cond3A_69 : i32
    scf.if %cond3A_70 {
      %mul3A_95 = arith.constant 640 : i32
      %mul3A_96 = arith.muli %arg1, %mul3A_95 : i32
      "tpu.region"() ({
        %run_scoped3A = tpu.sem_alloc : memref<!tpu.dma_semaphore, #tpu.memory_space<semaphore_mem>>
        %dma_start3A_97 = arith.constant 0 : i32
        %dma_start3A_98 = tpu.memref_slice %arg5[%mul3A_96, %dma_start3A_97] : memref<10000x128xf32, #tpu.memory_space<hbm>> -> memref<640x128xf32, #tpu.memory_space<hbm>>
        %dma_start3A_99 = arith.constant 0 : i32
        %dma_start3A_100 = tpu.memref_slice %arg11[%mul3A_96, %dma_start3A_99] : memref<10000x128xf32, #tpu.memory_space<vmem_shared>> -> memref<640x128xf32, #tpu.memory_space<vmem_shared>>
        tpu.enqueue_dma source(%dma_start3A_100 : memref<640x128xf32, #tpu.memory_space<vmem_shared>>) target(%dma_start3A_98 : memref<640x128xf32, #tpu.memory_space<hbm>>) target_semaphore(%run_scoped3A : memref<!tpu.dma_semaphore, #tpu.memory_space<semaphore_mem>>)
        %dma_wait3A = arith.constant 0 : i32
        %dma_wait3A_101 = tpu.memref_slice %arg5[%mul3A_96, %dma_wait3A] : memref<10000x128xf32, #tpu.memory_space<hbm>> -> memref<640x128xf32, #tpu.memory_space<hbm>>
        %dma_wait3A_102 = arith.constant 0 : i32
        %dma_wait3A_103 = tpu.memref_slice %arg11[%mul3A_96, %dma_wait3A_102] : memref<10000x128xf32, #tpu.memory_space<vmem_shared>> -> memref<640x128xf32, #tpu.memory_space<vmem_shared>>
        tpu.wait_dma2 semaphore(%run_scoped3A : memref<!tpu.dma_semaphore, #tpu.memory_space<semaphore_mem>>) src(%dma_wait3A_103 : memref<640x128xf32, #tpu.memory_space<vmem_shared>>) dst(%dma_wait3A_101 : memref<640x128xf32, #tpu.memory_space<hbm>>)
        tpu.yield
      }) : () -> ()
    } else {
    }
    %eq3A_71 = arith.constant 0 : i32
    %eq3A_72 = arith.cmpi eq, %arg0, %eq3A_71 : i32
    %eq3A_73 = arith.constant 15 : i32
    %eq3A_74 = arith.cmpi eq, %arg1, %eq3A_73 : i32
    %and3A_75 = arith.andi %eq3A_72, %eq3A_74 : i1
    %convert_element_type3A_76 = arith.extui %and3A_75 : i1 to i32
    %cond3A_77 = arith.constant 0 : i32
    %cond3A_78 = arith.cmpi ne, %convert_element_type3A_76, %cond3A_77 : i32
    scf.if %cond3A_78 {
      "tpu.region"() ({
        %run_scoped3A = tpu.sem_alloc : memref<!tpu.dma_semaphore, #tpu.memory_space<semaphore_mem>>
        %dma_start3A_95 = arith.constant 9600 : i32
        %dma_start3A_96 = arith.constant 0 : i32
        %dma_start3A_97 = tpu.memref_slice %arg5[%dma_start3A_95, %dma_start3A_96] : memref<10000x128xf32, #tpu.memory_space<hbm>> -> memref<400x128xf32, #tpu.memory_space<hbm>>
        %dma_start3A_98 = arith.constant 9600 : i32
        %dma_start3A_99 = arith.constant 0 : i32
        %dma_start3A_100 = tpu.memref_slice %arg11[%dma_start3A_98, %dma_start3A_99] : memref<10000x128xf32, #tpu.memory_space<vmem_shared>> -> memref<400x128xf32, #tpu.memory_space<vmem_shared>>
        tpu.enqueue_dma source(%dma_start3A_100 : memref<400x128xf32, #tpu.memory_space<vmem_shared>>) target(%dma_start3A_97 : memref<400x128xf32, #tpu.memory_space<hbm>>) target_semaphore(%run_scoped3A : memref<!tpu.dma_semaphore, #tpu.memory_space<semaphore_mem>>)
        %dma_wait3A = arith.constant 9600 : i32
        %dma_wait3A_101 = arith.constant 0 : i32
        %dma_wait3A_102 = tpu.memref_slice %arg5[%dma_wait3A, %dma_wait3A_101] : memref<10000x128xf32, #tpu.memory_space<hbm>> -> memref<400x128xf32, #tpu.memory_space<hbm>>
        %dma_wait3A_103 = arith.constant 9600 : i32
        %dma_wait3A_104 = arith.constant 0 : i32
        %dma_wait3A_105 = tpu.memref_slice %arg11[%dma_wait3A_103, %dma_wait3A_104] : memref<10000x128xf32, #tpu.memory_space<vmem_shared>> -> memref<400x128xf32, #tpu.memory_space<vmem_shared>>
        tpu.wait_dma2 semaphore(%run_scoped3A : memref<!tpu.dma_semaphore, #tpu.memory_space<semaphore_mem>>) src(%dma_wait3A_105 : memref<400x128xf32, #tpu.memory_space<vmem_shared>>) dst(%dma_wait3A_102 : memref<400x128xf32, #tpu.memory_space<hbm>>)
        tpu.yield
      }) : () -> ()
    } else {
    }
    %eq3A_79 = arith.constant 1 : i32
    %eq3A_80 = arith.cmpi eq, %arg0, %eq3A_79 : i32
    %lt3A_81 = arith.constant 15 : i32
    %lt3A_82 = arith.cmpi slt, %arg1, %lt3A_81 : i32
    %and3A_83 = arith.andi %eq3A_80, %lt3A_82 : i1
    %convert_element_type3A_84 = arith.extui %and3A_83 : i1 to i32
    %cond3A_85 = arith.constant 0 : i32
    %cond3A_86 = arith.cmpi ne, %convert_element_type3A_84, %cond3A_85 : i32
    scf.if %cond3A_86 {
      %mul3A_95 = arith.constant 640 : i32
      %mul3A_96 = arith.muli %arg1, %mul3A_95 : i32
      "tpu.region"() ({
        %run_scoped3A = tpu.sem_alloc : memref<!tpu.dma_semaphore, #tpu.memory_space<semaphore_mem>>
        %dma_start3A_97 = arith.constant 0 : i32
        %dma_start3A_98 = tpu.memref_slice %arg6[%mul3A_96, %dma_start3A_97] : memref<10000x128xf32, #tpu.memory_space<hbm>> -> memref<640x128xf32, #tpu.memory_space<hbm>>
        %dma_start3A_99 = arith.constant 0 : i32
        %dma_start3A_100 = tpu.memref_slice %arg11[%mul3A_96, %dma_start3A_99] : memref<10000x128xf32, #tpu.memory_space<vmem_shared>> -> memref<640x128xf32, #tpu.memory_space<vmem_shared>>
        tpu.enqueue_dma source(%dma_start3A_100 : memref<640x128xf32, #tpu.memory_space<vmem_shared>>) target(%dma_start3A_98 : memref<640x128xf32, #tpu.memory_space<hbm>>) target_semaphore(%run_scoped3A : memref<!tpu.dma_semaphore, #tpu.memory_space<semaphore_mem>>)
        %dma_wait3A = arith.constant 0 : i32
        %dma_wait3A_101 = tpu.memref_slice %arg6[%mul3A_96, %dma_wait3A] : memref<10000x128xf32, #tpu.memory_space<hbm>> -> memref<640x128xf32, #tpu.memory_space<hbm>>
        %dma_wait3A_102 = arith.constant 0 : i32
        %dma_wait3A_103 = tpu.memref_slice %arg11[%mul3A_96, %dma_wait3A_102] : memref<10000x128xf32, #tpu.memory_space<vmem_shared>> -> memref<640x128xf32, #tpu.memory_space<vmem_shared>>
        tpu.wait_dma2 semaphore(%run_scoped3A : memref<!tpu.dma_semaphore, #tpu.memory_space<semaphore_mem>>) src(%dma_wait3A_103 : memref<640x128xf32, #tpu.memory_space<vmem_shared>>) dst(%dma_wait3A_101 : memref<640x128xf32, #tpu.memory_space<hbm>>)
        tpu.yield
      }) : () -> ()
    } else {
    }
    %eq3A_87 = arith.constant 1 : i32
    %eq3A_88 = arith.cmpi eq, %arg0, %eq3A_87 : i32
    %eq3A_89 = arith.constant 15 : i32
    %eq3A_90 = arith.cmpi eq, %arg1, %eq3A_89 : i32
    %and3A_91 = arith.andi %eq3A_88, %eq3A_90 : i1
    %convert_element_type3A_92 = arith.extui %and3A_91 : i1 to i32
    %cond3A_93 = arith.constant 0 : i32
    %cond3A_94 = arith.cmpi ne, %convert_element_type3A_92, %cond3A_93 : i32
    scf.if %cond3A_94 {
      "tpu.region"() ({
        %run_scoped3A = tpu.sem_alloc : memref<!tpu.dma_semaphore, #tpu.memory_space<semaphore_mem>>
        %dma_start3A_95 = arith.constant 9600 : i32
        %dma_start3A_96 = arith.constant 0 : i32
        %dma_start3A_97 = tpu.memref_slice %arg6[%dma_start3A_95, %dma_start3A_96] : memref<10000x128xf32, #tpu.memory_space<hbm>> -> memref<400x128xf32, #tpu.memory_space<hbm>>
        %dma_start3A_98 = arith.constant 9600 : i32
        %dma_start3A_99 = arith.constant 0 : i32
        %dma_start3A_100 = tpu.memref_slice %arg11[%dma_start3A_98, %dma_start3A_99] : memref<10000x128xf32, #tpu.memory_space<vmem_shared>> -> memref<400x128xf32, #tpu.memory_space<vmem_shared>>
        tpu.enqueue_dma source(%dma_start3A_100 : memref<400x128xf32, #tpu.memory_space<vmem_shared>>) target(%dma_start3A_97 : memref<400x128xf32, #tpu.memory_space<hbm>>) target_semaphore(%run_scoped3A : memref<!tpu.dma_semaphore, #tpu.memory_space<semaphore_mem>>)
        %dma_wait3A = arith.constant 9600 : i32
        %dma_wait3A_101 = arith.constant 0 : i32
        %dma_wait3A_102 = tpu.memref_slice %arg6[%dma_wait3A, %dma_wait3A_101] : memref<10000x128xf32, #tpu.memory_space<hbm>> -> memref<400x128xf32, #tpu.memory_space<hbm>>
        %dma_wait3A_103 = arith.constant 9600 : i32
        %dma_wait3A_104 = arith.constant 0 : i32
        %dma_wait3A_105 = tpu.memref_slice %arg11[%dma_wait3A_103, %dma_wait3A_104] : memref<10000x128xf32, #tpu.memory_space<vmem_shared>> -> memref<400x128xf32, #tpu.memory_space<vmem_shared>>
        tpu.wait_dma2 semaphore(%run_scoped3A : memref<!tpu.dma_semaphore, #tpu.memory_space<semaphore_mem>>) src(%dma_wait3A_105 : memref<400x128xf32, #tpu.memory_space<vmem_shared>>) dst(%dma_wait3A_102 : memref<400x128xf32, #tpu.memory_space<hbm>>)
        tpu.yield
      }) : () -> ()
    } else {
    }
    return
  }
}

#map = affine_map<(d0, d1) -> (0, 0)>
module attributes {stable_mosaic.version = 14 : i64} {
  func.func @k(%arg0: i32, %arg1: i32, %arg2: memref<10000x128xf32, #tpu.memory_space<hbm>>, %arg3: memref<2x320000xi32, #tpu.memory_space<hbm>>, %arg4: memref<640x128xf32, #tpu.memory_space<hbm>>, %arg5: memref<10000x128xf32, #tpu.memory_space<hbm>>, %arg6: memref<10000x128xf32, #tpu.memory_space<hbm>>, %arg7: memref<5120xi32, #tpu.memory_space<vmem>>, %arg8: memref<5120xi32, #tpu.memory_space<vmem>>, %arg9: memref<128x128xf32, #tpu.memory_space<vmem>>, %arg10: memref<128x128xf32, #tpu.memory_space<vmem>>, %arg11: memref<10000x128xf32, #tpu.memory_space<vmem_shared>>, %arg12: memref<!tpu.dma_semaphore, #tpu.memory_space<semaphore_mem>>, %arg13: memref<!tpu.dma_semaphore, #tpu.memory_space<semaphore_mem>>) attributes {dimension_semantics = [#tpu.dimension_semantics<core_parallel>, #tpu.dimension_semantics<subcore_parallel>], iteration_bounds = array<i64: 2, 16>, scalar_prefetch = 0 : i64, scratch_operands = 7 : i64, tpu.core_type = #tpu.core_type<sc_vector_subcore>, window_params = [{transform_indices = #map}, {transform_indices = #map}, {transform_indices = #map}, {transform_indices = #map}, {transform_indices = #map}]} {
    %mul3A = arith.constant 16 : i32
    %mul3A_0 = arith.muli %arg0, %mul3A : i32
    %add3A = arith.addi %mul3A_0, %arg1 : i32
    %eq3A = arith.constant 31 : i32
    %eq3A_1 = arith.cmpi eq, %add3A, %eq3A : i32
    %lt3A = arith.constant 15 : i32
    %lt3A_2 = arith.cmpi slt, %arg1, %lt3A : i32
    %convert_element_type3A = arith.extui %lt3A_2 : i1 to i32
    %cond3A = arith.constant 0 : i32
    %cond3A_3 = arith.cmpi ne, %convert_element_type3A, %cond3A : i32
    scf.if %cond3A_3 {
      %mul3A_95 = arith.constant 640 : i32
      %mul3A_96 = arith.muli %arg1, %mul3A_95 : i32
      %dma_start3A_97 = arith.constant 0 : i32
      %dma_start3A_98 = tpu.memref_slice %arg11[%mul3A_96, %dma_start3A_97] : memref<10000x128xf32, #tpu.memory_space<vmem_shared>> -> memref<640x128xf32, #tpu.memory_space<vmem_shared>>
      tpu.enqueue_dma source(%arg4 : memref<640x128xf32, #tpu.memory_space<hbm>>) target(%dma_start3A_98 : memref<640x128xf32, #tpu.memory_space<vmem_shared>>) target_semaphore(%arg12 : memref<!tpu.dma_semaphore, #tpu.memory_space<semaphore_mem>>)
    } else {
    }
    %eq3A_4 = arith.constant 15 : i32
    %eq3A_5 = arith.cmpi eq, %arg1, %eq3A_4 : i32
    %convert_element_type3A_6 = arith.extui %eq3A_5 : i1 to i32
    %cond3A_7 = arith.constant 0 : i32
    %cond3A_8 = arith.cmpi ne, %convert_element_type3A_6, %cond3A_7 : i32
    scf.if %cond3A_8 {
      %dma_start3A_95 = arith.constant 9600 : i32
      %dma_start3A_96 = arith.constant 0 : i32
      %dma_start3A_97 = tpu.memref_slice %arg11[%dma_start3A_95, %dma_start3A_96] : memref<10000x128xf32, #tpu.memory_space<vmem_shared>> -> memref<400x128xf32, #tpu.memory_space<vmem_shared>>
      %dma_start3A_98 = arith.constant 0 : i32
      %dma_start3A_99 = arith.constant 0 : i32
      %dma_start3A_100 = tpu.memref_slice %arg4[%dma_start3A_98, %dma_start3A_99] : memref<640x128xf32, #tpu.memory_space<hbm>> -> memref<400x128xf32, #tpu.memory_space<hbm>>
      tpu.enqueue_dma source(%dma_start3A_100 : memref<400x128xf32, #tpu.memory_space<hbm>>) target(%dma_start3A_97 : memref<400x128xf32, #tpu.memory_space<vmem_shared>>) target_semaphore(%arg12 : memref<!tpu.dma_semaphore, #tpu.memory_space<semaphore_mem>>)
    } else {
    }
    %mul3A_9 = arith.constant 80 : i32
    %mul3A_10 = arith.muli %add3A, %mul3A_9 : i32
    %convert_element_type3A_11 = arith.extui %eq3A_1 : i1 to i32
    %cond3A_12 = arith.constant 0 : i32
    %cond3A_13 = arith.cmpi ne, %convert_element_type3A_11, %cond3A_12 : i32
    scf.if %cond3A_13 {
      %dma_start3A_95 = arith.constant 0 : i32
      %dma_start3A_96 = arith.constant 0 : i32
      %dma_start3A_97 = tpu.memref_slice %arg7[%dma_start3A_96] : memref<5120xi32, #tpu.memory_space<vmem>> -> memref<2560xi32, #tpu.memory_space<vmem>>
      %dma_start3A_98 = arith.constant 317440 : i32
      %dma_start3A_99 = tpu.memref_slice %arg3[%dma_start3A_95, %dma_start3A_98] : memref<2x320000xi32, #tpu.memory_space<hbm>> -> memref<1x2560xi32, #tpu.memory_space<hbm>>
      %dma_start3A_100 = tpu.memref_squeeze %dma_start3A_99 : memref<1x2560xi32, #tpu.memory_space<hbm>> -> memref<2560xi32, #tpu.memory_space<hbm>>
      %dma_start3A_101 = arith.constant 0 : i32
      %dma_start3A_102 = tpu.memref_slice %arg7[%dma_start3A_101] : memref<5120xi32, #tpu.memory_space<vmem>> -> memref<2560xi32, #tpu.memory_space<vmem>>
      %dma_start3A_103 = arith.constant 317440 : i32
      %dma_start3A_104 = tpu.memref_slice %arg3[%dma_start3A_95, %dma_start3A_103] : memref<2x320000xi32, #tpu.memory_space<hbm>> -> memref<1x2560xi32, #tpu.memory_space<hbm>>
      %dma_start3A_105 = tpu.memref_squeeze %dma_start3A_104 : memref<1x2560xi32, #tpu.memory_space<hbm>> -> memref<2560xi32, #tpu.memory_space<hbm>>
      tpu.enqueue_dma source(%dma_start3A_105 : memref<2560xi32, #tpu.memory_space<hbm>>) target(%dma_start3A_102 : memref<2560xi32, #tpu.memory_space<vmem>>) target_semaphore(%arg13 : memref<!tpu.dma_semaphore, #tpu.memory_space<semaphore_mem>>)
      %dma_start3A_106 = arith.constant 1 : i32
      %dma_start3A_107 = arith.constant 0 : i32
      %dma_start3A_108 = tpu.memref_slice %arg8[%dma_start3A_107] : memref<5120xi32, #tpu.memory_space<vmem>> -> memref<2560xi32, #tpu.memory_space<vmem>>
      %dma_start3A_109 = arith.constant 317440 : i32
      %dma_start3A_110 = tpu.memref_slice %arg3[%dma_start3A_106, %dma_start3A_109] : memref<2x320000xi32, #tpu.memory_space<hbm>> -> memref<1x2560xi32, #tpu.memory_space<hbm>>
      %dma_start3A_111 = tpu.memref_squeeze %dma_start3A_110 : memref<1x2560xi32, #tpu.memory_space<hbm>> -> memref<2560xi32, #tpu.memory_space<hbm>>
      %dma_start3A_112 = arith.constant 0 : i32
      %dma_start3A_113 = tpu.memref_slice %arg8[%dma_start3A_112] : memref<5120xi32, #tpu.memory_space<vmem>> -> memref<2560xi32, #tpu.memory_space<vmem>>
      %dma_start3A_114 = arith.constant 317440 : i32
      %dma_start3A_115 = tpu.memref_slice %arg3[%dma_start3A_106, %dma_start3A_114] : memref<2x320000xi32, #tpu.memory_space<hbm>> -> memref<1x2560xi32, #tpu.memory_space<hbm>>
      %dma_start3A_116 = tpu.memref_squeeze %dma_start3A_115 : memref<1x2560xi32, #tpu.memory_space<hbm>> -> memref<2560xi32, #tpu.memory_space<hbm>>
      tpu.enqueue_dma source(%dma_start3A_116 : memref<2560xi32, #tpu.memory_space<hbm>>) target(%dma_start3A_113 : memref<2560xi32, #tpu.memory_space<vmem>>) target_semaphore(%arg12 : memref<!tpu.dma_semaphore, #tpu.memory_space<semaphore_mem>>)
    } else {
    }
    %not3A = arith.constant true
    %not3A_14 = arith.xori %eq3A_1, %not3A : i1
    %convert_element_type3A_15 = arith.extui %not3A_14 : i1 to i32
    %cond3A_16 = arith.constant 0 : i32
    %cond3A_17 = arith.cmpi ne, %convert_element_type3A_15, %cond3A_16 : i32
    scf.if %cond3A_17 {
      %mul3A_95 = arith.constant 128 : i32
      %mul3A_96 = arith.muli %mul3A_10, %mul3A_95 : i32
      %dma_start3A_97 = arith.constant 0 : i32
      %dma_start3A_98 = arith.constant 0 : i32
      %dma_start3A_99 = tpu.memref_slice %arg7[%dma_start3A_98] : memref<5120xi32, #tpu.memory_space<vmem>> -> memref<5120xi32, #tpu.memory_space<vmem>>
      %dma_start3A_100 = tpu.memref_slice %arg3[%dma_start3A_97, %mul3A_96] : memref<2x320000xi32, #tpu.memory_space<hbm>> -> memref<1x5120xi32, #tpu.memory_space<hbm>>
      %dma_start3A_101 = tpu.memref_squeeze %dma_start3A_100 : memref<1x5120xi32, #tpu.memory_space<hbm>> -> memref<5120xi32, #tpu.memory_space<hbm>>
      %dma_start3A_102 = arith.constant 0 : i32
      %dma_start3A_103 = tpu.memref_slice %arg7[%dma_start3A_102] : memref<5120xi32, #tpu.memory_space<vmem>> -> memref<5120xi32, #tpu.memory_space<vmem>>
      %dma_start3A_104 = tpu.memref_slice %arg3[%dma_start3A_97, %mul3A_96] : memref<2x320000xi32, #tpu.memory_space<hbm>> -> memref<1x5120xi32, #tpu.memory_space<hbm>>
      %dma_start3A_105 = tpu.memref_squeeze %dma_start3A_104 : memref<1x5120xi32, #tpu.memory_space<hbm>> -> memref<5120xi32, #tpu.memory_space<hbm>>
      tpu.enqueue_dma source(%dma_start3A_105 : memref<5120xi32, #tpu.memory_space<hbm>>) target(%dma_start3A_103 : memref<5120xi32, #tpu.memory_space<vmem>>) target_semaphore(%arg13 : memref<!tpu.dma_semaphore, #tpu.memory_space<semaphore_mem>>)
      %mul3A_106 = arith.constant 128 : i32
      %mul3A_107 = arith.muli %mul3A_10, %mul3A_106 : i32
      %dma_start3A_108 = arith.constant 1 : i32
      %dma_start3A_109 = arith.constant 0 : i32
      %dma_start3A_110 = tpu.memref_slice %arg8[%dma_start3A_109] : memref<5120xi32, #tpu.memory_space<vmem>> -> memref<5120xi32, #tpu.memory_space<vmem>>
      %dma_start3A_111 = tpu.memref_slice %arg3[%dma_start3A_108, %mul3A_107] : memref<2x320000xi32, #tpu.memory_space<hbm>> -> memref<1x5120xi32, #tpu.memory_space<hbm>>
      %dma_start3A_112 = tpu.memref_squeeze %dma_start3A_111 : memref<1x5120xi32, #tpu.memory_space<hbm>> -> memref<5120xi32, #tpu.memory_space<hbm>>
      %dma_start3A_113 = arith.constant 0 : i32
      %dma_start3A_114 = tpu.memref_slice %arg8[%dma_start3A_113] : memref<5120xi32, #tpu.memory_space<vmem>> -> memref<5120xi32, #tpu.memory_space<vmem>>
      %dma_start3A_115 = tpu.memref_slice %arg3[%dma_start3A_108, %mul3A_107] : memref<2x320000xi32, #tpu.memory_space<hbm>> -> memref<1x5120xi32, #tpu.memory_space<hbm>>
      %dma_start3A_116 = tpu.memref_squeeze %dma_start3A_115 : memref<1x5120xi32, #tpu.memory_space<hbm>> -> memref<5120xi32, #tpu.memory_space<hbm>>
      tpu.enqueue_dma source(%dma_start3A_116 : memref<5120xi32, #tpu.memory_space<hbm>>) target(%dma_start3A_114 : memref<5120xi32, #tpu.memory_space<vmem>>) target_semaphore(%arg12 : memref<!tpu.dma_semaphore, #tpu.memory_space<semaphore_mem>>)
    } else {
    }
    %lt3A_18 = arith.constant 15 : i32
    %lt3A_19 = arith.cmpi slt, %arg1, %lt3A_18 : i32
    %convert_element_type3A_20 = arith.extui %lt3A_19 : i1 to i32
    %cond3A_21 = arith.constant 0 : i32
    %cond3A_22 = arith.cmpi ne, %convert_element_type3A_20, %cond3A_21 : i32
    scf.if %cond3A_22 {
      %mul3A_95 = arith.constant 640 : i32
      %mul3A_96 = arith.muli %arg1, %mul3A_95 : i32
      %dma_wait3A = arith.constant 0 : i32
      %dma_wait3A_97 = tpu.memref_slice %arg11[%mul3A_96, %dma_wait3A] : memref<10000x128xf32, #tpu.memory_space<vmem_shared>> -> memref<640x128xf32, #tpu.memory_space<vmem_shared>>
      tpu.wait_dma2 semaphore(%arg12 : memref<!tpu.dma_semaphore, #tpu.memory_space<semaphore_mem>>) src(%arg4 : memref<640x128xf32, #tpu.memory_space<hbm>>) dst(%dma_wait3A_97 : memref<640x128xf32, #tpu.memory_space<vmem_shared>>)
    } else {
    }
    %eq3A_23 = arith.constant 15 : i32
    %eq3A_24 = arith.cmpi eq, %arg1, %eq3A_23 : i32
    %convert_element_type3A_25 = arith.extui %eq3A_24 : i1 to i32
    %cond3A_26 = arith.constant 0 : i32
    %cond3A_27 = arith.cmpi ne, %convert_element_type3A_25, %cond3A_26 : i32
    scf.if %cond3A_27 {
      %dma_wait3A = arith.constant 9600 : i32
      %dma_wait3A_95 = arith.constant 0 : i32
      %dma_wait3A_96 = tpu.memref_slice %arg11[%dma_wait3A, %dma_wait3A_95] : memref<10000x128xf32, #tpu.memory_space<vmem_shared>> -> memref<400x128xf32, #tpu.memory_space<vmem_shared>>
      %dma_wait3A_97 = arith.constant 0 : i32
      %dma_wait3A_98 = arith.constant 0 : i32
      %dma_wait3A_99 = tpu.memref_slice %arg4[%dma_wait3A_97, %dma_wait3A_98] : memref<640x128xf32, #tpu.memory_space<hbm>> -> memref<400x128xf32, #tpu.memory_space<hbm>>
      tpu.wait_dma2 semaphore(%arg12 : memref<!tpu.dma_semaphore, #tpu.memory_space<semaphore_mem>>) src(%dma_wait3A_99 : memref<400x128xf32, #tpu.memory_space<hbm>>) dst(%dma_wait3A_96 : memref<400x128xf32, #tpu.memory_space<vmem_shared>>)
    } else {
    }
    %barrier3A = arith.constant 0 : index
    tpu.barrier barrier_id(%barrier3A)
    %convert_element_type3A_28 = arith.extui %eq3A_1 : i1 to i32
    %cond3A_29 = arith.constant 0 : i32
    %cond3A_30 = arith.cmpi ne, %convert_element_type3A_28, %cond3A_29 : i32
    scf.if %cond3A_30 {
      %dma_wait3A = arith.constant 0 : i32
      %dma_wait3A_95 = arith.constant 0 : i32
      %dma_wait3A_96 = tpu.memref_slice %arg7[%dma_wait3A_95] : memref<5120xi32, #tpu.memory_space<vmem>> -> memref<2560xi32, #tpu.memory_space<vmem>>
      %dma_wait3A_97 = arith.constant 317440 : i32
      %dma_wait3A_98 = tpu.memref_slice %arg3[%dma_wait3A, %dma_wait3A_97] : memref<2x320000xi32, #tpu.memory_space<hbm>> -> memref<1x2560xi32, #tpu.memory_space<hbm>>
      %dma_wait3A_99 = tpu.memref_squeeze %dma_wait3A_98 : memref<1x2560xi32, #tpu.memory_space<hbm>> -> memref<2560xi32, #tpu.memory_space<hbm>>
      %dma_wait3A_100 = arith.constant 0 : i32
      %dma_wait3A_101 = tpu.memref_slice %arg7[%dma_wait3A_100] : memref<5120xi32, #tpu.memory_space<vmem>> -> memref<2560xi32, #tpu.memory_space<vmem>>
      %dma_wait3A_102 = arith.constant 317440 : i32
      %dma_wait3A_103 = tpu.memref_slice %arg3[%dma_wait3A, %dma_wait3A_102] : memref<2x320000xi32, #tpu.memory_space<hbm>> -> memref<1x2560xi32, #tpu.memory_space<hbm>>
      %dma_wait3A_104 = tpu.memref_squeeze %dma_wait3A_103 : memref<1x2560xi32, #tpu.memory_space<hbm>> -> memref<2560xi32, #tpu.memory_space<hbm>>
      tpu.wait_dma2 semaphore(%arg13 : memref<!tpu.dma_semaphore, #tpu.memory_space<semaphore_mem>>) src(%dma_wait3A_104 : memref<2560xi32, #tpu.memory_space<hbm>>) dst(%dma_wait3A_101 : memref<2560xi32, #tpu.memory_space<vmem>>)
      %dma_wait3A_105 = arith.constant 1 : i32
      %dma_wait3A_106 = arith.constant 0 : i32
      %dma_wait3A_107 = tpu.memref_slice %arg8[%dma_wait3A_106] : memref<5120xi32, #tpu.memory_space<vmem>> -> memref<2560xi32, #tpu.memory_space<vmem>>
      %dma_wait3A_108 = arith.constant 317440 : i32
      %dma_wait3A_109 = tpu.memref_slice %arg3[%dma_wait3A_105, %dma_wait3A_108] : memref<2x320000xi32, #tpu.memory_space<hbm>> -> memref<1x2560xi32, #tpu.memory_space<hbm>>
      %dma_wait3A_110 = tpu.memref_squeeze %dma_wait3A_109 : memref<1x2560xi32, #tpu.memory_space<hbm>> -> memref<2560xi32, #tpu.memory_space<hbm>>
      %dma_wait3A_111 = arith.constant 0 : i32
      %dma_wait3A_112 = tpu.memref_slice %arg8[%dma_wait3A_111] : memref<5120xi32, #tpu.memory_space<vmem>> -> memref<2560xi32, #tpu.memory_space<vmem>>
      %dma_wait3A_113 = arith.constant 317440 : i32
      %dma_wait3A_114 = tpu.memref_slice %arg3[%dma_wait3A_105, %dma_wait3A_113] : memref<2x320000xi32, #tpu.memory_space<hbm>> -> memref<1x2560xi32, #tpu.memory_space<hbm>>
      %dma_wait3A_115 = tpu.memref_squeeze %dma_wait3A_114 : memref<1x2560xi32, #tpu.memory_space<hbm>> -> memref<2560xi32, #tpu.memory_space<hbm>>
      tpu.wait_dma2 semaphore(%arg12 : memref<!tpu.dma_semaphore, #tpu.memory_space<semaphore_mem>>) src(%dma_wait3A_115 : memref<2560xi32, #tpu.memory_space<hbm>>) dst(%dma_wait3A_112 : memref<2560xi32, #tpu.memory_space<vmem>>)
    } else {
    }
    %not3A_31 = arith.constant true
    %not3A_32 = arith.xori %eq3A_1, %not3A_31 : i1
    %convert_element_type3A_33 = arith.extui %not3A_32 : i1 to i32
    %cond3A_34 = arith.constant 0 : i32
    %cond3A_35 = arith.cmpi ne, %convert_element_type3A_33, %cond3A_34 : i32
    scf.if %cond3A_35 {
      %mul3A_95 = arith.constant 128 : i32
      %mul3A_96 = arith.muli %mul3A_10, %mul3A_95 : i32
      %dma_wait3A = arith.constant 0 : i32
      %dma_wait3A_97 = arith.constant 0 : i32
      %dma_wait3A_98 = tpu.memref_slice %arg7[%dma_wait3A_97] : memref<5120xi32, #tpu.memory_space<vmem>> -> memref<5120xi32, #tpu.memory_space<vmem>>
      %dma_wait3A_99 = tpu.memref_slice %arg3[%dma_wait3A, %mul3A_96] : memref<2x320000xi32, #tpu.memory_space<hbm>> -> memref<1x5120xi32, #tpu.memory_space<hbm>>
      %dma_wait3A_100 = tpu.memref_squeeze %dma_wait3A_99 : memref<1x5120xi32, #tpu.memory_space<hbm>> -> memref<5120xi32, #tpu.memory_space<hbm>>
      %dma_wait3A_101 = arith.constant 0 : i32
      %dma_wait3A_102 = tpu.memref_slice %arg7[%dma_wait3A_101] : memref<5120xi32, #tpu.memory_space<vmem>> -> memref<5120xi32, #tpu.memory_space<vmem>>
      %dma_wait3A_103 = tpu.memref_slice %arg3[%dma_wait3A, %mul3A_96] : memref<2x320000xi32, #tpu.memory_space<hbm>> -> memref<1x5120xi32, #tpu.memory_space<hbm>>
      %dma_wait3A_104 = tpu.memref_squeeze %dma_wait3A_103 : memref<1x5120xi32, #tpu.memory_space<hbm>> -> memref<5120xi32, #tpu.memory_space<hbm>>
      tpu.wait_dma2 semaphore(%arg13 : memref<!tpu.dma_semaphore, #tpu.memory_space<semaphore_mem>>) src(%dma_wait3A_104 : memref<5120xi32, #tpu.memory_space<hbm>>) dst(%dma_wait3A_102 : memref<5120xi32, #tpu.memory_space<vmem>>)
      %mul3A_105 = arith.constant 128 : i32
      %mul3A_106 = arith.muli %mul3A_10, %mul3A_105 : i32
      %dma_wait3A_107 = arith.constant 1 : i32
      %dma_wait3A_108 = arith.constant 0 : i32
      %dma_wait3A_109 = tpu.memref_slice %arg8[%dma_wait3A_108] : memref<5120xi32, #tpu.memory_space<vmem>> -> memref<5120xi32, #tpu.memory_space<vmem>>
      %dma_wait3A_110 = tpu.memref_slice %arg3[%dma_wait3A_107, %mul3A_106] : memref<2x320000xi32, #tpu.memory_space<hbm>> -> memref<1x5120xi32, #tpu.memory_space<hbm>>
      %dma_wait3A_111 = tpu.memref_squeeze %dma_wait3A_110 : memref<1x5120xi32, #tpu.memory_space<hbm>> -> memref<5120xi32, #tpu.memory_space<hbm>>
      %dma_wait3A_112 = arith.constant 0 : i32
      %dma_wait3A_113 = tpu.memref_slice %arg8[%dma_wait3A_112] : memref<5120xi32, #tpu.memory_space<vmem>> -> memref<5120xi32, #tpu.memory_space<vmem>>
      %dma_wait3A_114 = tpu.memref_slice %arg3[%dma_wait3A_107, %mul3A_106] : memref<2x320000xi32, #tpu.memory_space<hbm>> -> memref<1x5120xi32, #tpu.memory_space<hbm>>
      %dma_wait3A_115 = tpu.memref_squeeze %dma_wait3A_114 : memref<1x5120xi32, #tpu.memory_space<hbm>> -> memref<5120xi32, #tpu.memory_space<hbm>>
      tpu.wait_dma2 semaphore(%arg12 : memref<!tpu.dma_semaphore, #tpu.memory_space<semaphore_mem>>) src(%dma_wait3A_115 : memref<5120xi32, #tpu.memory_space<hbm>>) dst(%dma_wait3A_113 : memref<5120xi32, #tpu.memory_space<vmem>>)
    } else {
    }
    %jit3A = arith.constant 10 : i32
    %jit3A_36 = arith.constant 20 : i32
    %select_n3A = arith.select %eq3A_1, %jit3A, %jit3A_36 : i32
    %jit3A_37 = arith.constant 20 : i32
    %jit3A_38 = arith.constant 40 : i32
    %select_n3A_39 = arith.select %eq3A_1, %jit3A_37, %jit3A_38 : i32
    %dma_start3A = arith.constant 0 : i32
    %dma_start3A_40 = tpu.memref_slice %arg7[%dma_start3A] : memref<5120xi32, #tpu.memory_space<vmem>> -> memref<128xi32, #tpu.memory_space<vmem>>
    %dma_start3A_41 = arith.constant 0 : i32
    %dma_start3A_42 = arith.constant 0 : i32
    %dma_start3A_43 = tpu.memref_slice %arg2[%dma_start3A_41, %dma_start3A_42] : memref<10000x128xf32, #tpu.memory_space<hbm>> -> memref<10000x128xf32, #tpu.memory_space<hbm>>
    tpu.enqueue_indirect_dma source(%dma_start3A_43 : memref<10000x128xf32, #tpu.memory_space<hbm>>) target(%arg9 : memref<128x128xf32, #tpu.memory_space<vmem>>) offsets(%dma_start3A_40 : memref<128xi32, #tpu.memory_space<vmem>>) semaphore(%arg12 : memref<!tpu.dma_semaphore, #tpu.memory_space<semaphore_mem>>)
    %dma_start3A_44 = arith.constant 128 : i32
    %dma_start3A_45 = tpu.memref_slice %arg7[%dma_start3A_44] : memref<5120xi32, #tpu.memory_space<vmem>> -> memref<128xi32, #tpu.memory_space<vmem>>
    %dma_start3A_46 = arith.constant 0 : i32
    %dma_start3A_47 = arith.constant 0 : i32
    %dma_start3A_48 = tpu.memref_slice %arg2[%dma_start3A_46, %dma_start3A_47] : memref<10000x128xf32, #tpu.memory_space<hbm>> -> memref<10000x128xf32, #tpu.memory_space<hbm>>
    tpu.enqueue_indirect_dma source(%dma_start3A_48 : memref<10000x128xf32, #tpu.memory_space<hbm>>) target(%arg10 : memref<128x128xf32, #tpu.memory_space<vmem>>) offsets(%dma_start3A_45 : memref<128xi32, #tpu.memory_space<vmem>>) semaphore(%arg13 : memref<!tpu.dma_semaphore, #tpu.memory_space<semaphore_mem>>)
    %while3A = arith.constant 0 : i32
    %while3A_49 = arith.constant 0 : i32
    %while3A_50 = arith.subi %select_n3A, %while3A_49 : i32
    %while3A_51 = arith.addi %while3A_49, %while3A_50 : i32
    %while3A_52 = arith.constant 1 : i32
    %while3A_53 = arith.divsi %while3A_50, %while3A_52 : i32
    %while3A_54 = arith.muli %while3A_53, %while3A_52 : i32
    %while3A_55 = arith.addi %while3A_49, %while3A_54 : i32
    %while3A_56 = arith.constant 1 : i32
    scf.for %while3A_95 = %while3A_49 to %while3A_55 step %while3A_56  : i32 {
      %mul3A_96 = arith.constant 2 : i32
      %mul3A_97 = arith.muli %while3A_95, %mul3A_96 : i32
      %add3A_98 = arith.constant 0 : i32
      %add3A_99 = arith.addi %mul3A_97, %add3A_98 : i32
      %mul3A_100 = arith.constant 128 : i32
      %mul3A_101 = arith.muli %add3A_99, %mul3A_100 : i32
      %dma_wait3A = tpu.memref_slice %arg7[%mul3A_101] : memref<5120xi32, #tpu.memory_space<vmem>> -> memref<128xi32, #tpu.memory_space<vmem>>
      %dma_wait3A_102 = arith.constant 0 : i32
      %dma_wait3A_103 = arith.constant 0 : i32
      %dma_wait3A_104 = tpu.memref_slice %arg2[%dma_wait3A_102, %dma_wait3A_103] : memref<10000x128xf32, #tpu.memory_space<hbm>> -> memref<10000x128xf32, #tpu.memory_space<hbm>>
      tpu.wait_indirect_dma semaphore(%arg12 : memref<!tpu.dma_semaphore, #tpu.memory_space<semaphore_mem>>) src(%dma_wait3A_104 : memref<10000x128xf32, #tpu.memory_space<hbm>>) dst(%arg9 : memref<128x128xf32, #tpu.memory_space<vmem>>)
      %mul3A_105 = arith.constant 128 : i32
      %mul3A_106 = arith.muli %add3A_99, %mul3A_105 : i32
      "tpu.region"() ({
        %run_scoped3A = tpu.sem_alloc : memref<!tpu.dma_semaphore, #tpu.memory_space<semaphore_mem>>
        %dma_start3A_131 = tpu.memref_slice %arg8[%mul3A_106] : memref<5120xi32, #tpu.memory_space<vmem>> -> memref<128xi32, #tpu.memory_space<vmem>>
        %dma_start3A_132 = arith.constant 0 : i32
        %dma_start3A_133 = arith.constant 0 : i32
        %dma_start3A_134 = tpu.memref_slice %arg11[%dma_start3A_132, %dma_start3A_133] : memref<10000x128xf32, #tpu.memory_space<vmem_shared>> -> memref<10000x128xf32, #tpu.memory_space<vmem_shared>>
        tpu.enqueue_indirect_dma source(%arg9 : memref<128x128xf32, #tpu.memory_space<vmem>>) target(%dma_start3A_134 : memref<10000x128xf32, #tpu.memory_space<vmem_shared>>) offsets(%dma_start3A_131 : memref<128xi32, #tpu.memory_space<vmem>>) semaphore(%run_scoped3A : memref<!tpu.dma_semaphore, #tpu.memory_space<semaphore_mem>>) {add = true}
        %dma_wait3A_135 = tpu.memref_slice %arg8[%mul3A_106] : memref<5120xi32, #tpu.memory_space<vmem>> -> memref<128xi32, #tpu.memory_space<vmem>>
        %dma_wait3A_136 = arith.constant 0 : i32
        %dma_wait3A_137 = arith.constant 0 : i32
        %dma_wait3A_138 = tpu.memref_slice %arg11[%dma_wait3A_136, %dma_wait3A_137] : memref<10000x128xf32, #tpu.memory_space<vmem_shared>> -> memref<10000x128xf32, #tpu.memory_space<vmem_shared>>
        tpu.wait_indirect_dma semaphore(%run_scoped3A : memref<!tpu.dma_semaphore, #tpu.memory_space<semaphore_mem>>) src(%arg9 : memref<128x128xf32, #tpu.memory_space<vmem>>) dst(%dma_wait3A_138 : memref<10000x128xf32, #tpu.memory_space<vmem_shared>>)
        tpu.yield
      }) : () -> ()
      %add3A_107 = arith.constant 2 : i32
      %add3A_108 = arith.addi %add3A_99, %add3A_107 : i32
      %lt3A_109 = arith.cmpi slt, %add3A_108, %select_n3A_39 : i32
      %convert_element_type3A_110 = arith.extui %lt3A_109 : i1 to i32
      %cond3A_111 = arith.constant 0 : i32
      %cond3A_112 = arith.cmpi ne, %convert_element_type3A_110, %cond3A_111 : i32
      scf.if %cond3A_112 {
        %add3A_131 = arith.constant 2 : i32
        %add3A_132 = arith.addi %add3A_99, %add3A_131 : i32
        %mul3A_133 = arith.constant 128 : i32
        %mul3A_134 = arith.muli %add3A_132, %mul3A_133 : i32
        %dma_start3A_135 = tpu.memref_slice %arg7[%mul3A_134] : memref<5120xi32, #tpu.memory_space<vmem>> -> memref<128xi32, #tpu.memory_space<vmem>>
        %dma_start3A_136 = arith.constant 0 : i32
        %dma_start3A_137 = arith.constant 0 : i32
        %dma_start3A_138 = tpu.memref_slice %arg2[%dma_start3A_136, %dma_start3A_137] : memref<10000x128xf32, #tpu.memory_space<hbm>> -> memref<10000x128xf32, #tpu.memory_space<hbm>>
        tpu.enqueue_indirect_dma source(%dma_start3A_138 : memref<10000x128xf32, #tpu.memory_space<hbm>>) target(%arg9 : memref<128x128xf32, #tpu.memory_space<vmem>>) offsets(%dma_start3A_135 : memref<128xi32, #tpu.memory_space<vmem>>) semaphore(%arg12 : memref<!tpu.dma_semaphore, #tpu.memory_space<semaphore_mem>>)
      } else {
      }
      %mul3A_113 = arith.constant 2 : i32
      %mul3A_114 = arith.muli %while3A_95, %mul3A_113 : i32
      %add3A_115 = arith.constant 1 : i32
      %add3A_116 = arith.addi %mul3A_114, %add3A_115 : i32
      %mul3A_117 = arith.constant 128 : i32
      %mul3A_118 = arith.muli %add3A_116, %mul3A_117 : i32
      %dma_wait3A_119 = tpu.memref_slice %arg7[%mul3A_118] : memref<5120xi32, #tpu.memory_space<vmem>> -> memref<128xi32, #tpu.memory_space<vmem>>
      %dma_wait3A_120 = arith.constant 0 : i32
      %dma_wait3A_121 = arith.constant 0 : i32
      %dma_wait3A_122 = tpu.memref_slice %arg2[%dma_wait3A_120, %dma_wait3A_121] : memref<10000x128xf32, #tpu.memory_space<hbm>> -> memref<10000x128xf32, #tpu.memory_space<hbm>>
      tpu.wait_indirect_dma semaphore(%arg13 : memref<!tpu.dma_semaphore, #tpu.memory_space<semaphore_mem>>) src(%dma_wait3A_122 : memref<10000x128xf32, #tpu.memory_space<hbm>>) dst(%arg10 : memref<128x128xf32, #tpu.memory_space<vmem>>)
      %mul3A_123 = arith.constant 128 : i32
      %mul3A_124 = arith.muli %add3A_116, %mul3A_123 : i32
      "tpu.region"() ({
        %run_scoped3A = tpu.sem_alloc : memref<!tpu.dma_semaphore, #tpu.memory_space<semaphore_mem>>
        %dma_start3A_131 = tpu.memref_slice %arg8[%mul3A_124] : memref<5120xi32, #tpu.memory_space<vmem>> -> memref<128xi32, #tpu.memory_space<vmem>>
        %dma_start3A_132 = arith.constant 0 : i32
        %dma_start3A_133 = arith.constant 0 : i32
        %dma_start3A_134 = tpu.memref_slice %arg11[%dma_start3A_132, %dma_start3A_133] : memref<10000x128xf32, #tpu.memory_space<vmem_shared>> -> memref<10000x128xf32, #tpu.memory_space<vmem_shared>>
        tpu.enqueue_indirect_dma source(%arg10 : memref<128x128xf32, #tpu.memory_space<vmem>>) target(%dma_start3A_134 : memref<10000x128xf32, #tpu.memory_space<vmem_shared>>) offsets(%dma_start3A_131 : memref<128xi32, #tpu.memory_space<vmem>>) semaphore(%run_scoped3A : memref<!tpu.dma_semaphore, #tpu.memory_space<semaphore_mem>>) {add = true}
        %dma_wait3A_135 = tpu.memref_slice %arg8[%mul3A_124] : memref<5120xi32, #tpu.memory_space<vmem>> -> memref<128xi32, #tpu.memory_space<vmem>>
        %dma_wait3A_136 = arith.constant 0 : i32
        %dma_wait3A_137 = arith.constant 0 : i32
        %dma_wait3A_138 = tpu.memref_slice %arg11[%dma_wait3A_136, %dma_wait3A_137] : memref<10000x128xf32, #tpu.memory_space<vmem_shared>> -> memref<10000x128xf32, #tpu.memory_space<vmem_shared>>
        tpu.wait_indirect_dma semaphore(%run_scoped3A : memref<!tpu.dma_semaphore, #tpu.memory_space<semaphore_mem>>) src(%arg10 : memref<128x128xf32, #tpu.memory_space<vmem>>) dst(%dma_wait3A_138 : memref<10000x128xf32, #tpu.memory_space<vmem_shared>>)
        tpu.yield
      }) : () -> ()
      %add3A_125 = arith.constant 2 : i32
      %add3A_126 = arith.addi %add3A_116, %add3A_125 : i32
      %lt3A_127 = arith.cmpi slt, %add3A_126, %select_n3A_39 : i32
      %convert_element_type3A_128 = arith.extui %lt3A_127 : i1 to i32
      %cond3A_129 = arith.constant 0 : i32
      %cond3A_130 = arith.cmpi ne, %convert_element_type3A_128, %cond3A_129 : i32
      scf.if %cond3A_130 {
        %add3A_131 = arith.constant 2 : i32
        %add3A_132 = arith.addi %add3A_116, %add3A_131 : i32
        %mul3A_133 = arith.constant 128 : i32
        %mul3A_134 = arith.muli %add3A_132, %mul3A_133 : i32
        %dma_start3A_135 = tpu.memref_slice %arg7[%mul3A_134] : memref<5120xi32, #tpu.memory_space<vmem>> -> memref<128xi32, #tpu.memory_space<vmem>>
        %dma_start3A_136 = arith.constant 0 : i32
        %dma_start3A_137 = arith.constant 0 : i32
        %dma_start3A_138 = tpu.memref_slice %arg2[%dma_start3A_136, %dma_start3A_137] : memref<10000x128xf32, #tpu.memory_space<hbm>> -> memref<10000x128xf32, #tpu.memory_space<hbm>>
        tpu.enqueue_indirect_dma source(%dma_start3A_138 : memref<10000x128xf32, #tpu.memory_space<hbm>>) target(%arg10 : memref<128x128xf32, #tpu.memory_space<vmem>>) offsets(%dma_start3A_135 : memref<128xi32, #tpu.memory_space<vmem>>) semaphore(%arg13 : memref<!tpu.dma_semaphore, #tpu.memory_space<semaphore_mem>>)
      } else {
      }
    }
    %while3A_57 = arith.constant 1 : i32
    scf.for %while3A_95 = %while3A_55 to %while3A_51 step %while3A_57  : i32 {
      %mul3A_96 = arith.constant 2 : i32
      %mul3A_97 = arith.muli %while3A_95, %mul3A_96 : i32
      %add3A_98 = arith.constant 0 : i32
      %add3A_99 = arith.addi %mul3A_97, %add3A_98 : i32
      %mul3A_100 = arith.constant 128 : i32
      %mul3A_101 = arith.muli %add3A_99, %mul3A_100 : i32
      %dma_wait3A = tpu.memref_slice %arg7[%mul3A_101] : memref<5120xi32, #tpu.memory_space<vmem>> -> memref<128xi32, #tpu.memory_space<vmem>>
      %dma_wait3A_102 = arith.constant 0 : i32
      %dma_wait3A_103 = arith.constant 0 : i32
      %dma_wait3A_104 = tpu.memref_slice %arg2[%dma_wait3A_102, %dma_wait3A_103] : memref<10000x128xf32, #tpu.memory_space<hbm>> -> memref<10000x128xf32, #tpu.memory_space<hbm>>
      tpu.wait_indirect_dma semaphore(%arg12 : memref<!tpu.dma_semaphore, #tpu.memory_space<semaphore_mem>>) src(%dma_wait3A_104 : memref<10000x128xf32, #tpu.memory_space<hbm>>) dst(%arg9 : memref<128x128xf32, #tpu.memory_space<vmem>>)
      %mul3A_105 = arith.constant 128 : i32
      %mul3A_106 = arith.muli %add3A_99, %mul3A_105 : i32
      "tpu.region"() ({
        %run_scoped3A = tpu.sem_alloc : memref<!tpu.dma_semaphore, #tpu.memory_space<semaphore_mem>>
        %dma_start3A_131 = tpu.memref_slice %arg8[%mul3A_106] : memref<5120xi32, #tpu.memory_space<vmem>> -> memref<128xi32, #tpu.memory_space<vmem>>
        %dma_start3A_132 = arith.constant 0 : i32
        %dma_start3A_133 = arith.constant 0 : i32
        %dma_start3A_134 = tpu.memref_slice %arg11[%dma_start3A_132, %dma_start3A_133] : memref<10000x128xf32, #tpu.memory_space<vmem_shared>> -> memref<10000x128xf32, #tpu.memory_space<vmem_shared>>
        tpu.enqueue_indirect_dma source(%arg9 : memref<128x128xf32, #tpu.memory_space<vmem>>) target(%dma_start3A_134 : memref<10000x128xf32, #tpu.memory_space<vmem_shared>>) offsets(%dma_start3A_131 : memref<128xi32, #tpu.memory_space<vmem>>) semaphore(%run_scoped3A : memref<!tpu.dma_semaphore, #tpu.memory_space<semaphore_mem>>) {add = true}
        %dma_wait3A_135 = tpu.memref_slice %arg8[%mul3A_106] : memref<5120xi32, #tpu.memory_space<vmem>> -> memref<128xi32, #tpu.memory_space<vmem>>
        %dma_wait3A_136 = arith.constant 0 : i32
        %dma_wait3A_137 = arith.constant 0 : i32
        %dma_wait3A_138 = tpu.memref_slice %arg11[%dma_wait3A_136, %dma_wait3A_137] : memref<10000x128xf32, #tpu.memory_space<vmem_shared>> -> memref<10000x128xf32, #tpu.memory_space<vmem_shared>>
        tpu.wait_indirect_dma semaphore(%run_scoped3A : memref<!tpu.dma_semaphore, #tpu.memory_space<semaphore_mem>>) src(%arg9 : memref<128x128xf32, #tpu.memory_space<vmem>>) dst(%dma_wait3A_138 : memref<10000x128xf32, #tpu.memory_space<vmem_shared>>)
        tpu.yield
      }) : () -> ()
      %add3A_107 = arith.constant 2 : i32
      %add3A_108 = arith.addi %add3A_99, %add3A_107 : i32
      %lt3A_109 = arith.cmpi slt, %add3A_108, %select_n3A_39 : i32
      %convert_element_type3A_110 = arith.extui %lt3A_109 : i1 to i32
      %cond3A_111 = arith.constant 0 : i32
      %cond3A_112 = arith.cmpi ne, %convert_element_type3A_110, %cond3A_111 : i32
      scf.if %cond3A_112 {
        %add3A_131 = arith.constant 2 : i32
        %add3A_132 = arith.addi %add3A_99, %add3A_131 : i32
        %mul3A_133 = arith.constant 128 : i32
        %mul3A_134 = arith.muli %add3A_132, %mul3A_133 : i32
        %dma_start3A_135 = tpu.memref_slice %arg7[%mul3A_134] : memref<5120xi32, #tpu.memory_space<vmem>> -> memref<128xi32, #tpu.memory_space<vmem>>
        %dma_start3A_136 = arith.constant 0 : i32
        %dma_start3A_137 = arith.constant 0 : i32
        %dma_start3A_138 = tpu.memref_slice %arg2[%dma_start3A_136, %dma_start3A_137] : memref<10000x128xf32, #tpu.memory_space<hbm>> -> memref<10000x128xf32, #tpu.memory_space<hbm>>
        tpu.enqueue_indirect_dma source(%dma_start3A_138 : memref<10000x128xf32, #tpu.memory_space<hbm>>) target(%arg9 : memref<128x128xf32, #tpu.memory_space<vmem>>) offsets(%dma_start3A_135 : memref<128xi32, #tpu.memory_space<vmem>>) semaphore(%arg12 : memref<!tpu.dma_semaphore, #tpu.memory_space<semaphore_mem>>)
      } else {
      }
      %mul3A_113 = arith.constant 2 : i32
      %mul3A_114 = arith.muli %while3A_95, %mul3A_113 : i32
      %add3A_115 = arith.constant 1 : i32
      %add3A_116 = arith.addi %mul3A_114, %add3A_115 : i32
      %mul3A_117 = arith.constant 128 : i32
      %mul3A_118 = arith.muli %add3A_116, %mul3A_117 : i32
      %dma_wait3A_119 = tpu.memref_slice %arg7[%mul3A_118] : memref<5120xi32, #tpu.memory_space<vmem>> -> memref<128xi32, #tpu.memory_space<vmem>>
      %dma_wait3A_120 = arith.constant 0 : i32
      %dma_wait3A_121 = arith.constant 0 : i32
      %dma_wait3A_122 = tpu.memref_slice %arg2[%dma_wait3A_120, %dma_wait3A_121] : memref<10000x128xf32, #tpu.memory_space<hbm>> -> memref<10000x128xf32, #tpu.memory_space<hbm>>
      tpu.wait_indirect_dma semaphore(%arg13 : memref<!tpu.dma_semaphore, #tpu.memory_space<semaphore_mem>>) src(%dma_wait3A_122 : memref<10000x128xf32, #tpu.memory_space<hbm>>) dst(%arg10 : memref<128x128xf32, #tpu.memory_space<vmem>>)
      %mul3A_123 = arith.constant 128 : i32
      %mul3A_124 = arith.muli %add3A_116, %mul3A_123 : i32
      "tpu.region"() ({
        %run_scoped3A = tpu.sem_alloc : memref<!tpu.dma_semaphore, #tpu.memory_space<semaphore_mem>>
        %dma_start3A_131 = tpu.memref_slice %arg8[%mul3A_124] : memref<5120xi32, #tpu.memory_space<vmem>> -> memref<128xi32, #tpu.memory_space<vmem>>
        %dma_start3A_132 = arith.constant 0 : i32
        %dma_start3A_133 = arith.constant 0 : i32
        %dma_start3A_134 = tpu.memref_slice %arg11[%dma_start3A_132, %dma_start3A_133] : memref<10000x128xf32, #tpu.memory_space<vmem_shared>> -> memref<10000x128xf32, #tpu.memory_space<vmem_shared>>
        tpu.enqueue_indirect_dma source(%arg10 : memref<128x128xf32, #tpu.memory_space<vmem>>) target(%dma_start3A_134 : memref<10000x128xf32, #tpu.memory_space<vmem_shared>>) offsets(%dma_start3A_131 : memref<128xi32, #tpu.memory_space<vmem>>) semaphore(%run_scoped3A : memref<!tpu.dma_semaphore, #tpu.memory_space<semaphore_mem>>) {add = true}
        %dma_wait3A_135 = tpu.memref_slice %arg8[%mul3A_124] : memref<5120xi32, #tpu.memory_space<vmem>> -> memref<128xi32, #tpu.memory_space<vmem>>
        %dma_wait3A_136 = arith.constant 0 : i32
        %dma_wait3A_137 = arith.constant 0 : i32
        %dma_wait3A_138 = tpu.memref_slice %arg11[%dma_wait3A_136, %dma_wait3A_137] : memref<10000x128xf32, #tpu.memory_space<vmem_shared>> -> memref<10000x128xf32, #tpu.memory_space<vmem_shared>>
        tpu.wait_indirect_dma semaphore(%run_scoped3A : memref<!tpu.dma_semaphore, #tpu.memory_space<semaphore_mem>>) src(%arg10 : memref<128x128xf32, #tpu.memory_space<vmem>>) dst(%dma_wait3A_138 : memref<10000x128xf32, #tpu.memory_space<vmem_shared>>)
        tpu.yield
      }) : () -> ()
      %add3A_125 = arith.constant 2 : i32
      %add3A_126 = arith.addi %add3A_116, %add3A_125 : i32
      %lt3A_127 = arith.cmpi slt, %add3A_126, %select_n3A_39 : i32
      %convert_element_type3A_128 = arith.extui %lt3A_127 : i1 to i32
      %cond3A_129 = arith.constant 0 : i32
      %cond3A_130 = arith.cmpi ne, %convert_element_type3A_128, %cond3A_129 : i32
      scf.if %cond3A_130 {
        %add3A_131 = arith.constant 2 : i32
        %add3A_132 = arith.addi %add3A_116, %add3A_131 : i32
        %mul3A_133 = arith.constant 128 : i32
        %mul3A_134 = arith.muli %add3A_132, %mul3A_133 : i32
        %dma_start3A_135 = tpu.memref_slice %arg7[%mul3A_134] : memref<5120xi32, #tpu.memory_space<vmem>> -> memref<128xi32, #tpu.memory_space<vmem>>
        %dma_start3A_136 = arith.constant 0 : i32
        %dma_start3A_137 = arith.constant 0 : i32
        %dma_start3A_138 = tpu.memref_slice %arg2[%dma_start3A_136, %dma_start3A_137] : memref<10000x128xf32, #tpu.memory_space<hbm>> -> memref<10000x128xf32, #tpu.memory_space<hbm>>
        tpu.enqueue_indirect_dma source(%dma_start3A_138 : memref<10000x128xf32, #tpu.memory_space<hbm>>) target(%arg10 : memref<128x128xf32, #tpu.memory_space<vmem>>) offsets(%dma_start3A_135 : memref<128xi32, #tpu.memory_space<vmem>>) semaphore(%arg13 : memref<!tpu.dma_semaphore, #tpu.memory_space<semaphore_mem>>)
      } else {
      }
    }
    %not3A_58 = arith.constant true
    %not3A_59 = arith.xori %eq3A_1, %not3A_58 : i1
    %convert_element_type3A_60 = arith.extui %not3A_59 : i1 to i32
    %cond3A_61 = arith.constant 0 : i32
    %cond3A_62 = arith.cmpi ne, %convert_element_type3A_60, %cond3A_61 : i32
    scf.if %cond3A_62 {
      %add3A_95 = arith.constant 40 : i32
      %add3A_96 = arith.addi %mul3A_10, %add3A_95 : i32
      %mul3A_97 = arith.constant 128 : i32
      %mul3A_98 = arith.muli %add3A_96, %mul3A_97 : i32
      %dma_start3A_99 = arith.constant 0 : i32
      %dma_start3A_100 = arith.constant 0 : i32
      %dma_start3A_101 = tpu.memref_slice %arg7[%dma_start3A_100] : memref<5120xi32, #tpu.memory_space<vmem>> -> memref<5120xi32, #tpu.memory_space<vmem>>
      %dma_start3A_102 = tpu.memref_slice %arg3[%dma_start3A_99, %mul3A_98] : memref<2x320000xi32, #tpu.memory_space<hbm>> -> memref<1x5120xi32, #tpu.memory_space<hbm>>
      %dma_start3A_103 = tpu.memref_squeeze %dma_start3A_102 : memref<1x5120xi32, #tpu.memory_space<hbm>> -> memref<5120xi32, #tpu.memory_space<hbm>>
      %dma_start3A_104 = arith.constant 0 : i32
      %dma_start3A_105 = tpu.memref_slice %arg7[%dma_start3A_104] : memref<5120xi32, #tpu.memory_space<vmem>> -> memref<5120xi32, #tpu.memory_space<vmem>>
      %dma_start3A_106 = tpu.memref_slice %arg3[%dma_start3A_99, %mul3A_98] : memref<2x320000xi32, #tpu.memory_space<hbm>> -> memref<1x5120xi32, #tpu.memory_space<hbm>>
      %dma_start3A_107 = tpu.memref_squeeze %dma_start3A_106 : memref<1x5120xi32, #tpu.memory_space<hbm>> -> memref<5120xi32, #tpu.memory_space<hbm>>
      tpu.enqueue_dma source(%dma_start3A_107 : memref<5120xi32, #tpu.memory_space<hbm>>) target(%dma_start3A_105 : memref<5120xi32, #tpu.memory_space<vmem>>) target_semaphore(%arg13 : memref<!tpu.dma_semaphore, #tpu.memory_space<semaphore_mem>>)
      %mul3A_108 = arith.constant 128 : i32
      %mul3A_109 = arith.muli %add3A_96, %mul3A_108 : i32
      %dma_start3A_110 = arith.constant 1 : i32
      %dma_start3A_111 = arith.constant 0 : i32
      %dma_start3A_112 = tpu.memref_slice %arg8[%dma_start3A_111] : memref<5120xi32, #tpu.memory_space<vmem>> -> memref<5120xi32, #tpu.memory_space<vmem>>
      %dma_start3A_113 = tpu.memref_slice %arg3[%dma_start3A_110, %mul3A_109] : memref<2x320000xi32, #tpu.memory_space<hbm>> -> memref<1x5120xi32, #tpu.memory_space<hbm>>
      %dma_start3A_114 = tpu.memref_squeeze %dma_start3A_113 : memref<1x5120xi32, #tpu.memory_space<hbm>> -> memref<5120xi32, #tpu.memory_space<hbm>>
      %dma_start3A_115 = arith.constant 0 : i32
      %dma_start3A_116 = tpu.memref_slice %arg8[%dma_start3A_115] : memref<5120xi32, #tpu.memory_space<vmem>> -> memref<5120xi32, #tpu.memory_space<vmem>>
      %dma_start3A_117 = tpu.memref_slice %arg3[%dma_start3A_110, %mul3A_109] : memref<2x320000xi32, #tpu.memory_space<hbm>> -> memref<1x5120xi32, #tpu.memory_space<hbm>>
      %dma_start3A_118 = tpu.memref_squeeze %dma_start3A_117 : memref<1x5120xi32, #tpu.memory_space<hbm>> -> memref<5120xi32, #tpu.memory_space<hbm>>
      tpu.enqueue_dma source(%dma_start3A_118 : memref<5120xi32, #tpu.memory_space<hbm>>) target(%dma_start3A_116 : memref<5120xi32, #tpu.memory_space<vmem>>) target_semaphore(%arg12 : memref<!tpu.dma_semaphore, #tpu.memory_space<semaphore_mem>>)
      %add3A_119 = arith.constant 40 : i32
      %add3A_120 = arith.addi %mul3A_10, %add3A_119 : i32
      %mul3A_121 = arith.constant 128 : i32
      %mul3A_122 = arith.muli %add3A_120, %mul3A_121 : i32
      %dma_wait3A = arith.constant 0 : i32
      %dma_wait3A_123 = arith.constant 0 : i32
      %dma_wait3A_124 = tpu.memref_slice %arg7[%dma_wait3A_123] : memref<5120xi32, #tpu.memory_space<vmem>> -> memref<5120xi32, #tpu.memory_space<vmem>>
      %dma_wait3A_125 = tpu.memref_slice %arg3[%dma_wait3A, %mul3A_122] : memref<2x320000xi32, #tpu.memory_space<hbm>> -> memref<1x5120xi32, #tpu.memory_space<hbm>>
      %dma_wait3A_126 = tpu.memref_squeeze %dma_wait3A_125 : memref<1x5120xi32, #tpu.memory_space<hbm>> -> memref<5120xi32, #tpu.memory_space<hbm>>
      %dma_wait3A_127 = arith.constant 0 : i32
      %dma_wait3A_128 = tpu.memref_slice %arg7[%dma_wait3A_127] : memref<5120xi32, #tpu.memory_space<vmem>> -> memref<5120xi32, #tpu.memory_space<vmem>>
      %dma_wait3A_129 = tpu.memref_slice %arg3[%dma_wait3A, %mul3A_122] : memref<2x320000xi32, #tpu.memory_space<hbm>> -> memref<1x5120xi32, #tpu.memory_space<hbm>>
      %dma_wait3A_130 = tpu.memref_squeeze %dma_wait3A_129 : memref<1x5120xi32, #tpu.memory_space<hbm>> -> memref<5120xi32, #tpu.memory_space<hbm>>
      tpu.wait_dma2 semaphore(%arg13 : memref<!tpu.dma_semaphore, #tpu.memory_space<semaphore_mem>>) src(%dma_wait3A_130 : memref<5120xi32, #tpu.memory_space<hbm>>) dst(%dma_wait3A_128 : memref<5120xi32, #tpu.memory_space<vmem>>)
      %mul3A_131 = arith.constant 128 : i32
      %mul3A_132 = arith.muli %add3A_120, %mul3A_131 : i32
      %dma_wait3A_133 = arith.constant 1 : i32
      %dma_wait3A_134 = arith.constant 0 : i32
      %dma_wait3A_135 = tpu.memref_slice %arg8[%dma_wait3A_134] : memref<5120xi32, #tpu.memory_space<vmem>> -> memref<5120xi32, #tpu.memory_space<vmem>>
      %dma_wait3A_136 = tpu.memref_slice %arg3[%dma_wait3A_133, %mul3A_132] : memref<2x320000xi32, #tpu.memory_space<hbm>> -> memref<1x5120xi32, #tpu.memory_space<hbm>>
      %dma_wait3A_137 = tpu.memref_squeeze %dma_wait3A_136 : memref<1x5120xi32, #tpu.memory_space<hbm>> -> memref<5120xi32, #tpu.memory_space<hbm>>
      %dma_wait3A_138 = arith.constant 0 : i32
      %dma_wait3A_139 = tpu.memref_slice %arg8[%dma_wait3A_138] : memref<5120xi32, #tpu.memory_space<vmem>> -> memref<5120xi32, #tpu.memory_space<vmem>>
      %dma_wait3A_140 = tpu.memref_slice %arg3[%dma_wait3A_133, %mul3A_132] : memref<2x320000xi32, #tpu.memory_space<hbm>> -> memref<1x5120xi32, #tpu.memory_space<hbm>>
      %dma_wait3A_141 = tpu.memref_squeeze %dma_wait3A_140 : memref<1x5120xi32, #tpu.memory_space<hbm>> -> memref<5120xi32, #tpu.memory_space<hbm>>
      tpu.wait_dma2 semaphore(%arg12 : memref<!tpu.dma_semaphore, #tpu.memory_space<semaphore_mem>>) src(%dma_wait3A_141 : memref<5120xi32, #tpu.memory_space<hbm>>) dst(%dma_wait3A_139 : memref<5120xi32, #tpu.memory_space<vmem>>)
      %dma_start3A_142 = arith.constant 0 : i32
      %dma_start3A_143 = tpu.memref_slice %arg7[%dma_start3A_142] : memref<5120xi32, #tpu.memory_space<vmem>> -> memref<128xi32, #tpu.memory_space<vmem>>
      %dma_start3A_144 = arith.constant 0 : i32
      %dma_start3A_145 = arith.constant 0 : i32
      %dma_start3A_146 = tpu.memref_slice %arg2[%dma_start3A_144, %dma_start3A_145] : memref<10000x128xf32, #tpu.memory_space<hbm>> -> memref<10000x128xf32, #tpu.memory_space<hbm>>
      tpu.enqueue_indirect_dma source(%dma_start3A_146 : memref<10000x128xf32, #tpu.memory_space<hbm>>) target(%arg9 : memref<128x128xf32, #tpu.memory_space<vmem>>) offsets(%dma_start3A_143 : memref<128xi32, #tpu.memory_space<vmem>>) semaphore(%arg12 : memref<!tpu.dma_semaphore, #tpu.memory_space<semaphore_mem>>)
      %dma_start3A_147 = arith.constant 128 : i32
      %dma_start3A_148 = tpu.memref_slice %arg7[%dma_start3A_147] : memref<5120xi32, #tpu.memory_space<vmem>> -> memref<128xi32, #tpu.memory_space<vmem>>
      %dma_start3A_149 = arith.constant 0 : i32
      %dma_start3A_150 = arith.constant 0 : i32
      %dma_start3A_151 = tpu.memref_slice %arg2[%dma_start3A_149, %dma_start3A_150] : memref<10000x128xf32, #tpu.memory_space<hbm>> -> memref<10000x128xf32, #tpu.memory_space<hbm>>
      tpu.enqueue_indirect_dma source(%dma_start3A_151 : memref<10000x128xf32, #tpu.memory_space<hbm>>) target(%arg10 : memref<128x128xf32, #tpu.memory_space<vmem>>) offsets(%dma_start3A_148 : memref<128xi32, #tpu.memory_space<vmem>>) semaphore(%arg13 : memref<!tpu.dma_semaphore, #tpu.memory_space<semaphore_mem>>)
      %scan3A = arith.constant 0 : i32
      %scan3A_152 = arith.constant 0 : i32
      %scan3A_153 = arith.constant 20 : i32
      %scan3A_154 = arith.addi %scan3A_152, %scan3A_153 : i32
      %scan3A_155 = arith.constant 1 : i32
      scf.for %scan3A_157 = %scan3A_152 to %scan3A_154 step %scan3A_155  : i32 {
        %mul3A_158 = arith.constant 2 : i32
        %mul3A_159 = arith.muli %scan3A_157, %mul3A_158 : i32
        %add3A_160 = arith.constant 0 : i32
        %add3A_161 = arith.addi %mul3A_159, %add3A_160 : i32
        %mul3A_162 = arith.constant 128 : i32
        %mul3A_163 = arith.muli %add3A_161, %mul3A_162 : i32
        %dma_wait3A_164 = tpu.memref_slice %arg7[%mul3A_163] : memref<5120xi32, #tpu.memory_space<vmem>> -> memref<128xi32, #tpu.memory_space<vmem>>
        %dma_wait3A_165 = arith.constant 0 : i32
        %dma_wait3A_166 = arith.constant 0 : i32
        %dma_wait3A_167 = tpu.memref_slice %arg2[%dma_wait3A_165, %dma_wait3A_166] : memref<10000x128xf32, #tpu.memory_space<hbm>> -> memref<10000x128xf32, #tpu.memory_space<hbm>>
        tpu.wait_indirect_dma semaphore(%arg12 : memref<!tpu.dma_semaphore, #tpu.memory_space<semaphore_mem>>) src(%dma_wait3A_167 : memref<10000x128xf32, #tpu.memory_space<hbm>>) dst(%arg9 : memref<128x128xf32, #tpu.memory_space<vmem>>)
        %mul3A_168 = arith.constant 128 : i32
        %mul3A_169 = arith.muli %add3A_161, %mul3A_168 : i32
        "tpu.region"() ({
          %run_scoped3A = tpu.sem_alloc : memref<!tpu.dma_semaphore, #tpu.memory_space<semaphore_mem>>
          %dma_start3A_196 = tpu.memref_slice %arg8[%mul3A_169] : memref<5120xi32, #tpu.memory_space<vmem>> -> memref<128xi32, #tpu.memory_space<vmem>>
          %dma_start3A_197 = arith.constant 0 : i32
          %dma_start3A_198 = arith.constant 0 : i32
          %dma_start3A_199 = tpu.memref_slice %arg11[%dma_start3A_197, %dma_start3A_198] : memref<10000x128xf32, #tpu.memory_space<vmem_shared>> -> memref<10000x128xf32, #tpu.memory_space<vmem_shared>>
          tpu.enqueue_indirect_dma source(%arg9 : memref<128x128xf32, #tpu.memory_space<vmem>>) target(%dma_start3A_199 : memref<10000x128xf32, #tpu.memory_space<vmem_shared>>) offsets(%dma_start3A_196 : memref<128xi32, #tpu.memory_space<vmem>>) semaphore(%run_scoped3A : memref<!tpu.dma_semaphore, #tpu.memory_space<semaphore_mem>>) {add = true}
          %dma_wait3A_200 = tpu.memref_slice %arg8[%mul3A_169] : memref<5120xi32, #tpu.memory_space<vmem>> -> memref<128xi32, #tpu.memory_space<vmem>>
          %dma_wait3A_201 = arith.constant 0 : i32
          %dma_wait3A_202 = arith.constant 0 : i32
          %dma_wait3A_203 = tpu.memref_slice %arg11[%dma_wait3A_201, %dma_wait3A_202] : memref<10000x128xf32, #tpu.memory_space<vmem_shared>> -> memref<10000x128xf32, #tpu.memory_space<vmem_shared>>
          tpu.wait_indirect_dma semaphore(%run_scoped3A : memref<!tpu.dma_semaphore, #tpu.memory_space<semaphore_mem>>) src(%arg9 : memref<128x128xf32, #tpu.memory_space<vmem>>) dst(%dma_wait3A_203 : memref<10000x128xf32, #tpu.memory_space<vmem_shared>>)
          tpu.yield
        }) : () -> ()
        %add3A_170 = arith.constant 2 : i32
        %add3A_171 = arith.addi %add3A_161, %add3A_170 : i32
        %lt3A_172 = arith.constant 40 : i32
        %lt3A_173 = arith.cmpi slt, %add3A_171, %lt3A_172 : i32
        %convert_element_type3A_174 = arith.extui %lt3A_173 : i1 to i32
        %cond3A_175 = arith.constant 0 : i32
        %cond3A_176 = arith.cmpi ne, %convert_element_type3A_174, %cond3A_175 : i32
        scf.if %cond3A_176 {
          %add3A_196 = arith.constant 2 : i32
          %add3A_197 = arith.addi %add3A_161, %add3A_196 : i32
          %mul3A_198 = arith.constant 128 : i32
          %mul3A_199 = arith.muli %add3A_197, %mul3A_198 : i32
          %dma_start3A_200 = tpu.memref_slice %arg7[%mul3A_199] : memref<5120xi32, #tpu.memory_space<vmem>> -> memref<128xi32, #tpu.memory_space<vmem>>
          %dma_start3A_201 = arith.constant 0 : i32
          %dma_start3A_202 = arith.constant 0 : i32
          %dma_start3A_203 = tpu.memref_slice %arg2[%dma_start3A_201, %dma_start3A_202] : memref<10000x128xf32, #tpu.memory_space<hbm>> -> memref<10000x128xf32, #tpu.memory_space<hbm>>
          tpu.enqueue_indirect_dma source(%dma_start3A_203 : memref<10000x128xf32, #tpu.memory_space<hbm>>) target(%arg9 : memref<128x128xf32, #tpu.memory_space<vmem>>) offsets(%dma_start3A_200 : memref<128xi32, #tpu.memory_space<vmem>>) semaphore(%arg12 : memref<!tpu.dma_semaphore, #tpu.memory_space<semaphore_mem>>)
        } else {
        }
        %mul3A_177 = arith.constant 2 : i32
        %mul3A_178 = arith.muli %scan3A_157, %mul3A_177 : i32
        %add3A_179 = arith.constant 1 : i32
        %add3A_180 = arith.addi %mul3A_178, %add3A_179 : i32
        %mul3A_181 = arith.constant 128 : i32
        %mul3A_182 = arith.muli %add3A_180, %mul3A_181 : i32
        %dma_wait3A_183 = tpu.memref_slice %arg7[%mul3A_182] : memref<5120xi32, #tpu.memory_space<vmem>> -> memref<128xi32, #tpu.memory_space<vmem>>
        %dma_wait3A_184 = arith.constant 0 : i32
        %dma_wait3A_185 = arith.constant 0 : i32
        %dma_wait3A_186 = tpu.memref_slice %arg2[%dma_wait3A_184, %dma_wait3A_185] : memref<10000x128xf32, #tpu.memory_space<hbm>> -> memref<10000x128xf32, #tpu.memory_space<hbm>>
        tpu.wait_indirect_dma semaphore(%arg13 : memref<!tpu.dma_semaphore, #tpu.memory_space<semaphore_mem>>) src(%dma_wait3A_186 : memref<10000x128xf32, #tpu.memory_space<hbm>>) dst(%arg10 : memref<128x128xf32, #tpu.memory_space<vmem>>)
        %mul3A_187 = arith.constant 128 : i32
        %mul3A_188 = arith.muli %add3A_180, %mul3A_187 : i32
        "tpu.region"() ({
          %run_scoped3A = tpu.sem_alloc : memref<!tpu.dma_semaphore, #tpu.memory_space<semaphore_mem>>
          %dma_start3A_196 = tpu.memref_slice %arg8[%mul3A_188] : memref<5120xi32, #tpu.memory_space<vmem>> -> memref<128xi32, #tpu.memory_space<vmem>>
          %dma_start3A_197 = arith.constant 0 : i32
          %dma_start3A_198 = arith.constant 0 : i32
          %dma_start3A_199 = tpu.memref_slice %arg11[%dma_start3A_197, %dma_start3A_198] : memref<10000x128xf32, #tpu.memory_space<vmem_shared>> -> memref<10000x128xf32, #tpu.memory_space<vmem_shared>>
          tpu.enqueue_indirect_dma source(%arg10 : memref<128x128xf32, #tpu.memory_space<vmem>>) target(%dma_start3A_199 : memref<10000x128xf32, #tpu.memory_space<vmem_shared>>) offsets(%dma_start3A_196 : memref<128xi32, #tpu.memory_space<vmem>>) semaphore(%run_scoped3A : memref<!tpu.dma_semaphore, #tpu.memory_space<semaphore_mem>>) {add = true}
          %dma_wait3A_200 = tpu.memref_slice %arg8[%mul3A_188] : memref<5120xi32, #tpu.memory_space<vmem>> -> memref<128xi32, #tpu.memory_space<vmem>>
          %dma_wait3A_201 = arith.constant 0 : i32
          %dma_wait3A_202 = arith.constant 0 : i32
          %dma_wait3A_203 = tpu.memref_slice %arg11[%dma_wait3A_201, %dma_wait3A_202] : memref<10000x128xf32, #tpu.memory_space<vmem_shared>> -> memref<10000x128xf32, #tpu.memory_space<vmem_shared>>
          tpu.wait_indirect_dma semaphore(%run_scoped3A : memref<!tpu.dma_semaphore, #tpu.memory_space<semaphore_mem>>) src(%arg10 : memref<128x128xf32, #tpu.memory_space<vmem>>) dst(%dma_wait3A_203 : memref<10000x128xf32, #tpu.memory_space<vmem_shared>>)
          tpu.yield
        }) : () -> ()
        %add3A_189 = arith.constant 2 : i32
        %add3A_190 = arith.addi %add3A_180, %add3A_189 : i32
        %lt3A_191 = arith.constant 40 : i32
        %lt3A_192 = arith.cmpi slt, %add3A_190, %lt3A_191 : i32
        %convert_element_type3A_193 = arith.extui %lt3A_192 : i1 to i32
        %cond3A_194 = arith.constant 0 : i32
        %cond3A_195 = arith.cmpi ne, %convert_element_type3A_193, %cond3A_194 : i32
        scf.if %cond3A_195 {
          %add3A_196 = arith.constant 2 : i32
          %add3A_197 = arith.addi %add3A_180, %add3A_196 : i32
          %mul3A_198 = arith.constant 128 : i32
          %mul3A_199 = arith.muli %add3A_197, %mul3A_198 : i32
          %dma_start3A_200 = tpu.memref_slice %arg7[%mul3A_199] : memref<5120xi32, #tpu.memory_space<vmem>> -> memref<128xi32, #tpu.memory_space<vmem>>
          %dma_start3A_201 = arith.constant 0 : i32
          %dma_start3A_202 = arith.constant 0 : i32
          %dma_start3A_203 = tpu.memref_slice %arg2[%dma_start3A_201, %dma_start3A_202] : memref<10000x128xf32, #tpu.memory_space<hbm>> -> memref<10000x128xf32, #tpu.memory_space<hbm>>
          tpu.enqueue_indirect_dma source(%dma_start3A_203 : memref<10000x128xf32, #tpu.memory_space<hbm>>) target(%arg10 : memref<128x128xf32, #tpu.memory_space<vmem>>) offsets(%dma_start3A_200 : memref<128xi32, #tpu.memory_space<vmem>>) semaphore(%arg13 : memref<!tpu.dma_semaphore, #tpu.memory_space<semaphore_mem>>)
        } else {
        }
      }
      %scan3A_156 = arith.constant 20 : i32
    } else {
    }
    %barrier3A_63 = arith.constant 0 : index
    tpu.barrier barrier_id(%barrier3A_63)
    %eq3A_64 = arith.constant 0 : i32
    %eq3A_65 = arith.cmpi eq, %arg0, %eq3A_64 : i32
    %lt3A_66 = arith.constant 15 : i32
    %lt3A_67 = arith.cmpi slt, %arg1, %lt3A_66 : i32
    %and3A = arith.andi %eq3A_65, %lt3A_67 : i1
    %convert_element_type3A_68 = arith.extui %and3A : i1 to i32
    %cond3A_69 = arith.constant 0 : i32
    %cond3A_70 = arith.cmpi ne, %convert_element_type3A_68, %cond3A_69 : i32
    scf.if %cond3A_70 {
      %mul3A_95 = arith.constant 640 : i32
      %mul3A_96 = arith.muli %arg1, %mul3A_95 : i32
      "tpu.region"() ({
        %run_scoped3A = tpu.sem_alloc : memref<!tpu.dma_semaphore, #tpu.memory_space<semaphore_mem>>
        %dma_start3A_97 = arith.constant 0 : i32
        %dma_start3A_98 = tpu.memref_slice %arg5[%mul3A_96, %dma_start3A_97] : memref<10000x128xf32, #tpu.memory_space<hbm>> -> memref<640x128xf32, #tpu.memory_space<hbm>>
        %dma_start3A_99 = arith.constant 0 : i32
        %dma_start3A_100 = tpu.memref_slice %arg11[%mul3A_96, %dma_start3A_99] : memref<10000x128xf32, #tpu.memory_space<vmem_shared>> -> memref<640x128xf32, #tpu.memory_space<vmem_shared>>
        tpu.enqueue_dma source(%dma_start3A_100 : memref<640x128xf32, #tpu.memory_space<vmem_shared>>) target(%dma_start3A_98 : memref<640x128xf32, #tpu.memory_space<hbm>>) target_semaphore(%run_scoped3A : memref<!tpu.dma_semaphore, #tpu.memory_space<semaphore_mem>>)
        %dma_wait3A = arith.constant 0 : i32
        %dma_wait3A_101 = tpu.memref_slice %arg5[%mul3A_96, %dma_wait3A] : memref<10000x128xf32, #tpu.memory_space<hbm>> -> memref<640x128xf32, #tpu.memory_space<hbm>>
        %dma_wait3A_102 = arith.constant 0 : i32
        %dma_wait3A_103 = tpu.memref_slice %arg11[%mul3A_96, %dma_wait3A_102] : memref<10000x128xf32, #tpu.memory_space<vmem_shared>> -> memref<640x128xf32, #tpu.memory_space<vmem_shared>>
        tpu.wait_dma2 semaphore(%run_scoped3A : memref<!tpu.dma_semaphore, #tpu.memory_space<semaphore_mem>>) src(%dma_wait3A_103 : memref<640x128xf32, #tpu.memory_space<vmem_shared>>) dst(%dma_wait3A_101 : memref<640x128xf32, #tpu.memory_space<hbm>>)
        tpu.yield
      }) : () -> ()
    } else {
    }
    %eq3A_71 = arith.constant 0 : i32
    %eq3A_72 = arith.cmpi eq, %arg0, %eq3A_71 : i32
    %eq3A_73 = arith.constant 15 : i32
    %eq3A_74 = arith.cmpi eq, %arg1, %eq3A_73 : i32
    %and3A_75 = arith.andi %eq3A_72, %eq3A_74 : i1
    %convert_element_type3A_76 = arith.extui %and3A_75 : i1 to i32
    %cond3A_77 = arith.constant 0 : i32
    %cond3A_78 = arith.cmpi ne, %convert_element_type3A_76, %cond3A_77 : i32
    scf.if %cond3A_78 {
      "tpu.region"() ({
        %run_scoped3A = tpu.sem_alloc : memref<!tpu.dma_semaphore, #tpu.memory_space<semaphore_mem>>
        %dma_start3A_95 = arith.constant 9600 : i32
        %dma_start3A_96 = arith.constant 0 : i32
        %dma_start3A_97 = tpu.memref_slice %arg5[%dma_start3A_95, %dma_start3A_96] : memref<10000x128xf32, #tpu.memory_space<hbm>> -> memref<400x128xf32, #tpu.memory_space<hbm>>
        %dma_start3A_98 = arith.constant 9600 : i32
        %dma_start3A_99 = arith.constant 0 : i32
        %dma_start3A_100 = tpu.memref_slice %arg11[%dma_start3A_98, %dma_start3A_99] : memref<10000x128xf32, #tpu.memory_space<vmem_shared>> -> memref<400x128xf32, #tpu.memory_space<vmem_shared>>
        tpu.enqueue_dma source(%dma_start3A_100 : memref<400x128xf32, #tpu.memory_space<vmem_shared>>) target(%dma_start3A_97 : memref<400x128xf32, #tpu.memory_space<hbm>>) target_semaphore(%run_scoped3A : memref<!tpu.dma_semaphore, #tpu.memory_space<semaphore_mem>>)
        %dma_wait3A = arith.constant 9600 : i32
        %dma_wait3A_101 = arith.constant 0 : i32
        %dma_wait3A_102 = tpu.memref_slice %arg5[%dma_wait3A, %dma_wait3A_101] : memref<10000x128xf32, #tpu.memory_space<hbm>> -> memref<400x128xf32, #tpu.memory_space<hbm>>
        %dma_wait3A_103 = arith.constant 9600 : i32
        %dma_wait3A_104 = arith.constant 0 : i32
        %dma_wait3A_105 = tpu.memref_slice %arg11[%dma_wait3A_103, %dma_wait3A_104] : memref<10000x128xf32, #tpu.memory_space<vmem_shared>> -> memref<400x128xf32, #tpu.memory_space<vmem_shared>>
        tpu.wait_dma2 semaphore(%run_scoped3A : memref<!tpu.dma_semaphore, #tpu.memory_space<semaphore_mem>>) src(%dma_wait3A_105 : memref<400x128xf32, #tpu.memory_space<vmem_shared>>) dst(%dma_wait3A_102 : memref<400x128xf32, #tpu.memory_space<hbm>>)
        tpu.yield
      }) : () -> ()
    } else {
    }
    %eq3A_79 = arith.constant 1 : i32
    %eq3A_80 = arith.cmpi eq, %arg0, %eq3A_79 : i32
    %lt3A_81 = arith.constant 15 : i32
    %lt3A_82 = arith.cmpi slt, %arg1, %lt3A_81 : i32
    %and3A_83 = arith.andi %eq3A_80, %lt3A_82 : i1
    %convert_element_type3A_84 = arith.extui %and3A_83 : i1 to i32
    %cond3A_85 = arith.constant 0 : i32
    %cond3A_86 = arith.cmpi ne, %convert_element_type3A_84, %cond3A_85 : i32
    scf.if %cond3A_86 {
      %mul3A_95 = arith.constant 640 : i32
      %mul3A_96 = arith.muli %arg1, %mul3A_95 : i32
      "tpu.region"() ({
        %run_scoped3A = tpu.sem_alloc : memref<!tpu.dma_semaphore, #tpu.memory_space<semaphore_mem>>
        %dma_start3A_97 = arith.constant 0 : i32
        %dma_start3A_98 = tpu.memref_slice %arg6[%mul3A_96, %dma_start3A_97] : memref<10000x128xf32, #tpu.memory_space<hbm>> -> memref<640x128xf32, #tpu.memory_space<hbm>>
        %dma_start3A_99 = arith.constant 0 : i32
        %dma_start3A_100 = tpu.memref_slice %arg11[%mul3A_96, %dma_start3A_99] : memref<10000x128xf32, #tpu.memory_space<vmem_shared>> -> memref<640x128xf32, #tpu.memory_space<vmem_shared>>
        tpu.enqueue_dma source(%dma_start3A_100 : memref<640x128xf32, #tpu.memory_space<vmem_shared>>) target(%dma_start3A_98 : memref<640x128xf32, #tpu.memory_space<hbm>>) target_semaphore(%run_scoped3A : memref<!tpu.dma_semaphore, #tpu.memory_space<semaphore_mem>>)
        %dma_wait3A = arith.constant 0 : i32
        %dma_wait3A_101 = tpu.memref_slice %arg6[%mul3A_96, %dma_wait3A] : memref<10000x128xf32, #tpu.memory_space<hbm>> -> memref<640x128xf32, #tpu.memory_space<hbm>>
        %dma_wait3A_102 = arith.constant 0 : i32
        %dma_wait3A_103 = tpu.memref_slice %arg11[%mul3A_96, %dma_wait3A_102] : memref<10000x128xf32, #tpu.memory_space<vmem_shared>> -> memref<640x128xf32, #tpu.memory_space<vmem_shared>>
        tpu.wait_dma2 semaphore(%run_scoped3A : memref<!tpu.dma_semaphore, #tpu.memory_space<semaphore_mem>>) src(%dma_wait3A_103 : memref<640x128xf32, #tpu.memory_space<vmem_shared>>) dst(%dma_wait3A_101 : memref<640x128xf32, #tpu.memory_space<hbm>>)
        tpu.yield
      }) : () -> ()
    } else {
    }
    %eq3A_87 = arith.constant 1 : i32
    %eq3A_88 = arith.cmpi eq, %arg0, %eq3A_87 : i32
    %eq3A_89 = arith.constant 15 : i32
    %eq3A_90 = arith.cmpi eq, %arg1, %eq3A_89 : i32
    %and3A_91 = arith.andi %eq3A_88, %eq3A_90 : i1
    %convert_element_type3A_92 = arith.extui %and3A_91 : i1 to i32
    %cond3A_93 = arith.constant 0 : i32
    %cond3A_94 = arith.cmpi ne, %convert_element_type3A_92, %cond3A_93 : i32
    scf.if %cond3A_94 {
      "tpu.region"() ({
        %run_scoped3A = tpu.sem_alloc : memref<!tpu.dma_semaphore, #tpu.memory_space<semaphore_mem>>
        %dma_start3A_95 = arith.constant 9600 : i32
        %dma_start3A_96 = arith.constant 0 : i32
        %dma_start3A_97 = tpu.memref_slice %arg6[%dma_start3A_95, %dma_start3A_96] : memref<10000x128xf32, #tpu.memory_space<hbm>> -> memref<400x128xf32, #tpu.memory_space<hbm>>
        %dma_start3A_98 = arith.constant 9600 : i32
        %dma_start3A_99 = arith.constant 0 : i32
        %dma_start3A_100 = tpu.memref_slice %arg11[%dma_start3A_98, %dma_start3A_99] : memref<10000x128xf32, #tpu.memory_space<vmem_shared>> -> memref<400x128xf32, #tpu.memory_space<vmem_shared>>
        tpu.enqueue_dma source(%dma_start3A_100 : memref<400x128xf32, #tpu.memory_space<vmem_shared>>) target(%dma_start3A_97 : memref<400x128xf32, #tpu.memory_space<hbm>>) target_semaphore(%run_scoped3A : memref<!tpu.dma_semaphore, #tpu.memory_space<semaphore_mem>>)
        %dma_wait3A = arith.constant 9600 : i32
        %dma_wait3A_101 = arith.constant 0 : i32
        %dma_wait3A_102 = tpu.memref_slice %arg6[%dma_wait3A, %dma_wait3A_101] : memref<10000x128xf32, #tpu.memory_space<hbm>> -> memref<400x128xf32, #tpu.memory_space<hbm>>
        %dma_wait3A_103 = arith.constant 9600 : i32
        %dma_wait3A_104 = arith.constant 0 : i32
        %dma_wait3A_105 = tpu.memref_slice %arg11[%dma_wait3A_103, %dma_wait3A_104] : memref<10000x128xf32, #tpu.memory_space<vmem_shared>> -> memref<400x128xf32, #tpu.memory_space<vmem_shared>>
        tpu.wait_dma2 semaphore(%run_scoped3A : memref<!tpu.dma_semaphore, #tpu.memory_space<semaphore_mem>>) src(%dma_wait3A_105 : memref<400x128xf32, #tpu.memory_space<vmem_shared>>) dst(%dma_wait3A_102 : memref<400x128xf32, #tpu.memory_space<hbm>>)
        tpu.yield
      }) : () -> ()
    } else {
    }
    return
  }
}

#map = affine_map<(d0, d1) -> (0, 0)>
module attributes {stable_mosaic.version = 14 : i64} {
  func.func @k(%arg0: i32, %arg1: i32, %arg2: memref<10000x128xf32, #tpu.memory_space<hbm>>, %arg3: memref<2x320000xi32, #tpu.memory_space<hbm>>, %arg4: memref<640x128xf32, #tpu.memory_space<hbm>>, %arg5: memref<10000x128xf32, #tpu.memory_space<hbm>>, %arg6: memref<10000x128xf32, #tpu.memory_space<hbm>>, %arg7: memref<5120xi32, #tpu.memory_space<vmem>>, %arg8: memref<5120xi32, #tpu.memory_space<vmem>>, %arg9: memref<128x128xf32, #tpu.memory_space<vmem>>, %arg10: memref<128x128xf32, #tpu.memory_space<vmem>>, %arg11: memref<10000x128xf32, #tpu.memory_space<vmem_shared>>, %arg12: memref<!tpu.dma_semaphore, #tpu.memory_space<semaphore_mem>>, %arg13: memref<!tpu.dma_semaphore, #tpu.memory_space<semaphore_mem>>) attributes {dimension_semantics = [#tpu.dimension_semantics<core_parallel>, #tpu.dimension_semantics<subcore_parallel>], iteration_bounds = array<i64: 2, 16>, scalar_prefetch = 0 : i64, scratch_operands = 7 : i64, tpu.core_type = #tpu.core_type<sc_vector_subcore>, window_params = [{transform_indices = #map}, {transform_indices = #map}, {transform_indices = #map}, {transform_indices = #map}, {transform_indices = #map}]} {
    %mul3A = arith.constant 16 : i32
    %mul3A_0 = arith.muli %arg0, %mul3A : i32
    %add3A = arith.addi %mul3A_0, %arg1 : i32
    %eq3A = arith.constant 31 : i32
    %eq3A_1 = arith.cmpi eq, %add3A, %eq3A : i32
    %lt3A = arith.constant 15 : i32
    %lt3A_2 = arith.cmpi slt, %arg1, %lt3A : i32
    %convert_element_type3A = arith.extui %lt3A_2 : i1 to i32
    %cond3A = arith.constant 0 : i32
    %cond3A_3 = arith.cmpi ne, %convert_element_type3A, %cond3A : i32
    scf.if %cond3A_3 {
      %mul3A_95 = arith.constant 640 : i32
      %mul3A_96 = arith.muli %arg1, %mul3A_95 : i32
      %dma_start3A_97 = arith.constant 0 : i32
      %dma_start3A_98 = tpu.memref_slice %arg11[%mul3A_96, %dma_start3A_97] : memref<10000x128xf32, #tpu.memory_space<vmem_shared>> -> memref<640x128xf32, #tpu.memory_space<vmem_shared>>
      tpu.enqueue_dma source(%arg4 : memref<640x128xf32, #tpu.memory_space<hbm>>) target(%dma_start3A_98 : memref<640x128xf32, #tpu.memory_space<vmem_shared>>) target_semaphore(%arg12 : memref<!tpu.dma_semaphore, #tpu.memory_space<semaphore_mem>>)
    } else {
    }
    %eq3A_4 = arith.constant 15 : i32
    %eq3A_5 = arith.cmpi eq, %arg1, %eq3A_4 : i32
    %convert_element_type3A_6 = arith.extui %eq3A_5 : i1 to i32
    %cond3A_7 = arith.constant 0 : i32
    %cond3A_8 = arith.cmpi ne, %convert_element_type3A_6, %cond3A_7 : i32
    scf.if %cond3A_8 {
      %dma_start3A_95 = arith.constant 9600 : i32
      %dma_start3A_96 = arith.constant 0 : i32
      %dma_start3A_97 = tpu.memref_slice %arg11[%dma_start3A_95, %dma_start3A_96] : memref<10000x128xf32, #tpu.memory_space<vmem_shared>> -> memref<400x128xf32, #tpu.memory_space<vmem_shared>>
      %dma_start3A_98 = arith.constant 0 : i32
      %dma_start3A_99 = arith.constant 0 : i32
      %dma_start3A_100 = tpu.memref_slice %arg4[%dma_start3A_98, %dma_start3A_99] : memref<640x128xf32, #tpu.memory_space<hbm>> -> memref<400x128xf32, #tpu.memory_space<hbm>>
      tpu.enqueue_dma source(%dma_start3A_100 : memref<400x128xf32, #tpu.memory_space<hbm>>) target(%dma_start3A_97 : memref<400x128xf32, #tpu.memory_space<vmem_shared>>) target_semaphore(%arg12 : memref<!tpu.dma_semaphore, #tpu.memory_space<semaphore_mem>>)
    } else {
    }
    %mul3A_9 = arith.constant 80 : i32
    %mul3A_10 = arith.muli %add3A, %mul3A_9 : i32
    %convert_element_type3A_11 = arith.extui %eq3A_1 : i1 to i32
    %cond3A_12 = arith.constant 0 : i32
    %cond3A_13 = arith.cmpi ne, %convert_element_type3A_11, %cond3A_12 : i32
    scf.if %cond3A_13 {
      %dma_start3A_95 = arith.constant 0 : i32
      %dma_start3A_96 = arith.constant 0 : i32
      %dma_start3A_97 = tpu.memref_slice %arg7[%dma_start3A_96] : memref<5120xi32, #tpu.memory_space<vmem>> -> memref<2560xi32, #tpu.memory_space<vmem>>
      %dma_start3A_98 = arith.constant 317440 : i32
      %dma_start3A_99 = tpu.memref_slice %arg3[%dma_start3A_95, %dma_start3A_98] : memref<2x320000xi32, #tpu.memory_space<hbm>> -> memref<1x2560xi32, #tpu.memory_space<hbm>>
      %dma_start3A_100 = tpu.memref_squeeze %dma_start3A_99 : memref<1x2560xi32, #tpu.memory_space<hbm>> -> memref<2560xi32, #tpu.memory_space<hbm>>
      %dma_start3A_101 = arith.constant 0 : i32
      %dma_start3A_102 = tpu.memref_slice %arg7[%dma_start3A_101] : memref<5120xi32, #tpu.memory_space<vmem>> -> memref<2560xi32, #tpu.memory_space<vmem>>
      %dma_start3A_103 = arith.constant 317440 : i32
      %dma_start3A_104 = tpu.memref_slice %arg3[%dma_start3A_95, %dma_start3A_103] : memref<2x320000xi32, #tpu.memory_space<hbm>> -> memref<1x2560xi32, #tpu.memory_space<hbm>>
      %dma_start3A_105 = tpu.memref_squeeze %dma_start3A_104 : memref<1x2560xi32, #tpu.memory_space<hbm>> -> memref<2560xi32, #tpu.memory_space<hbm>>
      tpu.enqueue_dma source(%dma_start3A_105 : memref<2560xi32, #tpu.memory_space<hbm>>) target(%dma_start3A_102 : memref<2560xi32, #tpu.memory_space<vmem>>) target_semaphore(%arg13 : memref<!tpu.dma_semaphore, #tpu.memory_space<semaphore_mem>>)
      %dma_start3A_106 = arith.constant 1 : i32
      %dma_start3A_107 = arith.constant 0 : i32
      %dma_start3A_108 = tpu.memref_slice %arg8[%dma_start3A_107] : memref<5120xi32, #tpu.memory_space<vmem>> -> memref<2560xi32, #tpu.memory_space<vmem>>
      %dma_start3A_109 = arith.constant 317440 : i32
      %dma_start3A_110 = tpu.memref_slice %arg3[%dma_start3A_106, %dma_start3A_109] : memref<2x320000xi32, #tpu.memory_space<hbm>> -> memref<1x2560xi32, #tpu.memory_space<hbm>>
      %dma_start3A_111 = tpu.memref_squeeze %dma_start3A_110 : memref<1x2560xi32, #tpu.memory_space<hbm>> -> memref<2560xi32, #tpu.memory_space<hbm>>
      %dma_start3A_112 = arith.constant 0 : i32
      %dma_start3A_113 = tpu.memref_slice %arg8[%dma_start3A_112] : memref<5120xi32, #tpu.memory_space<vmem>> -> memref<2560xi32, #tpu.memory_space<vmem>>
      %dma_start3A_114 = arith.constant 317440 : i32
      %dma_start3A_115 = tpu.memref_slice %arg3[%dma_start3A_106, %dma_start3A_114] : memref<2x320000xi32, #tpu.memory_space<hbm>> -> memref<1x2560xi32, #tpu.memory_space<hbm>>
      %dma_start3A_116 = tpu.memref_squeeze %dma_start3A_115 : memref<1x2560xi32, #tpu.memory_space<hbm>> -> memref<2560xi32, #tpu.memory_space<hbm>>
      tpu.enqueue_dma source(%dma_start3A_116 : memref<2560xi32, #tpu.memory_space<hbm>>) target(%dma_start3A_113 : memref<2560xi32, #tpu.memory_space<vmem>>) target_semaphore(%arg12 : memref<!tpu.dma_semaphore, #tpu.memory_space<semaphore_mem>>)
    } else {
    }
    %not3A = arith.constant true
    %not3A_14 = arith.xori %eq3A_1, %not3A : i1
    %convert_element_type3A_15 = arith.extui %not3A_14 : i1 to i32
    %cond3A_16 = arith.constant 0 : i32
    %cond3A_17 = arith.cmpi ne, %convert_element_type3A_15, %cond3A_16 : i32
    scf.if %cond3A_17 {
      %mul3A_95 = arith.constant 128 : i32
      %mul3A_96 = arith.muli %mul3A_10, %mul3A_95 : i32
      %dma_start3A_97 = arith.constant 0 : i32
      %dma_start3A_98 = arith.constant 0 : i32
      %dma_start3A_99 = tpu.memref_slice %arg7[%dma_start3A_98] : memref<5120xi32, #tpu.memory_space<vmem>> -> memref<5120xi32, #tpu.memory_space<vmem>>
      %dma_start3A_100 = tpu.memref_slice %arg3[%dma_start3A_97, %mul3A_96] : memref<2x320000xi32, #tpu.memory_space<hbm>> -> memref<1x5120xi32, #tpu.memory_space<hbm>>
      %dma_start3A_101 = tpu.memref_squeeze %dma_start3A_100 : memref<1x5120xi32, #tpu.memory_space<hbm>> -> memref<5120xi32, #tpu.memory_space<hbm>>
      %dma_start3A_102 = arith.constant 0 : i32
      %dma_start3A_103 = tpu.memref_slice %arg7[%dma_start3A_102] : memref<5120xi32, #tpu.memory_space<vmem>> -> memref<5120xi32, #tpu.memory_space<vmem>>
      %dma_start3A_104 = tpu.memref_slice %arg3[%dma_start3A_97, %mul3A_96] : memref<2x320000xi32, #tpu.memory_space<hbm>> -> memref<1x5120xi32, #tpu.memory_space<hbm>>
      %dma_start3A_105 = tpu.memref_squeeze %dma_start3A_104 : memref<1x5120xi32, #tpu.memory_space<hbm>> -> memref<5120xi32, #tpu.memory_space<hbm>>
      tpu.enqueue_dma source(%dma_start3A_105 : memref<5120xi32, #tpu.memory_space<hbm>>) target(%dma_start3A_103 : memref<5120xi32, #tpu.memory_space<vmem>>) target_semaphore(%arg13 : memref<!tpu.dma_semaphore, #tpu.memory_space<semaphore_mem>>)
      %mul3A_106 = arith.constant 128 : i32
      %mul3A_107 = arith.muli %mul3A_10, %mul3A_106 : i32
      %dma_start3A_108 = arith.constant 1 : i32
      %dma_start3A_109 = arith.constant 0 : i32
      %dma_start3A_110 = tpu.memref_slice %arg8[%dma_start3A_109] : memref<5120xi32, #tpu.memory_space<vmem>> -> memref<5120xi32, #tpu.memory_space<vmem>>
      %dma_start3A_111 = tpu.memref_slice %arg3[%dma_start3A_108, %mul3A_107] : memref<2x320000xi32, #tpu.memory_space<hbm>> -> memref<1x5120xi32, #tpu.memory_space<hbm>>
      %dma_start3A_112 = tpu.memref_squeeze %dma_start3A_111 : memref<1x5120xi32, #tpu.memory_space<hbm>> -> memref<5120xi32, #tpu.memory_space<hbm>>
      %dma_start3A_113 = arith.constant 0 : i32
      %dma_start3A_114 = tpu.memref_slice %arg8[%dma_start3A_113] : memref<5120xi32, #tpu.memory_space<vmem>> -> memref<5120xi32, #tpu.memory_space<vmem>>
      %dma_start3A_115 = tpu.memref_slice %arg3[%dma_start3A_108, %mul3A_107] : memref<2x320000xi32, #tpu.memory_space<hbm>> -> memref<1x5120xi32, #tpu.memory_space<hbm>>
      %dma_start3A_116 = tpu.memref_squeeze %dma_start3A_115 : memref<1x5120xi32, #tpu.memory_space<hbm>> -> memref<5120xi32, #tpu.memory_space<hbm>>
      tpu.enqueue_dma source(%dma_start3A_116 : memref<5120xi32, #tpu.memory_space<hbm>>) target(%dma_start3A_114 : memref<5120xi32, #tpu.memory_space<vmem>>) target_semaphore(%arg12 : memref<!tpu.dma_semaphore, #tpu.memory_space<semaphore_mem>>)
    } else {
    }
    %lt3A_18 = arith.constant 15 : i32
    %lt3A_19 = arith.cmpi slt, %arg1, %lt3A_18 : i32
    %convert_element_type3A_20 = arith.extui %lt3A_19 : i1 to i32
    %cond3A_21 = arith.constant 0 : i32
    %cond3A_22 = arith.cmpi ne, %convert_element_type3A_20, %cond3A_21 : i32
    scf.if %cond3A_22 {
      %mul3A_95 = arith.constant 640 : i32
      %mul3A_96 = arith.muli %arg1, %mul3A_95 : i32
      %dma_wait3A = arith.constant 0 : i32
      %dma_wait3A_97 = tpu.memref_slice %arg11[%mul3A_96, %dma_wait3A] : memref<10000x128xf32, #tpu.memory_space<vmem_shared>> -> memref<640x128xf32, #tpu.memory_space<vmem_shared>>
      tpu.wait_dma2 semaphore(%arg12 : memref<!tpu.dma_semaphore, #tpu.memory_space<semaphore_mem>>) src(%arg4 : memref<640x128xf32, #tpu.memory_space<hbm>>) dst(%dma_wait3A_97 : memref<640x128xf32, #tpu.memory_space<vmem_shared>>)
    } else {
    }
    %eq3A_23 = arith.constant 15 : i32
    %eq3A_24 = arith.cmpi eq, %arg1, %eq3A_23 : i32
    %convert_element_type3A_25 = arith.extui %eq3A_24 : i1 to i32
    %cond3A_26 = arith.constant 0 : i32
    %cond3A_27 = arith.cmpi ne, %convert_element_type3A_25, %cond3A_26 : i32
    scf.if %cond3A_27 {
      %dma_wait3A = arith.constant 9600 : i32
      %dma_wait3A_95 = arith.constant 0 : i32
      %dma_wait3A_96 = tpu.memref_slice %arg11[%dma_wait3A, %dma_wait3A_95] : memref<10000x128xf32, #tpu.memory_space<vmem_shared>> -> memref<400x128xf32, #tpu.memory_space<vmem_shared>>
      %dma_wait3A_97 = arith.constant 0 : i32
      %dma_wait3A_98 = arith.constant 0 : i32
      %dma_wait3A_99 = tpu.memref_slice %arg4[%dma_wait3A_97, %dma_wait3A_98] : memref<640x128xf32, #tpu.memory_space<hbm>> -> memref<400x128xf32, #tpu.memory_space<hbm>>
      tpu.wait_dma2 semaphore(%arg12 : memref<!tpu.dma_semaphore, #tpu.memory_space<semaphore_mem>>) src(%dma_wait3A_99 : memref<400x128xf32, #tpu.memory_space<hbm>>) dst(%dma_wait3A_96 : memref<400x128xf32, #tpu.memory_space<vmem_shared>>)
    } else {
    }
    %barrier3A = arith.constant 0 : index
    tpu.barrier barrier_id(%barrier3A)
    %convert_element_type3A_28 = arith.extui %eq3A_1 : i1 to i32
    %cond3A_29 = arith.constant 0 : i32
    %cond3A_30 = arith.cmpi ne, %convert_element_type3A_28, %cond3A_29 : i32
    scf.if %cond3A_30 {
      %dma_wait3A = arith.constant 0 : i32
      %dma_wait3A_95 = arith.constant 0 : i32
      %dma_wait3A_96 = tpu.memref_slice %arg7[%dma_wait3A_95] : memref<5120xi32, #tpu.memory_space<vmem>> -> memref<2560xi32, #tpu.memory_space<vmem>>
      %dma_wait3A_97 = arith.constant 317440 : i32
      %dma_wait3A_98 = tpu.memref_slice %arg3[%dma_wait3A, %dma_wait3A_97] : memref<2x320000xi32, #tpu.memory_space<hbm>> -> memref<1x2560xi32, #tpu.memory_space<hbm>>
      %dma_wait3A_99 = tpu.memref_squeeze %dma_wait3A_98 : memref<1x2560xi32, #tpu.memory_space<hbm>> -> memref<2560xi32, #tpu.memory_space<hbm>>
      %dma_wait3A_100 = arith.constant 0 : i32
      %dma_wait3A_101 = tpu.memref_slice %arg7[%dma_wait3A_100] : memref<5120xi32, #tpu.memory_space<vmem>> -> memref<2560xi32, #tpu.memory_space<vmem>>
      %dma_wait3A_102 = arith.constant 317440 : i32
      %dma_wait3A_103 = tpu.memref_slice %arg3[%dma_wait3A, %dma_wait3A_102] : memref<2x320000xi32, #tpu.memory_space<hbm>> -> memref<1x2560xi32, #tpu.memory_space<hbm>>
      %dma_wait3A_104 = tpu.memref_squeeze %dma_wait3A_103 : memref<1x2560xi32, #tpu.memory_space<hbm>> -> memref<2560xi32, #tpu.memory_space<hbm>>
      tpu.wait_dma2 semaphore(%arg13 : memref<!tpu.dma_semaphore, #tpu.memory_space<semaphore_mem>>) src(%dma_wait3A_104 : memref<2560xi32, #tpu.memory_space<hbm>>) dst(%dma_wait3A_101 : memref<2560xi32, #tpu.memory_space<vmem>>)
      %dma_wait3A_105 = arith.constant 1 : i32
      %dma_wait3A_106 = arith.constant 0 : i32
      %dma_wait3A_107 = tpu.memref_slice %arg8[%dma_wait3A_106] : memref<5120xi32, #tpu.memory_space<vmem>> -> memref<2560xi32, #tpu.memory_space<vmem>>
      %dma_wait3A_108 = arith.constant 317440 : i32
      %dma_wait3A_109 = tpu.memref_slice %arg3[%dma_wait3A_105, %dma_wait3A_108] : memref<2x320000xi32, #tpu.memory_space<hbm>> -> memref<1x2560xi32, #tpu.memory_space<hbm>>
      %dma_wait3A_110 = tpu.memref_squeeze %dma_wait3A_109 : memref<1x2560xi32, #tpu.memory_space<hbm>> -> memref<2560xi32, #tpu.memory_space<hbm>>
      %dma_wait3A_111 = arith.constant 0 : i32
      %dma_wait3A_112 = tpu.memref_slice %arg8[%dma_wait3A_111] : memref<5120xi32, #tpu.memory_space<vmem>> -> memref<2560xi32, #tpu.memory_space<vmem>>
      %dma_wait3A_113 = arith.constant 317440 : i32
      %dma_wait3A_114 = tpu.memref_slice %arg3[%dma_wait3A_105, %dma_wait3A_113] : memref<2x320000xi32, #tpu.memory_space<hbm>> -> memref<1x2560xi32, #tpu.memory_space<hbm>>
      %dma_wait3A_115 = tpu.memref_squeeze %dma_wait3A_114 : memref<1x2560xi32, #tpu.memory_space<hbm>> -> memref<2560xi32, #tpu.memory_space<hbm>>
      tpu.wait_dma2 semaphore(%arg12 : memref<!tpu.dma_semaphore, #tpu.memory_space<semaphore_mem>>) src(%dma_wait3A_115 : memref<2560xi32, #tpu.memory_space<hbm>>) dst(%dma_wait3A_112 : memref<2560xi32, #tpu.memory_space<vmem>>)
    } else {
    }
    %not3A_31 = arith.constant true
    %not3A_32 = arith.xori %eq3A_1, %not3A_31 : i1
    %convert_element_type3A_33 = arith.extui %not3A_32 : i1 to i32
    %cond3A_34 = arith.constant 0 : i32
    %cond3A_35 = arith.cmpi ne, %convert_element_type3A_33, %cond3A_34 : i32
    scf.if %cond3A_35 {
      %mul3A_95 = arith.constant 128 : i32
      %mul3A_96 = arith.muli %mul3A_10, %mul3A_95 : i32
      %dma_wait3A = arith.constant 0 : i32
      %dma_wait3A_97 = arith.constant 0 : i32
      %dma_wait3A_98 = tpu.memref_slice %arg7[%dma_wait3A_97] : memref<5120xi32, #tpu.memory_space<vmem>> -> memref<5120xi32, #tpu.memory_space<vmem>>
      %dma_wait3A_99 = tpu.memref_slice %arg3[%dma_wait3A, %mul3A_96] : memref<2x320000xi32, #tpu.memory_space<hbm>> -> memref<1x5120xi32, #tpu.memory_space<hbm>>
      %dma_wait3A_100 = tpu.memref_squeeze %dma_wait3A_99 : memref<1x5120xi32, #tpu.memory_space<hbm>> -> memref<5120xi32, #tpu.memory_space<hbm>>
      %dma_wait3A_101 = arith.constant 0 : i32
      %dma_wait3A_102 = tpu.memref_slice %arg7[%dma_wait3A_101] : memref<5120xi32, #tpu.memory_space<vmem>> -> memref<5120xi32, #tpu.memory_space<vmem>>
      %dma_wait3A_103 = tpu.memref_slice %arg3[%dma_wait3A, %mul3A_96] : memref<2x320000xi32, #tpu.memory_space<hbm>> -> memref<1x5120xi32, #tpu.memory_space<hbm>>
      %dma_wait3A_104 = tpu.memref_squeeze %dma_wait3A_103 : memref<1x5120xi32, #tpu.memory_space<hbm>> -> memref<5120xi32, #tpu.memory_space<hbm>>
      tpu.wait_dma2 semaphore(%arg13 : memref<!tpu.dma_semaphore, #tpu.memory_space<semaphore_mem>>) src(%dma_wait3A_104 : memref<5120xi32, #tpu.memory_space<hbm>>) dst(%dma_wait3A_102 : memref<5120xi32, #tpu.memory_space<vmem>>)
      %mul3A_105 = arith.constant 128 : i32
      %mul3A_106 = arith.muli %mul3A_10, %mul3A_105 : i32
      %dma_wait3A_107 = arith.constant 1 : i32
      %dma_wait3A_108 = arith.constant 0 : i32
      %dma_wait3A_109 = tpu.memref_slice %arg8[%dma_wait3A_108] : memref<5120xi32, #tpu.memory_space<vmem>> -> memref<5120xi32, #tpu.memory_space<vmem>>
      %dma_wait3A_110 = tpu.memref_slice %arg3[%dma_wait3A_107, %mul3A_106] : memref<2x320000xi32, #tpu.memory_space<hbm>> -> memref<1x5120xi32, #tpu.memory_space<hbm>>
      %dma_wait3A_111 = tpu.memref_squeeze %dma_wait3A_110 : memref<1x5120xi32, #tpu.memory_space<hbm>> -> memref<5120xi32, #tpu.memory_space<hbm>>
      %dma_wait3A_112 = arith.constant 0 : i32
      %dma_wait3A_113 = tpu.memref_slice %arg8[%dma_wait3A_112] : memref<5120xi32, #tpu.memory_space<vmem>> -> memref<5120xi32, #tpu.memory_space<vmem>>
      %dma_wait3A_114 = tpu.memref_slice %arg3[%dma_wait3A_107, %mul3A_106] : memref<2x320000xi32, #tpu.memory_space<hbm>> -> memref<1x5120xi32, #tpu.memory_space<hbm>>
      %dma_wait3A_115 = tpu.memref_squeeze %dma_wait3A_114 : memref<1x5120xi32, #tpu.memory_space<hbm>> -> memref<5120xi32, #tpu.memory_space<hbm>>
      tpu.wait_dma2 semaphore(%arg12 : memref<!tpu.dma_semaphore, #tpu.memory_space<semaphore_mem>>) src(%dma_wait3A_115 : memref<5120xi32, #tpu.memory_space<hbm>>) dst(%dma_wait3A_113 : memref<5120xi32, #tpu.memory_space<vmem>>)
    } else {
    }
    %jit3A = arith.constant 10 : i32
    %jit3A_36 = arith.constant 20 : i32
    %select_n3A = arith.select %eq3A_1, %jit3A, %jit3A_36 : i32
    %jit3A_37 = arith.constant 20 : i32
    %jit3A_38 = arith.constant 40 : i32
    %select_n3A_39 = arith.select %eq3A_1, %jit3A_37, %jit3A_38 : i32
    %dma_start3A = arith.constant 0 : i32
    %dma_start3A_40 = tpu.memref_slice %arg7[%dma_start3A] : memref<5120xi32, #tpu.memory_space<vmem>> -> memref<128xi32, #tpu.memory_space<vmem>>
    %dma_start3A_41 = arith.constant 0 : i32
    %dma_start3A_42 = arith.constant 0 : i32
    %dma_start3A_43 = tpu.memref_slice %arg2[%dma_start3A_41, %dma_start3A_42] : memref<10000x128xf32, #tpu.memory_space<hbm>> -> memref<10000x128xf32, #tpu.memory_space<hbm>>
    tpu.enqueue_indirect_dma source(%dma_start3A_43 : memref<10000x128xf32, #tpu.memory_space<hbm>>) target(%arg9 : memref<128x128xf32, #tpu.memory_space<vmem>>) offsets(%dma_start3A_40 : memref<128xi32, #tpu.memory_space<vmem>>) semaphore(%arg12 : memref<!tpu.dma_semaphore, #tpu.memory_space<semaphore_mem>>)
    %dma_start3A_44 = arith.constant 128 : i32
    %dma_start3A_45 = tpu.memref_slice %arg7[%dma_start3A_44] : memref<5120xi32, #tpu.memory_space<vmem>> -> memref<128xi32, #tpu.memory_space<vmem>>
    %dma_start3A_46 = arith.constant 0 : i32
    %dma_start3A_47 = arith.constant 0 : i32
    %dma_start3A_48 = tpu.memref_slice %arg2[%dma_start3A_46, %dma_start3A_47] : memref<10000x128xf32, #tpu.memory_space<hbm>> -> memref<10000x128xf32, #tpu.memory_space<hbm>>
    tpu.enqueue_indirect_dma source(%dma_start3A_48 : memref<10000x128xf32, #tpu.memory_space<hbm>>) target(%arg10 : memref<128x128xf32, #tpu.memory_space<vmem>>) offsets(%dma_start3A_45 : memref<128xi32, #tpu.memory_space<vmem>>) semaphore(%arg13 : memref<!tpu.dma_semaphore, #tpu.memory_space<semaphore_mem>>)
    %while3A = arith.constant 0 : i32
    %while3A_49 = arith.constant 0 : i32
    %while3A_50 = arith.subi %select_n3A, %while3A_49 : i32
    %while3A_51 = arith.addi %while3A_49, %while3A_50 : i32
    %while3A_52 = arith.constant 1 : i32
    %while3A_53 = arith.divsi %while3A_50, %while3A_52 : i32
    %while3A_54 = arith.muli %while3A_53, %while3A_52 : i32
    %while3A_55 = arith.addi %while3A_49, %while3A_54 : i32
    %while3A_56 = arith.constant 1 : i32
    scf.for %while3A_95 = %while3A_49 to %while3A_55 step %while3A_56  : i32 {
      %mul3A_96 = arith.constant 2 : i32
      %mul3A_97 = arith.muli %while3A_95, %mul3A_96 : i32
      %add3A_98 = arith.constant 0 : i32
      %add3A_99 = arith.addi %mul3A_97, %add3A_98 : i32
      %mul3A_100 = arith.constant 128 : i32
      %mul3A_101 = arith.muli %add3A_99, %mul3A_100 : i32
      %dma_wait3A = tpu.memref_slice %arg7[%mul3A_101] : memref<5120xi32, #tpu.memory_space<vmem>> -> memref<128xi32, #tpu.memory_space<vmem>>
      %dma_wait3A_102 = arith.constant 0 : i32
      %dma_wait3A_103 = arith.constant 0 : i32
      %dma_wait3A_104 = tpu.memref_slice %arg2[%dma_wait3A_102, %dma_wait3A_103] : memref<10000x128xf32, #tpu.memory_space<hbm>> -> memref<10000x128xf32, #tpu.memory_space<hbm>>
      tpu.wait_indirect_dma semaphore(%arg12 : memref<!tpu.dma_semaphore, #tpu.memory_space<semaphore_mem>>) src(%dma_wait3A_104 : memref<10000x128xf32, #tpu.memory_space<hbm>>) dst(%arg9 : memref<128x128xf32, #tpu.memory_space<vmem>>)
      %mul3A_105 = arith.constant 128 : i32
      %mul3A_106 = arith.muli %add3A_99, %mul3A_105 : i32
      "tpu.region"() ({
        %run_scoped3A = tpu.sem_alloc : memref<!tpu.dma_semaphore, #tpu.memory_space<semaphore_mem>>
        %dma_start3A_131 = tpu.memref_slice %arg8[%mul3A_106] : memref<5120xi32, #tpu.memory_space<vmem>> -> memref<128xi32, #tpu.memory_space<vmem>>
        %dma_start3A_132 = arith.constant 0 : i32
        %dma_start3A_133 = arith.constant 0 : i32
        %dma_start3A_134 = tpu.memref_slice %arg11[%dma_start3A_132, %dma_start3A_133] : memref<10000x128xf32, #tpu.memory_space<vmem_shared>> -> memref<10000x128xf32, #tpu.memory_space<vmem_shared>>
        tpu.enqueue_indirect_dma source(%arg9 : memref<128x128xf32, #tpu.memory_space<vmem>>) target(%dma_start3A_134 : memref<10000x128xf32, #tpu.memory_space<vmem_shared>>) offsets(%dma_start3A_131 : memref<128xi32, #tpu.memory_space<vmem>>) semaphore(%run_scoped3A : memref<!tpu.dma_semaphore, #tpu.memory_space<semaphore_mem>>) {add = true}
        %dma_wait3A_135 = tpu.memref_slice %arg8[%mul3A_106] : memref<5120xi32, #tpu.memory_space<vmem>> -> memref<128xi32, #tpu.memory_space<vmem>>
        %dma_wait3A_136 = arith.constant 0 : i32
        %dma_wait3A_137 = arith.constant 0 : i32
        %dma_wait3A_138 = tpu.memref_slice %arg11[%dma_wait3A_136, %dma_wait3A_137] : memref<10000x128xf32, #tpu.memory_space<vmem_shared>> -> memref<10000x128xf32, #tpu.memory_space<vmem_shared>>
        tpu.wait_indirect_dma semaphore(%run_scoped3A : memref<!tpu.dma_semaphore, #tpu.memory_space<semaphore_mem>>) src(%arg9 : memref<128x128xf32, #tpu.memory_space<vmem>>) dst(%dma_wait3A_138 : memref<10000x128xf32, #tpu.memory_space<vmem_shared>>)
        tpu.yield
      }) : () -> ()
      %add3A_107 = arith.constant 2 : i32
      %add3A_108 = arith.addi %add3A_99, %add3A_107 : i32
      %lt3A_109 = arith.cmpi slt, %add3A_108, %select_n3A_39 : i32
      %convert_element_type3A_110 = arith.extui %lt3A_109 : i1 to i32
      %cond3A_111 = arith.constant 0 : i32
      %cond3A_112 = arith.cmpi ne, %convert_element_type3A_110, %cond3A_111 : i32
      scf.if %cond3A_112 {
        %add3A_131 = arith.constant 2 : i32
        %add3A_132 = arith.addi %add3A_99, %add3A_131 : i32
        %mul3A_133 = arith.constant 128 : i32
        %mul3A_134 = arith.muli %add3A_132, %mul3A_133 : i32
        %dma_start3A_135 = tpu.memref_slice %arg7[%mul3A_134] : memref<5120xi32, #tpu.memory_space<vmem>> -> memref<128xi32, #tpu.memory_space<vmem>>
        %dma_start3A_136 = arith.constant 0 : i32
        %dma_start3A_137 = arith.constant 0 : i32
        %dma_start3A_138 = tpu.memref_slice %arg2[%dma_start3A_136, %dma_start3A_137] : memref<10000x128xf32, #tpu.memory_space<hbm>> -> memref<10000x128xf32, #tpu.memory_space<hbm>>
        tpu.enqueue_indirect_dma source(%dma_start3A_138 : memref<10000x128xf32, #tpu.memory_space<hbm>>) target(%arg9 : memref<128x128xf32, #tpu.memory_space<vmem>>) offsets(%dma_start3A_135 : memref<128xi32, #tpu.memory_space<vmem>>) semaphore(%arg12 : memref<!tpu.dma_semaphore, #tpu.memory_space<semaphore_mem>>)
      } else {
      }
      %mul3A_113 = arith.constant 2 : i32
      %mul3A_114 = arith.muli %while3A_95, %mul3A_113 : i32
      %add3A_115 = arith.constant 1 : i32
      %add3A_116 = arith.addi %mul3A_114, %add3A_115 : i32
      %mul3A_117 = arith.constant 128 : i32
      %mul3A_118 = arith.muli %add3A_116, %mul3A_117 : i32
      %dma_wait3A_119 = tpu.memref_slice %arg7[%mul3A_118] : memref<5120xi32, #tpu.memory_space<vmem>> -> memref<128xi32, #tpu.memory_space<vmem>>
      %dma_wait3A_120 = arith.constant 0 : i32
      %dma_wait3A_121 = arith.constant 0 : i32
      %dma_wait3A_122 = tpu.memref_slice %arg2[%dma_wait3A_120, %dma_wait3A_121] : memref<10000x128xf32, #tpu.memory_space<hbm>> -> memref<10000x128xf32, #tpu.memory_space<hbm>>
      tpu.wait_indirect_dma semaphore(%arg13 : memref<!tpu.dma_semaphore, #tpu.memory_space<semaphore_mem>>) src(%dma_wait3A_122 : memref<10000x128xf32, #tpu.memory_space<hbm>>) dst(%arg10 : memref<128x128xf32, #tpu.memory_space<vmem>>)
      %mul3A_123 = arith.constant 128 : i32
      %mul3A_124 = arith.muli %add3A_116, %mul3A_123 : i32
      "tpu.region"() ({
        %run_scoped3A = tpu.sem_alloc : memref<!tpu.dma_semaphore, #tpu.memory_space<semaphore_mem>>
        %dma_start3A_131 = tpu.memref_slice %arg8[%mul3A_124] : memref<5120xi32, #tpu.memory_space<vmem>> -> memref<128xi32, #tpu.memory_space<vmem>>
        %dma_start3A_132 = arith.constant 0 : i32
        %dma_start3A_133 = arith.constant 0 : i32
        %dma_start3A_134 = tpu.memref_slice %arg11[%dma_start3A_132, %dma_start3A_133] : memref<10000x128xf32, #tpu.memory_space<vmem_shared>> -> memref<10000x128xf32, #tpu.memory_space<vmem_shared>>
        tpu.enqueue_indirect_dma source(%arg10 : memref<128x128xf32, #tpu.memory_space<vmem>>) target(%dma_start3A_134 : memref<10000x128xf32, #tpu.memory_space<vmem_shared>>) offsets(%dma_start3A_131 : memref<128xi32, #tpu.memory_space<vmem>>) semaphore(%run_scoped3A : memref<!tpu.dma_semaphore, #tpu.memory_space<semaphore_mem>>) {add = true}
        %dma_wait3A_135 = tpu.memref_slice %arg8[%mul3A_124] : memref<5120xi32, #tpu.memory_space<vmem>> -> memref<128xi32, #tpu.memory_space<vmem>>
        %dma_wait3A_136 = arith.constant 0 : i32
        %dma_wait3A_137 = arith.constant 0 : i32
        %dma_wait3A_138 = tpu.memref_slice %arg11[%dma_wait3A_136, %dma_wait3A_137] : memref<10000x128xf32, #tpu.memory_space<vmem_shared>> -> memref<10000x128xf32, #tpu.memory_space<vmem_shared>>
        tpu.wait_indirect_dma semaphore(%run_scoped3A : memref<!tpu.dma_semaphore, #tpu.memory_space<semaphore_mem>>) src(%arg10 : memref<128x128xf32, #tpu.memory_space<vmem>>) dst(%dma_wait3A_138 : memref<10000x128xf32, #tpu.memory_space<vmem_shared>>)
        tpu.yield
      }) : () -> ()
      %add3A_125 = arith.constant 2 : i32
      %add3A_126 = arith.addi %add3A_116, %add3A_125 : i32
      %lt3A_127 = arith.cmpi slt, %add3A_126, %select_n3A_39 : i32
      %convert_element_type3A_128 = arith.extui %lt3A_127 : i1 to i32
      %cond3A_129 = arith.constant 0 : i32
      %cond3A_130 = arith.cmpi ne, %convert_element_type3A_128, %cond3A_129 : i32
      scf.if %cond3A_130 {
        %add3A_131 = arith.constant 2 : i32
        %add3A_132 = arith.addi %add3A_116, %add3A_131 : i32
        %mul3A_133 = arith.constant 128 : i32
        %mul3A_134 = arith.muli %add3A_132, %mul3A_133 : i32
        %dma_start3A_135 = tpu.memref_slice %arg7[%mul3A_134] : memref<5120xi32, #tpu.memory_space<vmem>> -> memref<128xi32, #tpu.memory_space<vmem>>
        %dma_start3A_136 = arith.constant 0 : i32
        %dma_start3A_137 = arith.constant 0 : i32
        %dma_start3A_138 = tpu.memref_slice %arg2[%dma_start3A_136, %dma_start3A_137] : memref<10000x128xf32, #tpu.memory_space<hbm>> -> memref<10000x128xf32, #tpu.memory_space<hbm>>
        tpu.enqueue_indirect_dma source(%dma_start3A_138 : memref<10000x128xf32, #tpu.memory_space<hbm>>) target(%arg10 : memref<128x128xf32, #tpu.memory_space<vmem>>) offsets(%dma_start3A_135 : memref<128xi32, #tpu.memory_space<vmem>>) semaphore(%arg13 : memref<!tpu.dma_semaphore, #tpu.memory_space<semaphore_mem>>)
      } else {
      }
    }
    %while3A_57 = arith.constant 1 : i32
    scf.for %while3A_95 = %while3A_55 to %while3A_51 step %while3A_57  : i32 {
      %mul3A_96 = arith.constant 2 : i32
      %mul3A_97 = arith.muli %while3A_95, %mul3A_96 : i32
      %add3A_98 = arith.constant 0 : i32
      %add3A_99 = arith.addi %mul3A_97, %add3A_98 : i32
      %mul3A_100 = arith.constant 128 : i32
      %mul3A_101 = arith.muli %add3A_99, %mul3A_100 : i32
      %dma_wait3A = tpu.memref_slice %arg7[%mul3A_101] : memref<5120xi32, #tpu.memory_space<vmem>> -> memref<128xi32, #tpu.memory_space<vmem>>
      %dma_wait3A_102 = arith.constant 0 : i32
      %dma_wait3A_103 = arith.constant 0 : i32
      %dma_wait3A_104 = tpu.memref_slice %arg2[%dma_wait3A_102, %dma_wait3A_103] : memref<10000x128xf32, #tpu.memory_space<hbm>> -> memref<10000x128xf32, #tpu.memory_space<hbm>>
      tpu.wait_indirect_dma semaphore(%arg12 : memref<!tpu.dma_semaphore, #tpu.memory_space<semaphore_mem>>) src(%dma_wait3A_104 : memref<10000x128xf32, #tpu.memory_space<hbm>>) dst(%arg9 : memref<128x128xf32, #tpu.memory_space<vmem>>)
      %mul3A_105 = arith.constant 128 : i32
      %mul3A_106 = arith.muli %add3A_99, %mul3A_105 : i32
      "tpu.region"() ({
        %run_scoped3A = tpu.sem_alloc : memref<!tpu.dma_semaphore, #tpu.memory_space<semaphore_mem>>
        %dma_start3A_131 = tpu.memref_slice %arg8[%mul3A_106] : memref<5120xi32, #tpu.memory_space<vmem>> -> memref<128xi32, #tpu.memory_space<vmem>>
        %dma_start3A_132 = arith.constant 0 : i32
        %dma_start3A_133 = arith.constant 0 : i32
        %dma_start3A_134 = tpu.memref_slice %arg11[%dma_start3A_132, %dma_start3A_133] : memref<10000x128xf32, #tpu.memory_space<vmem_shared>> -> memref<10000x128xf32, #tpu.memory_space<vmem_shared>>
        tpu.enqueue_indirect_dma source(%arg9 : memref<128x128xf32, #tpu.memory_space<vmem>>) target(%dma_start3A_134 : memref<10000x128xf32, #tpu.memory_space<vmem_shared>>) offsets(%dma_start3A_131 : memref<128xi32, #tpu.memory_space<vmem>>) semaphore(%run_scoped3A : memref<!tpu.dma_semaphore, #tpu.memory_space<semaphore_mem>>) {add = true}
        %dma_wait3A_135 = tpu.memref_slice %arg8[%mul3A_106] : memref<5120xi32, #tpu.memory_space<vmem>> -> memref<128xi32, #tpu.memory_space<vmem>>
        %dma_wait3A_136 = arith.constant 0 : i32
        %dma_wait3A_137 = arith.constant 0 : i32
        %dma_wait3A_138 = tpu.memref_slice %arg11[%dma_wait3A_136, %dma_wait3A_137] : memref<10000x128xf32, #tpu.memory_space<vmem_shared>> -> memref<10000x128xf32, #tpu.memory_space<vmem_shared>>
        tpu.wait_indirect_dma semaphore(%run_scoped3A : memref<!tpu.dma_semaphore, #tpu.memory_space<semaphore_mem>>) src(%arg9 : memref<128x128xf32, #tpu.memory_space<vmem>>) dst(%dma_wait3A_138 : memref<10000x128xf32, #tpu.memory_space<vmem_shared>>)
        tpu.yield
      }) : () -> ()
      %add3A_107 = arith.constant 2 : i32
      %add3A_108 = arith.addi %add3A_99, %add3A_107 : i32
      %lt3A_109 = arith.cmpi slt, %add3A_108, %select_n3A_39 : i32
      %convert_element_type3A_110 = arith.extui %lt3A_109 : i1 to i32
      %cond3A_111 = arith.constant 0 : i32
      %cond3A_112 = arith.cmpi ne, %convert_element_type3A_110, %cond3A_111 : i32
      scf.if %cond3A_112 {
        %add3A_131 = arith.constant 2 : i32
        %add3A_132 = arith.addi %add3A_99, %add3A_131 : i32
        %mul3A_133 = arith.constant 128 : i32
        %mul3A_134 = arith.muli %add3A_132, %mul3A_133 : i32
        %dma_start3A_135 = tpu.memref_slice %arg7[%mul3A_134] : memref<5120xi32, #tpu.memory_space<vmem>> -> memref<128xi32, #tpu.memory_space<vmem>>
        %dma_start3A_136 = arith.constant 0 : i32
        %dma_start3A_137 = arith.constant 0 : i32
        %dma_start3A_138 = tpu.memref_slice %arg2[%dma_start3A_136, %dma_start3A_137] : memref<10000x128xf32, #tpu.memory_space<hbm>> -> memref<10000x128xf32, #tpu.memory_space<hbm>>
        tpu.enqueue_indirect_dma source(%dma_start3A_138 : memref<10000x128xf32, #tpu.memory_space<hbm>>) target(%arg9 : memref<128x128xf32, #tpu.memory_space<vmem>>) offsets(%dma_start3A_135 : memref<128xi32, #tpu.memory_space<vmem>>) semaphore(%arg12 : memref<!tpu.dma_semaphore, #tpu.memory_space<semaphore_mem>>)
      } else {
      }
      %mul3A_113 = arith.constant 2 : i32
      %mul3A_114 = arith.muli %while3A_95, %mul3A_113 : i32
      %add3A_115 = arith.constant 1 : i32
      %add3A_116 = arith.addi %mul3A_114, %add3A_115 : i32
      %mul3A_117 = arith.constant 128 : i32
      %mul3A_118 = arith.muli %add3A_116, %mul3A_117 : i32
      %dma_wait3A_119 = tpu.memref_slice %arg7[%mul3A_118] : memref<5120xi32, #tpu.memory_space<vmem>> -> memref<128xi32, #tpu.memory_space<vmem>>
      %dma_wait3A_120 = arith.constant 0 : i32
      %dma_wait3A_121 = arith.constant 0 : i32
      %dma_wait3A_122 = tpu.memref_slice %arg2[%dma_wait3A_120, %dma_wait3A_121] : memref<10000x128xf32, #tpu.memory_space<hbm>> -> memref<10000x128xf32, #tpu.memory_space<hbm>>
      tpu.wait_indirect_dma semaphore(%arg13 : memref<!tpu.dma_semaphore, #tpu.memory_space<semaphore_mem>>) src(%dma_wait3A_122 : memref<10000x128xf32, #tpu.memory_space<hbm>>) dst(%arg10 : memref<128x128xf32, #tpu.memory_space<vmem>>)
      %mul3A_123 = arith.constant 128 : i32
      %mul3A_124 = arith.muli %add3A_116, %mul3A_123 : i32
      "tpu.region"() ({
        %run_scoped3A = tpu.sem_alloc : memref<!tpu.dma_semaphore, #tpu.memory_space<semaphore_mem>>
        %dma_start3A_131 = tpu.memref_slice %arg8[%mul3A_124] : memref<5120xi32, #tpu.memory_space<vmem>> -> memref<128xi32, #tpu.memory_space<vmem>>
        %dma_start3A_132 = arith.constant 0 : i32
        %dma_start3A_133 = arith.constant 0 : i32
        %dma_start3A_134 = tpu.memref_slice %arg11[%dma_start3A_132, %dma_start3A_133] : memref<10000x128xf32, #tpu.memory_space<vmem_shared>> -> memref<10000x128xf32, #tpu.memory_space<vmem_shared>>
        tpu.enqueue_indirect_dma source(%arg10 : memref<128x128xf32, #tpu.memory_space<vmem>>) target(%dma_start3A_134 : memref<10000x128xf32, #tpu.memory_space<vmem_shared>>) offsets(%dma_start3A_131 : memref<128xi32, #tpu.memory_space<vmem>>) semaphore(%run_scoped3A : memref<!tpu.dma_semaphore, #tpu.memory_space<semaphore_mem>>) {add = true}
        %dma_wait3A_135 = tpu.memref_slice %arg8[%mul3A_124] : memref<5120xi32, #tpu.memory_space<vmem>> -> memref<128xi32, #tpu.memory_space<vmem>>
        %dma_wait3A_136 = arith.constant 0 : i32
        %dma_wait3A_137 = arith.constant 0 : i32
        %dma_wait3A_138 = tpu.memref_slice %arg11[%dma_wait3A_136, %dma_wait3A_137] : memref<10000x128xf32, #tpu.memory_space<vmem_shared>> -> memref<10000x128xf32, #tpu.memory_space<vmem_shared>>
        tpu.wait_indirect_dma semaphore(%run_scoped3A : memref<!tpu.dma_semaphore, #tpu.memory_space<semaphore_mem>>) src(%arg10 : memref<128x128xf32, #tpu.memory_space<vmem>>) dst(%dma_wait3A_138 : memref<10000x128xf32, #tpu.memory_space<vmem_shared>>)
        tpu.yield
      }) : () -> ()
      %add3A_125 = arith.constant 2 : i32
      %add3A_126 = arith.addi %add3A_116, %add3A_125 : i32
      %lt3A_127 = arith.cmpi slt, %add3A_126, %select_n3A_39 : i32
      %convert_element_type3A_128 = arith.extui %lt3A_127 : i1 to i32
      %cond3A_129 = arith.constant 0 : i32
      %cond3A_130 = arith.cmpi ne, %convert_element_type3A_128, %cond3A_129 : i32
      scf.if %cond3A_130 {
        %add3A_131 = arith.constant 2 : i32
        %add3A_132 = arith.addi %add3A_116, %add3A_131 : i32
        %mul3A_133 = arith.constant 128 : i32
        %mul3A_134 = arith.muli %add3A_132, %mul3A_133 : i32
        %dma_start3A_135 = tpu.memref_slice %arg7[%mul3A_134] : memref<5120xi32, #tpu.memory_space<vmem>> -> memref<128xi32, #tpu.memory_space<vmem>>
        %dma_start3A_136 = arith.constant 0 : i32
        %dma_start3A_137 = arith.constant 0 : i32
        %dma_start3A_138 = tpu.memref_slice %arg2[%dma_start3A_136, %dma_start3A_137] : memref<10000x128xf32, #tpu.memory_space<hbm>> -> memref<10000x128xf32, #tpu.memory_space<hbm>>
        tpu.enqueue_indirect_dma source(%dma_start3A_138 : memref<10000x128xf32, #tpu.memory_space<hbm>>) target(%arg10 : memref<128x128xf32, #tpu.memory_space<vmem>>) offsets(%dma_start3A_135 : memref<128xi32, #tpu.memory_space<vmem>>) semaphore(%arg13 : memref<!tpu.dma_semaphore, #tpu.memory_space<semaphore_mem>>)
      } else {
      }
    }
    %not3A_58 = arith.constant true
    %not3A_59 = arith.xori %eq3A_1, %not3A_58 : i1
    %convert_element_type3A_60 = arith.extui %not3A_59 : i1 to i32
    %cond3A_61 = arith.constant 0 : i32
    %cond3A_62 = arith.cmpi ne, %convert_element_type3A_60, %cond3A_61 : i32
    scf.if %cond3A_62 {
      %add3A_95 = arith.constant 40 : i32
      %add3A_96 = arith.addi %mul3A_10, %add3A_95 : i32
      %mul3A_97 = arith.constant 128 : i32
      %mul3A_98 = arith.muli %add3A_96, %mul3A_97 : i32
      %dma_start3A_99 = arith.constant 0 : i32
      %dma_start3A_100 = arith.constant 0 : i32
      %dma_start3A_101 = tpu.memref_slice %arg7[%dma_start3A_100] : memref<5120xi32, #tpu.memory_space<vmem>> -> memref<5120xi32, #tpu.memory_space<vmem>>
      %dma_start3A_102 = tpu.memref_slice %arg3[%dma_start3A_99, %mul3A_98] : memref<2x320000xi32, #tpu.memory_space<hbm>> -> memref<1x5120xi32, #tpu.memory_space<hbm>>
      %dma_start3A_103 = tpu.memref_squeeze %dma_start3A_102 : memref<1x5120xi32, #tpu.memory_space<hbm>> -> memref<5120xi32, #tpu.memory_space<hbm>>
      %dma_start3A_104 = arith.constant 0 : i32
      %dma_start3A_105 = tpu.memref_slice %arg7[%dma_start3A_104] : memref<5120xi32, #tpu.memory_space<vmem>> -> memref<5120xi32, #tpu.memory_space<vmem>>
      %dma_start3A_106 = tpu.memref_slice %arg3[%dma_start3A_99, %mul3A_98] : memref<2x320000xi32, #tpu.memory_space<hbm>> -> memref<1x5120xi32, #tpu.memory_space<hbm>>
      %dma_start3A_107 = tpu.memref_squeeze %dma_start3A_106 : memref<1x5120xi32, #tpu.memory_space<hbm>> -> memref<5120xi32, #tpu.memory_space<hbm>>
      tpu.enqueue_dma source(%dma_start3A_107 : memref<5120xi32, #tpu.memory_space<hbm>>) target(%dma_start3A_105 : memref<5120xi32, #tpu.memory_space<vmem>>) target_semaphore(%arg13 : memref<!tpu.dma_semaphore, #tpu.memory_space<semaphore_mem>>)
      %mul3A_108 = arith.constant 128 : i32
      %mul3A_109 = arith.muli %add3A_96, %mul3A_108 : i32
      %dma_start3A_110 = arith.constant 1 : i32
      %dma_start3A_111 = arith.constant 0 : i32
      %dma_start3A_112 = tpu.memref_slice %arg8[%dma_start3A_111] : memref<5120xi32, #tpu.memory_space<vmem>> -> memref<5120xi32, #tpu.memory_space<vmem>>
      %dma_start3A_113 = tpu.memref_slice %arg3[%dma_start3A_110, %mul3A_109] : memref<2x320000xi32, #tpu.memory_space<hbm>> -> memref<1x5120xi32, #tpu.memory_space<hbm>>
      %dma_start3A_114 = tpu.memref_squeeze %dma_start3A_113 : memref<1x5120xi32, #tpu.memory_space<hbm>> -> memref<5120xi32, #tpu.memory_space<hbm>>
      %dma_start3A_115 = arith.constant 0 : i32
      %dma_start3A_116 = tpu.memref_slice %arg8[%dma_start3A_115] : memref<5120xi32, #tpu.memory_space<vmem>> -> memref<5120xi32, #tpu.memory_space<vmem>>
      %dma_start3A_117 = tpu.memref_slice %arg3[%dma_start3A_110, %mul3A_109] : memref<2x320000xi32, #tpu.memory_space<hbm>> -> memref<1x5120xi32, #tpu.memory_space<hbm>>
      %dma_start3A_118 = tpu.memref_squeeze %dma_start3A_117 : memref<1x5120xi32, #tpu.memory_space<hbm>> -> memref<5120xi32, #tpu.memory_space<hbm>>
      tpu.enqueue_dma source(%dma_start3A_118 : memref<5120xi32, #tpu.memory_space<hbm>>) target(%dma_start3A_116 : memref<5120xi32, #tpu.memory_space<vmem>>) target_semaphore(%arg12 : memref<!tpu.dma_semaphore, #tpu.memory_space<semaphore_mem>>)
      %add3A_119 = arith.constant 40 : i32
      %add3A_120 = arith.addi %mul3A_10, %add3A_119 : i32
      %mul3A_121 = arith.constant 128 : i32
      %mul3A_122 = arith.muli %add3A_120, %mul3A_121 : i32
      %dma_wait3A = arith.constant 0 : i32
      %dma_wait3A_123 = arith.constant 0 : i32
      %dma_wait3A_124 = tpu.memref_slice %arg7[%dma_wait3A_123] : memref<5120xi32, #tpu.memory_space<vmem>> -> memref<5120xi32, #tpu.memory_space<vmem>>
      %dma_wait3A_125 = tpu.memref_slice %arg3[%dma_wait3A, %mul3A_122] : memref<2x320000xi32, #tpu.memory_space<hbm>> -> memref<1x5120xi32, #tpu.memory_space<hbm>>
      %dma_wait3A_126 = tpu.memref_squeeze %dma_wait3A_125 : memref<1x5120xi32, #tpu.memory_space<hbm>> -> memref<5120xi32, #tpu.memory_space<hbm>>
      %dma_wait3A_127 = arith.constant 0 : i32
      %dma_wait3A_128 = tpu.memref_slice %arg7[%dma_wait3A_127] : memref<5120xi32, #tpu.memory_space<vmem>> -> memref<5120xi32, #tpu.memory_space<vmem>>
      %dma_wait3A_129 = tpu.memref_slice %arg3[%dma_wait3A, %mul3A_122] : memref<2x320000xi32, #tpu.memory_space<hbm>> -> memref<1x5120xi32, #tpu.memory_space<hbm>>
      %dma_wait3A_130 = tpu.memref_squeeze %dma_wait3A_129 : memref<1x5120xi32, #tpu.memory_space<hbm>> -> memref<5120xi32, #tpu.memory_space<hbm>>
      tpu.wait_dma2 semaphore(%arg13 : memref<!tpu.dma_semaphore, #tpu.memory_space<semaphore_mem>>) src(%dma_wait3A_130 : memref<5120xi32, #tpu.memory_space<hbm>>) dst(%dma_wait3A_128 : memref<5120xi32, #tpu.memory_space<vmem>>)
      %mul3A_131 = arith.constant 128 : i32
      %mul3A_132 = arith.muli %add3A_120, %mul3A_131 : i32
      %dma_wait3A_133 = arith.constant 1 : i32
      %dma_wait3A_134 = arith.constant 0 : i32
      %dma_wait3A_135 = tpu.memref_slice %arg8[%dma_wait3A_134] : memref<5120xi32, #tpu.memory_space<vmem>> -> memref<5120xi32, #tpu.memory_space<vmem>>
      %dma_wait3A_136 = tpu.memref_slice %arg3[%dma_wait3A_133, %mul3A_132] : memref<2x320000xi32, #tpu.memory_space<hbm>> -> memref<1x5120xi32, #tpu.memory_space<hbm>>
      %dma_wait3A_137 = tpu.memref_squeeze %dma_wait3A_136 : memref<1x5120xi32, #tpu.memory_space<hbm>> -> memref<5120xi32, #tpu.memory_space<hbm>>
      %dma_wait3A_138 = arith.constant 0 : i32
      %dma_wait3A_139 = tpu.memref_slice %arg8[%dma_wait3A_138] : memref<5120xi32, #tpu.memory_space<vmem>> -> memref<5120xi32, #tpu.memory_space<vmem>>
      %dma_wait3A_140 = tpu.memref_slice %arg3[%dma_wait3A_133, %mul3A_132] : memref<2x320000xi32, #tpu.memory_space<hbm>> -> memref<1x5120xi32, #tpu.memory_space<hbm>>
      %dma_wait3A_141 = tpu.memref_squeeze %dma_wait3A_140 : memref<1x5120xi32, #tpu.memory_space<hbm>> -> memref<5120xi32, #tpu.memory_space<hbm>>
      tpu.wait_dma2 semaphore(%arg12 : memref<!tpu.dma_semaphore, #tpu.memory_space<semaphore_mem>>) src(%dma_wait3A_141 : memref<5120xi32, #tpu.memory_space<hbm>>) dst(%dma_wait3A_139 : memref<5120xi32, #tpu.memory_space<vmem>>)
      %dma_start3A_142 = arith.constant 0 : i32
      %dma_start3A_143 = tpu.memref_slice %arg7[%dma_start3A_142] : memref<5120xi32, #tpu.memory_space<vmem>> -> memref<128xi32, #tpu.memory_space<vmem>>
      %dma_start3A_144 = arith.constant 0 : i32
      %dma_start3A_145 = arith.constant 0 : i32
      %dma_start3A_146 = tpu.memref_slice %arg2[%dma_start3A_144, %dma_start3A_145] : memref<10000x128xf32, #tpu.memory_space<hbm>> -> memref<10000x128xf32, #tpu.memory_space<hbm>>
      tpu.enqueue_indirect_dma source(%dma_start3A_146 : memref<10000x128xf32, #tpu.memory_space<hbm>>) target(%arg9 : memref<128x128xf32, #tpu.memory_space<vmem>>) offsets(%dma_start3A_143 : memref<128xi32, #tpu.memory_space<vmem>>) semaphore(%arg12 : memref<!tpu.dma_semaphore, #tpu.memory_space<semaphore_mem>>)
      %dma_start3A_147 = arith.constant 128 : i32
      %dma_start3A_148 = tpu.memref_slice %arg7[%dma_start3A_147] : memref<5120xi32, #tpu.memory_space<vmem>> -> memref<128xi32, #tpu.memory_space<vmem>>
      %dma_start3A_149 = arith.constant 0 : i32
      %dma_start3A_150 = arith.constant 0 : i32
      %dma_start3A_151 = tpu.memref_slice %arg2[%dma_start3A_149, %dma_start3A_150] : memref<10000x128xf32, #tpu.memory_space<hbm>> -> memref<10000x128xf32, #tpu.memory_space<hbm>>
      tpu.enqueue_indirect_dma source(%dma_start3A_151 : memref<10000x128xf32, #tpu.memory_space<hbm>>) target(%arg10 : memref<128x128xf32, #tpu.memory_space<vmem>>) offsets(%dma_start3A_148 : memref<128xi32, #tpu.memory_space<vmem>>) semaphore(%arg13 : memref<!tpu.dma_semaphore, #tpu.memory_space<semaphore_mem>>)
      %scan3A = arith.constant 0 : i32
      %scan3A_152 = arith.constant 0 : i32
      %scan3A_153 = arith.constant 20 : i32
      %scan3A_154 = arith.addi %scan3A_152, %scan3A_153 : i32
      %scan3A_155 = arith.constant 1 : i32
      scf.for %scan3A_157 = %scan3A_152 to %scan3A_154 step %scan3A_155  : i32 {
        %mul3A_158 = arith.constant 2 : i32
        %mul3A_159 = arith.muli %scan3A_157, %mul3A_158 : i32
        %add3A_160 = arith.constant 0 : i32
        %add3A_161 = arith.addi %mul3A_159, %add3A_160 : i32
        %mul3A_162 = arith.constant 128 : i32
        %mul3A_163 = arith.muli %add3A_161, %mul3A_162 : i32
        %dma_wait3A_164 = tpu.memref_slice %arg7[%mul3A_163] : memref<5120xi32, #tpu.memory_space<vmem>> -> memref<128xi32, #tpu.memory_space<vmem>>
        %dma_wait3A_165 = arith.constant 0 : i32
        %dma_wait3A_166 = arith.constant 0 : i32
        %dma_wait3A_167 = tpu.memref_slice %arg2[%dma_wait3A_165, %dma_wait3A_166] : memref<10000x128xf32, #tpu.memory_space<hbm>> -> memref<10000x128xf32, #tpu.memory_space<hbm>>
        tpu.wait_indirect_dma semaphore(%arg12 : memref<!tpu.dma_semaphore, #tpu.memory_space<semaphore_mem>>) src(%dma_wait3A_167 : memref<10000x128xf32, #tpu.memory_space<hbm>>) dst(%arg9 : memref<128x128xf32, #tpu.memory_space<vmem>>)
        %mul3A_168 = arith.constant 128 : i32
        %mul3A_169 = arith.muli %add3A_161, %mul3A_168 : i32
        "tpu.region"() ({
          %run_scoped3A = tpu.sem_alloc : memref<!tpu.dma_semaphore, #tpu.memory_space<semaphore_mem>>
          %dma_start3A_196 = tpu.memref_slice %arg8[%mul3A_169] : memref<5120xi32, #tpu.memory_space<vmem>> -> memref<128xi32, #tpu.memory_space<vmem>>
          %dma_start3A_197 = arith.constant 0 : i32
          %dma_start3A_198 = arith.constant 0 : i32
          %dma_start3A_199 = tpu.memref_slice %arg11[%dma_start3A_197, %dma_start3A_198] : memref<10000x128xf32, #tpu.memory_space<vmem_shared>> -> memref<10000x128xf32, #tpu.memory_space<vmem_shared>>
          tpu.enqueue_indirect_dma source(%arg9 : memref<128x128xf32, #tpu.memory_space<vmem>>) target(%dma_start3A_199 : memref<10000x128xf32, #tpu.memory_space<vmem_shared>>) offsets(%dma_start3A_196 : memref<128xi32, #tpu.memory_space<vmem>>) semaphore(%run_scoped3A : memref<!tpu.dma_semaphore, #tpu.memory_space<semaphore_mem>>) {add = true}
          %dma_wait3A_200 = tpu.memref_slice %arg8[%mul3A_169] : memref<5120xi32, #tpu.memory_space<vmem>> -> memref<128xi32, #tpu.memory_space<vmem>>
          %dma_wait3A_201 = arith.constant 0 : i32
          %dma_wait3A_202 = arith.constant 0 : i32
          %dma_wait3A_203 = tpu.memref_slice %arg11[%dma_wait3A_201, %dma_wait3A_202] : memref<10000x128xf32, #tpu.memory_space<vmem_shared>> -> memref<10000x128xf32, #tpu.memory_space<vmem_shared>>
          tpu.wait_indirect_dma semaphore(%run_scoped3A : memref<!tpu.dma_semaphore, #tpu.memory_space<semaphore_mem>>) src(%arg9 : memref<128x128xf32, #tpu.memory_space<vmem>>) dst(%dma_wait3A_203 : memref<10000x128xf32, #tpu.memory_space<vmem_shared>>)
          tpu.yield
        }) : () -> ()
        %add3A_170 = arith.constant 2 : i32
        %add3A_171 = arith.addi %add3A_161, %add3A_170 : i32
        %lt3A_172 = arith.constant 40 : i32
        %lt3A_173 = arith.cmpi slt, %add3A_171, %lt3A_172 : i32
        %convert_element_type3A_174 = arith.extui %lt3A_173 : i1 to i32
        %cond3A_175 = arith.constant 0 : i32
        %cond3A_176 = arith.cmpi ne, %convert_element_type3A_174, %cond3A_175 : i32
        scf.if %cond3A_176 {
          %add3A_196 = arith.constant 2 : i32
          %add3A_197 = arith.addi %add3A_161, %add3A_196 : i32
          %mul3A_198 = arith.constant 128 : i32
          %mul3A_199 = arith.muli %add3A_197, %mul3A_198 : i32
          %dma_start3A_200 = tpu.memref_slice %arg7[%mul3A_199] : memref<5120xi32, #tpu.memory_space<vmem>> -> memref<128xi32, #tpu.memory_space<vmem>>
          %dma_start3A_201 = arith.constant 0 : i32
          %dma_start3A_202 = arith.constant 0 : i32
          %dma_start3A_203 = tpu.memref_slice %arg2[%dma_start3A_201, %dma_start3A_202] : memref<10000x128xf32, #tpu.memory_space<hbm>> -> memref<10000x128xf32, #tpu.memory_space<hbm>>
          tpu.enqueue_indirect_dma source(%dma_start3A_203 : memref<10000x128xf32, #tpu.memory_space<hbm>>) target(%arg9 : memref<128x128xf32, #tpu.memory_space<vmem>>) offsets(%dma_start3A_200 : memref<128xi32, #tpu.memory_space<vmem>>) semaphore(%arg12 : memref<!tpu.dma_semaphore, #tpu.memory_space<semaphore_mem>>)
        } else {
        }
        %mul3A_177 = arith.constant 2 : i32
        %mul3A_178 = arith.muli %scan3A_157, %mul3A_177 : i32
        %add3A_179 = arith.constant 1 : i32
        %add3A_180 = arith.addi %mul3A_178, %add3A_179 : i32
        %mul3A_181 = arith.constant 128 : i32
        %mul3A_182 = arith.muli %add3A_180, %mul3A_181 : i32
        %dma_wait3A_183 = tpu.memref_slice %arg7[%mul3A_182] : memref<5120xi32, #tpu.memory_space<vmem>> -> memref<128xi32, #tpu.memory_space<vmem>>
        %dma_wait3A_184 = arith.constant 0 : i32
        %dma_wait3A_185 = arith.constant 0 : i32
        %dma_wait3A_186 = tpu.memref_slice %arg2[%dma_wait3A_184, %dma_wait3A_185] : memref<10000x128xf32, #tpu.memory_space<hbm>> -> memref<10000x128xf32, #tpu.memory_space<hbm>>
        tpu.wait_indirect_dma semaphore(%arg13 : memref<!tpu.dma_semaphore, #tpu.memory_space<semaphore_mem>>) src(%dma_wait3A_186 : memref<10000x128xf32, #tpu.memory_space<hbm>>) dst(%arg10 : memref<128x128xf32, #tpu.memory_space<vmem>>)
        %mul3A_187 = arith.constant 128 : i32
        %mul3A_188 = arith.muli %add3A_180, %mul3A_187 : i32
        "tpu.region"() ({
          %run_scoped3A = tpu.sem_alloc : memref<!tpu.dma_semaphore, #tpu.memory_space<semaphore_mem>>
          %dma_start3A_196 = tpu.memref_slice %arg8[%mul3A_188] : memref<5120xi32, #tpu.memory_space<vmem>> -> memref<128xi32, #tpu.memory_space<vmem>>
          %dma_start3A_197 = arith.constant 0 : i32
          %dma_start3A_198 = arith.constant 0 : i32
          %dma_start3A_199 = tpu.memref_slice %arg11[%dma_start3A_197, %dma_start3A_198] : memref<10000x128xf32, #tpu.memory_space<vmem_shared>> -> memref<10000x128xf32, #tpu.memory_space<vmem_shared>>
          tpu.enqueue_indirect_dma source(%arg10 : memref<128x128xf32, #tpu.memory_space<vmem>>) target(%dma_start3A_199 : memref<10000x128xf32, #tpu.memory_space<vmem_shared>>) offsets(%dma_start3A_196 : memref<128xi32, #tpu.memory_space<vmem>>) semaphore(%run_scoped3A : memref<!tpu.dma_semaphore, #tpu.memory_space<semaphore_mem>>) {add = true}
          %dma_wait3A_200 = tpu.memref_slice %arg8[%mul3A_188] : memref<5120xi32, #tpu.memory_space<vmem>> -> memref<128xi32, #tpu.memory_space<vmem>>
          %dma_wait3A_201 = arith.constant 0 : i32
          %dma_wait3A_202 = arith.constant 0 : i32
          %dma_wait3A_203 = tpu.memref_slice %arg11[%dma_wait3A_201, %dma_wait3A_202] : memref<10000x128xf32, #tpu.memory_space<vmem_shared>> -> memref<10000x128xf32, #tpu.memory_space<vmem_shared>>
          tpu.wait_indirect_dma semaphore(%run_scoped3A : memref<!tpu.dma_semaphore, #tpu.memory_space<semaphore_mem>>) src(%arg10 : memref<128x128xf32, #tpu.memory_space<vmem>>) dst(%dma_wait3A_203 : memref<10000x128xf32, #tpu.memory_space<vmem_shared>>)
          tpu.yield
        }) : () -> ()
        %add3A_189 = arith.constant 2 : i32
        %add3A_190 = arith.addi %add3A_180, %add3A_189 : i32
        %lt3A_191 = arith.constant 40 : i32
        %lt3A_192 = arith.cmpi slt, %add3A_190, %lt3A_191 : i32
        %convert_element_type3A_193 = arith.extui %lt3A_192 : i1 to i32
        %cond3A_194 = arith.constant 0 : i32
        %cond3A_195 = arith.cmpi ne, %convert_element_type3A_193, %cond3A_194 : i32
        scf.if %cond3A_195 {
          %add3A_196 = arith.constant 2 : i32
          %add3A_197 = arith.addi %add3A_180, %add3A_196 : i32
          %mul3A_198 = arith.constant 128 : i32
          %mul3A_199 = arith.muli %add3A_197, %mul3A_198 : i32
          %dma_start3A_200 = tpu.memref_slice %arg7[%mul3A_199] : memref<5120xi32, #tpu.memory_space<vmem>> -> memref<128xi32, #tpu.memory_space<vmem>>
          %dma_start3A_201 = arith.constant 0 : i32
          %dma_start3A_202 = arith.constant 0 : i32
          %dma_start3A_203 = tpu.memref_slice %arg2[%dma_start3A_201, %dma_start3A_202] : memref<10000x128xf32, #tpu.memory_space<hbm>> -> memref<10000x128xf32, #tpu.memory_space<hbm>>
          tpu.enqueue_indirect_dma source(%dma_start3A_203 : memref<10000x128xf32, #tpu.memory_space<hbm>>) target(%arg10 : memref<128x128xf32, #tpu.memory_space<vmem>>) offsets(%dma_start3A_200 : memref<128xi32, #tpu.memory_space<vmem>>) semaphore(%arg13 : memref<!tpu.dma_semaphore, #tpu.memory_space<semaphore_mem>>)
        } else {
        }
      }
      %scan3A_156 = arith.constant 20 : i32
    } else {
    }
    %barrier3A_63 = arith.constant 0 : index
    tpu.barrier barrier_id(%barrier3A_63)
    %eq3A_64 = arith.constant 0 : i32
    %eq3A_65 = arith.cmpi eq, %arg0, %eq3A_64 : i32
    %lt3A_66 = arith.constant 15 : i32
    %lt3A_67 = arith.cmpi slt, %arg1, %lt3A_66 : i32
    %and3A = arith.andi %eq3A_65, %lt3A_67 : i1
    %convert_element_type3A_68 = arith.extui %and3A : i1 to i32
    %cond3A_69 = arith.constant 0 : i32
    %cond3A_70 = arith.cmpi ne, %convert_element_type3A_68, %cond3A_69 : i32
    scf.if %cond3A_70 {
      %mul3A_95 = arith.constant 640 : i32
      %mul3A_96 = arith.muli %arg1, %mul3A_95 : i32
      "tpu.region"() ({
        %run_scoped3A = tpu.sem_alloc : memref<!tpu.dma_semaphore, #tpu.memory_space<semaphore_mem>>
        %dma_start3A_97 = arith.constant 0 : i32
        %dma_start3A_98 = tpu.memref_slice %arg5[%mul3A_96, %dma_start3A_97] : memref<10000x128xf32, #tpu.memory_space<hbm>> -> memref<640x128xf32, #tpu.memory_space<hbm>>
        %dma_start3A_99 = arith.constant 0 : i32
        %dma_start3A_100 = tpu.memref_slice %arg11[%mul3A_96, %dma_start3A_99] : memref<10000x128xf32, #tpu.memory_space<vmem_shared>> -> memref<640x128xf32, #tpu.memory_space<vmem_shared>>
        tpu.enqueue_dma source(%dma_start3A_100 : memref<640x128xf32, #tpu.memory_space<vmem_shared>>) target(%dma_start3A_98 : memref<640x128xf32, #tpu.memory_space<hbm>>) target_semaphore(%run_scoped3A : memref<!tpu.dma_semaphore, #tpu.memory_space<semaphore_mem>>)
        %dma_wait3A = arith.constant 0 : i32
        %dma_wait3A_101 = tpu.memref_slice %arg5[%mul3A_96, %dma_wait3A] : memref<10000x128xf32, #tpu.memory_space<hbm>> -> memref<640x128xf32, #tpu.memory_space<hbm>>
        %dma_wait3A_102 = arith.constant 0 : i32
        %dma_wait3A_103 = tpu.memref_slice %arg11[%mul3A_96, %dma_wait3A_102] : memref<10000x128xf32, #tpu.memory_space<vmem_shared>> -> memref<640x128xf32, #tpu.memory_space<vmem_shared>>
        tpu.wait_dma2 semaphore(%run_scoped3A : memref<!tpu.dma_semaphore, #tpu.memory_space<semaphore_mem>>) src(%dma_wait3A_103 : memref<640x128xf32, #tpu.memory_space<vmem_shared>>) dst(%dma_wait3A_101 : memref<640x128xf32, #tpu.memory_space<hbm>>)
        tpu.yield
      }) : () -> ()
    } else {
    }
    %eq3A_71 = arith.constant 0 : i32
    %eq3A_72 = arith.cmpi eq, %arg0, %eq3A_71 : i32
    %eq3A_73 = arith.constant 15 : i32
    %eq3A_74 = arith.cmpi eq, %arg1, %eq3A_73 : i32
    %and3A_75 = arith.andi %eq3A_72, %eq3A_74 : i1
    %convert_element_type3A_76 = arith.extui %and3A_75 : i1 to i32
    %cond3A_77 = arith.constant 0 : i32
    %cond3A_78 = arith.cmpi ne, %convert_element_type3A_76, %cond3A_77 : i32
    scf.if %cond3A_78 {
      "tpu.region"() ({
        %run_scoped3A = tpu.sem_alloc : memref<!tpu.dma_semaphore, #tpu.memory_space<semaphore_mem>>
        %dma_start3A_95 = arith.constant 9600 : i32
        %dma_start3A_96 = arith.constant 0 : i32
        %dma_start3A_97 = tpu.memref_slice %arg5[%dma_start3A_95, %dma_start3A_96] : memref<10000x128xf32, #tpu.memory_space<hbm>> -> memref<400x128xf32, #tpu.memory_space<hbm>>
        %dma_start3A_98 = arith.constant 9600 : i32
        %dma_start3A_99 = arith.constant 0 : i32
        %dma_start3A_100 = tpu.memref_slice %arg11[%dma_start3A_98, %dma_start3A_99] : memref<10000x128xf32, #tpu.memory_space<vmem_shared>> -> memref<400x128xf32, #tpu.memory_space<vmem_shared>>
        tpu.enqueue_dma source(%dma_start3A_100 : memref<400x128xf32, #tpu.memory_space<vmem_shared>>) target(%dma_start3A_97 : memref<400x128xf32, #tpu.memory_space<hbm>>) target_semaphore(%run_scoped3A : memref<!tpu.dma_semaphore, #tpu.memory_space<semaphore_mem>>)
        %dma_wait3A = arith.constant 9600 : i32
        %dma_wait3A_101 = arith.constant 0 : i32
        %dma_wait3A_102 = tpu.memref_slice %arg5[%dma_wait3A, %dma_wait3A_101] : memref<10000x128xf32, #tpu.memory_space<hbm>> -> memref<400x128xf32, #tpu.memory_space<hbm>>
        %dma_wait3A_103 = arith.constant 9600 : i32
        %dma_wait3A_104 = arith.constant 0 : i32
        %dma_wait3A_105 = tpu.memref_slice %arg11[%dma_wait3A_103, %dma_wait3A_104] : memref<10000x128xf32, #tpu.memory_space<vmem_shared>> -> memref<400x128xf32, #tpu.memory_space<vmem_shared>>
        tpu.wait_dma2 semaphore(%run_scoped3A : memref<!tpu.dma_semaphore, #tpu.memory_space<semaphore_mem>>) src(%dma_wait3A_105 : memref<400x128xf32, #tpu.memory_space<vmem_shared>>) dst(%dma_wait3A_102 : memref<400x128xf32, #tpu.memory_space<hbm>>)
        tpu.yield
      }) : () -> ()
    } else {
    }
    %eq3A_79 = arith.constant 1 : i32
    %eq3A_80 = arith.cmpi eq, %arg0, %eq3A_79 : i32
    %lt3A_81 = arith.constant 15 : i32
    %lt3A_82 = arith.cmpi slt, %arg1, %lt3A_81 : i32
    %and3A_83 = arith.andi %eq3A_80, %lt3A_82 : i1
    %convert_element_type3A_84 = arith.extui %and3A_83 : i1 to i32
    %cond3A_85 = arith.constant 0 : i32
    %cond3A_86 = arith.cmpi ne, %convert_element_type3A_84, %cond3A_85 : i32
    scf.if %cond3A_86 {
      %mul3A_95 = arith.constant 640 : i32
      %mul3A_96 = arith.muli %arg1, %mul3A_95 : i32
      "tpu.region"() ({
        %run_scoped3A = tpu.sem_alloc : memref<!tpu.dma_semaphore, #tpu.memory_space<semaphore_mem>>
        %dma_start3A_97 = arith.constant 0 : i32
        %dma_start3A_98 = tpu.memref_slice %arg6[%mul3A_96, %dma_start3A_97] : memref<10000x128xf32, #tpu.memory_space<hbm>> -> memref<640x128xf32, #tpu.memory_space<hbm>>
        %dma_start3A_99 = arith.constant 0 : i32
        %dma_start3A_100 = tpu.memref_slice %arg11[%mul3A_96, %dma_start3A_99] : memref<10000x128xf32, #tpu.memory_space<vmem_shared>> -> memref<640x128xf32, #tpu.memory_space<vmem_shared>>
        tpu.enqueue_dma source(%dma_start3A_100 : memref<640x128xf32, #tpu.memory_space<vmem_shared>>) target(%dma_start3A_98 : memref<640x128xf32, #tpu.memory_space<hbm>>) target_semaphore(%run_scoped3A : memref<!tpu.dma_semaphore, #tpu.memory_space<semaphore_mem>>)
        %dma_wait3A = arith.constant 0 : i32
        %dma_wait3A_101 = tpu.memref_slice %arg6[%mul3A_96, %dma_wait3A] : memref<10000x128xf32, #tpu.memory_space<hbm>> -> memref<640x128xf32, #tpu.memory_space<hbm>>
        %dma_wait3A_102 = arith.constant 0 : i32
        %dma_wait3A_103 = tpu.memref_slice %arg11[%mul3A_96, %dma_wait3A_102] : memref<10000x128xf32, #tpu.memory_space<vmem_shared>> -> memref<640x128xf32, #tpu.memory_space<vmem_shared>>
        tpu.wait_dma2 semaphore(%run_scoped3A : memref<!tpu.dma_semaphore, #tpu.memory_space<semaphore_mem>>) src(%dma_wait3A_103 : memref<640x128xf32, #tpu.memory_space<vmem_shared>>) dst(%dma_wait3A_101 : memref<640x128xf32, #tpu.memory_space<hbm>>)
        tpu.yield
      }) : () -> ()
    } else {
    }
    %eq3A_87 = arith.constant 1 : i32
    %eq3A_88 = arith.cmpi eq, %arg0, %eq3A_87 : i32
    %eq3A_89 = arith.constant 15 : i32
    %eq3A_90 = arith.cmpi eq, %arg1, %eq3A_89 : i32
    %and3A_91 = arith.andi %eq3A_88, %eq3A_90 : i1
    %convert_element_type3A_92 = arith.extui %and3A_91 : i1 to i32
    %cond3A_93 = arith.constant 0 : i32
    %cond3A_94 = arith.cmpi ne, %convert_element_type3A_92, %cond3A_93 : i32
    scf.if %cond3A_94 {
      "tpu.region"() ({
        %run_scoped3A = tpu.sem_alloc : memref<!tpu.dma_semaphore, #tpu.memory_space<semaphore_mem>>
        %dma_start3A_95 = arith.constant 9600 : i32
        %dma_start3A_96 = arith.constant 0 : i32
        %dma_start3A_97 = tpu.memref_slice %arg6[%dma_start3A_95, %dma_start3A_96] : memref<10000x128xf32, #tpu.memory_space<hbm>> -> memref<400x128xf32, #tpu.memory_space<hbm>>
        %dma_start3A_98 = arith.constant 9600 : i32
        %dma_start3A_99 = arith.constant 0 : i32
        %dma_start3A_100 = tpu.memref_slice %arg11[%dma_start3A_98, %dma_start3A_99] : memref<10000x128xf32, #tpu.memory_space<vmem_shared>> -> memref<400x128xf32, #tpu.memory_space<vmem_shared>>
        tpu.enqueue_dma source(%dma_start3A_100 : memref<400x128xf32, #tpu.memory_space<vmem_shared>>) target(%dma_start3A_97 : memref<400x128xf32, #tpu.memory_space<hbm>>) target_semaphore(%run_scoped3A : memref<!tpu.dma_semaphore, #tpu.memory_space<semaphore_mem>>)
        %dma_wait3A = arith.constant 9600 : i32
        %dma_wait3A_101 = arith.constant 0 : i32
        %dma_wait3A_102 = tpu.memref_slice %arg6[%dma_wait3A, %dma_wait3A_101] : memref<10000x128xf32, #tpu.memory_space<hbm>> -> memref<400x128xf32, #tpu.memory_space<hbm>>
        %dma_wait3A_103 = arith.constant 9600 : i32
        %dma_wait3A_104 = arith.constant 0 : i32
        %dma_wait3A_105 = tpu.memref_slice %arg11[%dma_wait3A_103, %dma_wait3A_104] : memref<10000x128xf32, #tpu.memory_space<vmem_shared>> -> memref<400x128xf32, #tpu.memory_space<vmem_shared>>
        tpu.wait_dma2 semaphore(%run_scoped3A : memref<!tpu.dma_semaphore, #tpu.memory_space<semaphore_mem>>) src(%dma_wait3A_105 : memref<400x128xf32, #tpu.memory_space<vmem_shared>>) dst(%dma_wait3A_102 : memref<400x128xf32, #tpu.memory_space<hbm>>)
        tpu.yield
      }) : () -> ()
    } else {
    }
    return
  }
}

module attributes {stable_mosaic.version = 14 : i64} {
  func.func @body(%arg0: i32, %arg1: memref<1000x128xf32, #tpu.memory_space<vmem>>, %arg2: memref<1000x128xf32, #tpu.memory_space<vmem>>, %arg3: memref<1000x128xf32, #tpu.memory_space<vmem>>, %arg4: memref<128x128xf32, #tpu.memory_space<vmem>>, %arg5: memref<1x128xf32, #tpu.memory_space<vmem>>, %arg6: memref<128x128xf32, #tpu.memory_space<vmem>>, %arg7: memref<1x128xf32, #tpu.memory_space<vmem>>, %arg8: memref<1x128xf32, #tpu.memory_space<vmem>>, %arg9: memref<1x128xf32, #tpu.memory_space<vmem>>, %arg10: memref<1000x128xf32, #tpu.memory_space<vmem>>) attributes {dimension_semantics = [#tpu.dimension_semantics<arbitrary>], iteration_bounds = array<i64: 10>, scalar_prefetch = 0 : i64, scratch_operands = 0 : i64, tpu.core_type = #tpu.core_type<tc>, window_params = [{transform_indices = @transform_0, window_bounds = array<i64: 1000, 128>}, {transform_indices = @transform_1, window_bounds = array<i64: 1000, 128>}, {transform_indices = @transform_2, window_bounds = array<i64: 1000, 128>}, {pipeline_mode = #tpu.pipeline_mode<synchronous>, transform_indices = @transform_3, window_bounds = array<i64: 128, 128>}, {pipeline_mode = #tpu.pipeline_mode<synchronous>, transform_indices = @transform_4, window_bounds = array<i64: 1, 128>}, {pipeline_mode = #tpu.pipeline_mode<synchronous>, transform_indices = @transform_5, window_bounds = array<i64: 128, 128>}, {pipeline_mode = #tpu.pipeline_mode<synchronous>, transform_indices = @transform_6, window_bounds = array<i64: 1, 128>}, {pipeline_mode = #tpu.pipeline_mode<synchronous>, transform_indices = @transform_7, window_bounds = array<i64: 1, 128>}, {pipeline_mode = #tpu.pipeline_mode<synchronous>, transform_indices = @transform_8, window_bounds = array<i64: 1, 128>}, {transform_indices = @transform_9, window_bounds = array<i64: 1000, 128>}]} {
    %get3A = arith.constant 0 : index
    %get3A_0 = arith.constant 0 : index
    %get3A_1 = vector.load %arg1[%get3A, %get3A_0] : memref<1000x128xf32, #tpu.memory_space<vmem>>, vector<1000x128xf32>
    %get3A_2 = arith.constant 0 : index
    %get3A_3 = arith.constant 0 : index
    %get3A_4 = vector.load %arg2[%get3A_2, %get3A_3] : memref<1000x128xf32, #tpu.memory_space<vmem>>, vector<1000x128xf32>
    %add3A = arith.addf %get3A_1, %get3A_4 : vector<1000x128xf32>
    %get3A_5 = arith.constant 0 : index
    %get3A_6 = arith.constant 0 : index
    %get3A_7 = vector.load %arg3[%get3A_5, %get3A_6] : memref<1000x128xf32, #tpu.memory_space<vmem>>, vector<1000x128xf32>
    %add3A_8 = arith.addf %add3A, %get3A_7 : vector<1000x128xf32>
    %get3A_9 = arith.constant 0 : index
    %get3A_10 = arith.constant 0 : index
    %get3A_11 = vector.load %arg4[%get3A_9, %get3A_10] : memref<128x128xf32, #tpu.memory_space<vmem>>, vector<128x128xf32>
    %dot_general3A = arith.constant dense<0.000000e+00> : vector<1000x128xf32>
    %dot_general3A_12 = tpu.matmul %add3A_8, %get3A_11, %dot_general3A {dimension_numbers = #tpu.dot_dimension_numbers<[1], [0], [0], [1], [0, 0, 1, 1], [], []>, transpose_lhs_hint = false} : vector<1000x128xf32>, vector<128x128xf32>, vector<1000x128xf32> -> vector<1000x128xf32>
    %get3A_13 = arith.constant 0 : index
    %get3A_14 = arith.constant 0 : index
    %get3A_15 = vector.load %arg5[%get3A_13, %get3A_14] : memref<1x128xf32, #tpu.memory_space<vmem>>, vector<1x128xf32>
    %add3A_16 = vector.broadcast %get3A_15 : vector<1x128xf32> to vector<1000x128xf32>
    %add3A_17 = arith.addf %dot_general3A_12, %add3A_16 : vector<1000x128xf32>
    %max3A = arith.constant 0.000000e+00 : f32
    %max3A_18 = vector.broadcast %max3A : f32 to vector<1000x128xf32>
    %max3A_19 = arith.maximumf %add3A_17, %max3A_18 : vector<1000x128xf32>
    %get3A_20 = arith.constant 0 : index
    %get3A_21 = arith.constant 0 : index
    %get3A_22 = vector.load %arg6[%get3A_20, %get3A_21] : memref<128x128xf32, #tpu.memory_space<vmem>>, vector<128x128xf32>
    %dot_general3A_23 = arith.constant dense<0.000000e+00> : vector<1000x128xf32>
    %dot_general3A_24 = tpu.matmul %max3A_19, %get3A_22, %dot_general3A_23 {dimension_numbers = #tpu.dot_dimension_numbers<[1], [0], [0], [1], [0, 0, 1, 1], [], []>, transpose_lhs_hint = false} : vector<1000x128xf32>, vector<128x128xf32>, vector<1000x128xf32> -> vector<1000x128xf32>
    %get3A_25 = arith.constant 0 : index
    %get3A_26 = arith.constant 0 : index
    %get3A_27 = vector.load %arg7[%get3A_25, %get3A_26] : memref<1x128xf32, #tpu.memory_space<vmem>>, vector<1x128xf32>
    %add3A_28 = vector.broadcast %get3A_27 : vector<1x128xf32> to vector<1000x128xf32>
    %add3A_29 = arith.addf %dot_general3A_24, %add3A_28 : vector<1000x128xf32>
    %get3A_30 = arith.constant 0 : index
    %get3A_31 = arith.constant 0 : index
    %get3A_32 = vector.load %arg8[%get3A_30, %get3A_31] : memref<1x128xf32, #tpu.memory_space<vmem>>, vector<1x128xf32>
    %mul3A = arith.constant 0.999994993 : f32
    %mul3A_33 = vector.broadcast %mul3A : f32 to vector<1x128xf32>
    %mul3A_34 = arith.mulf %get3A_32, %mul3A_33 : vector<1x128xf32>
    %mul3A_35 = vector.broadcast %mul3A_34 : vector<1x128xf32> to vector<1000x128xf32>
    %mul3A_36 = arith.mulf %add3A_29, %mul3A_35 : vector<1000x128xf32>
    %get3A_37 = arith.constant 0 : index
    %get3A_38 = arith.constant 0 : index
    %get3A_39 = vector.load %arg9[%get3A_37, %get3A_38] : memref<1x128xf32, #tpu.memory_space<vmem>>, vector<1x128xf32>
    %add3A_40 = vector.broadcast %get3A_39 : vector<1x128xf32> to vector<1000x128xf32>
    %add3A_41 = arith.addf %mul3A_36, %add3A_40 : vector<1000x128xf32>
    %max3A_42 = arith.constant 0.000000e+00 : f32
    %max3A_43 = vector.broadcast %max3A_42 : f32 to vector<1000x128xf32>
    %max3A_44 = arith.maximumf %add3A_41, %max3A_43 : vector<1000x128xf32>
    %swap3A = arith.constant 0 : index
    %swap3A_45 = arith.constant 0 : index
    %swap3A_46 = vector.load %arg10[%swap3A, %swap3A_45] : memref<1000x128xf32, #tpu.memory_space<vmem>>, vector<1000x128xf32>
    tpu.vector_store %arg10[%swap3A, %swap3A_45], %max3A_44 {strides = array<i32>} : memref<1000x128xf32, #tpu.memory_space<vmem>>, vector<1000x128xf32>,
    return
  }
  func.func @transform_0(%arg0: i32) -> (i32, i32) {
    %c0_i32 = arith.constant 0 : i32
    %c0_i32_0 = arith.constant 0 : i32
    return %arg0, %c0_i32 : i32, i32
  }
  func.func @transform_1(%arg0: i32) -> (i32, i32) {
    %c0_i32 = arith.constant 0 : i32
    %c0_i32_0 = arith.constant 0 : i32
    return %arg0, %c0_i32 : i32, i32
  }
  func.func @transform_2(%arg0: i32) -> (i32, i32) {
    %c0_i32 = arith.constant 0 : i32
    %c0_i32_0 = arith.constant 0 : i32
    return %arg0, %c0_i32 : i32, i32
  }
  func.func @transform_3(%arg0: i32) -> (i32, i32) {
    %c0_i32 = arith.constant 0 : i32
    %c0_i32_0 = arith.constant 0 : i32
    %c0_i32_1 = arith.constant 0 : i32
    return %c0_i32, %c0_i32_0 : i32, i32
  }
  func.func @transform_4(%arg0: i32) -> (i32, i32) {
    %c0_i32 = arith.constant 0 : i32
    %c0_i32_0 = arith.constant 0 : i32
    %c0_i32_1 = arith.constant 0 : i32
    return %c0_i32, %c0_i32_0 : i32, i32
  }
  func.func @transform_5(%arg0: i32) -> (i32, i32) {
    %c0_i32 = arith.constant 0 : i32
    %c0_i32_0 = arith.constant 0 : i32
    %c0_i32_1 = arith.constant 0 : i32
    return %c0_i32, %c0_i32_0 : i32, i32
  }
  func.func @transform_6(%arg0: i32) -> (i32, i32) {
    %c0_i32 = arith.constant 0 : i32
    %c0_i32_0 = arith.constant 0 : i32
    %c0_i32_1 = arith.constant 0 : i32
    return %c0_i32, %c0_i32_0 : i32, i32
  }
  func.func @transform_7(%arg0: i32) -> (i32, i32) {
    %c0_i32 = arith.constant 0 : i32
    %c0_i32_0 = arith.constant 0 : i32
    %c0_i32_1 = arith.constant 0 : i32
    return %c0_i32, %c0_i32_0 : i32, i32
  }
  func.func @transform_8(%arg0: i32) -> (i32, i32) {
    %c0_i32 = arith.constant 0 : i32
    %c0_i32_0 = arith.constant 0 : i32
    %c0_i32_1 = arith.constant 0 : i32
    return %c0_i32, %c0_i32_0 : i32, i32
  }
  func.func @transform_9(%arg0: i32) -> (i32, i32) {
    %c0_i32 = arith.constant 0 : i32
    %c0_i32_0 = arith.constant 0 : i32
    return %arg0, %c0_i32 : i32, i32
  }
}

module attributes {stable_mosaic.version = 14 : i64} {
  func.func @body(%arg0: i32, %arg1: memref<1000x128xf32, #tpu.memory_space<vmem>>, %arg2: memref<1x1x1000xi32, #tpu.memory_space<vmem>>, %arg3: memref<128x64xf32, #tpu.memory_space<vmem>>, %arg4: memref<1x64xf32, #tpu.memory_space<vmem>>, %arg5: memref<64x1xf32, #tpu.memory_space<vmem>>, %arg6: memref<1x1xf32, #tpu.memory_space<vmem>>, %arg7: memref<64x1xf32, #tpu.memory_space<vmem>>, %arg8: memref<64x128xf32, #tpu.memory_space<vmem>>, %arg9: memref<64x1xf32, #tpu.memory_space<vmem>>) attributes {dimension_semantics = [#tpu.dimension_semantics<arbitrary>], iteration_bounds = array<i64: 10>, scalar_prefetch = 0 : i64, scratch_operands = 2 : i64, tpu.core_type = #tpu.core_type<tc>, window_params = [{transform_indices = @transform_0, window_bounds = array<i64: 1000, 128>}, {transform_indices = @transform_1, window_bounds = array<i64: 1, 1, 1000>}, {pipeline_mode = #tpu.pipeline_mode<synchronous>, transform_indices = @transform_2, window_bounds = array<i64: 128, 64>}, {pipeline_mode = #tpu.pipeline_mode<synchronous>, transform_indices = @transform_3, window_bounds = array<i64: 1, 64>}, {pipeline_mode = #tpu.pipeline_mode<synchronous>, transform_indices = @transform_4, window_bounds = array<i64: 64, 1>}, {pipeline_mode = #tpu.pipeline_mode<synchronous>, transform_indices = @transform_5, window_bounds = array<i64: 1, 1>}, {pipeline_mode = #tpu.pipeline_mode<synchronous>, transform_indices = @transform_6, window_bounds = array<i64: 64, 1>}]} {
    %eq3A = arith.constant 0 : i32
    %eq3A_0 = arith.cmpi eq, %arg0, %eq3A : i32
    %convert_element_type3A = arith.extui %eq3A_0 : i1 to i32
    %cond3A = arith.constant 0 : i32
    %cond3A_1 = arith.cmpi ne, %convert_element_type3A, %cond3A : i32
    scf.if %cond3A_1 {
      %broadcast_in_dim3A_32 = arith.constant 0.000000e+00 : f32
      %broadcast_in_dim3A_33 = vector.broadcast %broadcast_in_dim3A_32 : f32 to vector<64x128xf32>
      %swap3A_34 = arith.constant 0 : index
      %swap3A_35 = arith.constant 0 : index
      %swap3A_36 = vector.load %arg8[%swap3A_34, %swap3A_35] : memref<64x128xf32, #tpu.memory_space<vmem>>, vector<64x128xf32>
      tpu.vector_store %arg8[%swap3A_34, %swap3A_35], %broadcast_in_dim3A_33 {strides = array<i32>} : memref<64x128xf32, #tpu.memory_space<vmem>>, vector<64x128xf32>,
      %broadcast_in_dim3A_37 = arith.constant 0.000000e+00 : f32
      %broadcast_in_dim3A_38 = vector.broadcast %broadcast_in_dim3A_37 : f32 to vector<64x1xf32>
      %swap3A_39 = arith.constant 0 : index
      %swap3A_40 = arith.constant 0 : index
      %swap3A_41 = vector.load %arg9[%swap3A_39, %swap3A_40] : memref<64x1xf32, #tpu.memory_space<vmem>>, vector<64x1xf32>
      tpu.vector_store %arg9[%swap3A_39, %swap3A_40], %broadcast_in_dim3A_38 {strides = array<i32>} : memref<64x1xf32, #tpu.memory_space<vmem>>, vector<64x1xf32>,
    } else {
    }
    %get3A = arith.constant 0 : index
    %get3A_2 = arith.constant 0 : index
    %get3A_3 = arith.constant 0 : index
    %get3A_4 = vector.load %arg2[%get3A, %get3A_2, %get3A_3] : memref<1x1x1000xi32, #tpu.memory_space<vmem>>, vector<1x1x1000xi32>
    %get3A_5 = vector.shape_cast %get3A_4 : vector<1x1x1000xi32> to vector<1x1000xi32>
    %iota3A = tpu.iota {dimensions = array<i32: 0>} : vector<64x1000xi32>
    %eq3A_6 = vector.broadcast %get3A_5 : vector<1x1000xi32> to vector<64x1000xi32>
    %eq3A_7 = arith.cmpi eq, %iota3A, %eq3A_6 : vector<64x1000xi32>
    %convert_element_type3A_8 = arith.extui %eq3A_7 : vector<64x1000xi1> to vector<64x1000xi32>
    %convert_element_type3A_9 = arith.sitofp %convert_element_type3A_8 : vector<64x1000xi32> to vector<64x1000xf32>
    %get3A_10 = arith.constant 0 : index
    %get3A_11 = arith.constant 0 : index
    %get3A_12 = vector.load %arg8[%get3A_10, %get3A_11] : memref<64x128xf32, #tpu.memory_space<vmem>>, vector<64x128xf32>
    %get3A_13 = arith.constant 0 : index
    %get3A_14 = arith.constant 0 : index
    %get3A_15 = vector.load %arg1[%get3A_13, %get3A_14] : memref<1000x128xf32, #tpu.memory_space<vmem>>, vector<1000x128xf32>
    %dot_general3A = arith.constant dense<0.000000e+00> : vector<64x128xf32>
    %dot_general3A_16 = tpu.matmul %convert_element_type3A_9, %get3A_15, %dot_general3A {dimension_numbers = #tpu.dot_dimension_numbers<[1], [0], [0], [1], [0, 0, 1, 1], [], []>, transpose_lhs_hint = false} : vector<64x1000xf32>, vector<1000x128xf32>, vector<64x128xf32> -> vector<64x128xf32>
    %add3A = arith.addf %get3A_12, %dot_general3A_16 : vector<64x128xf32>
    %swap3A = arith.constant 0 : index
    %swap3A_17 = arith.constant 0 : index
    %swap3A_18 = vector.load %arg8[%swap3A, %swap3A_17] : memref<64x128xf32, #tpu.memory_space<vmem>>, vector<64x128xf32>
    tpu.vector_store %arg8[%swap3A, %swap3A_17], %add3A {strides = array<i32>} : memref<64x128xf32, #tpu.memory_space<vmem>>, vector<64x128xf32>,
    %get3A_19 = arith.constant 0 : index
    %get3A_20 = arith.constant 0 : index
    %get3A_21 = vector.load %arg9[%get3A_19, %get3A_20] : memref<64x1xf32, #tpu.memory_space<vmem>>, vector<64x1xf32>
    %reduce_sum3A = arith.constant dense<0.000000e+00> : vector<64xf32>
    %reduce_sum3A_22 = vector.multi_reduction <add>, %convert_element_type3A_9, %reduce_sum3A [1] : vector<64x1000xf32> to vector<64xf32>
    %broadcast_in_dim3A = vector.shape_cast %reduce_sum3A_22 : vector<64xf32> to vector<64x1xf32>
    %add3A_23 = arith.addf %get3A_21, %broadcast_in_dim3A : vector<64x1xf32>
    %swap3A_24 = arith.constant 0 : index
    %swap3A_25 = arith.constant 0 : index
    %swap3A_26 = vector.load %arg9[%swap3A_24, %swap3A_25] : memref<64x1xf32, #tpu.memory_space<vmem>>, vector<64x1xf32>
    tpu.vector_store %arg9[%swap3A_24, %swap3A_25], %add3A_23 {strides = array<i32>} : memref<64x1xf32, #tpu.memory_space<vmem>>, vector<64x1xf32>,
    %eq3A_27 = arith.constant 9 : i32
    %eq3A_28 = arith.cmpi eq, %arg0, %eq3A_27 : i32
    %convert_element_type3A_29 = arith.extui %eq3A_28 : i1 to i32
    %cond3A_30 = arith.constant 0 : i32
    %cond3A_31 = arith.cmpi ne, %convert_element_type3A_29, %cond3A_30 : i32
    scf.if %cond3A_31 {
      %get3A_32 = arith.constant 0 : index
      %get3A_33 = arith.constant 0 : index
      %get3A_34 = vector.load %arg8[%get3A_32, %get3A_33] : memref<64x128xf32, #tpu.memory_space<vmem>>, vector<64x128xf32>
      %get3A_35 = arith.constant 0 : index
      %get3A_36 = arith.constant 0 : index
      %get3A_37 = vector.load %arg9[%get3A_35, %get3A_36] : memref<64x1xf32, #tpu.memory_space<vmem>>, vector<64x1xf32>
      %max3A = arith.constant 1.000000e+00 : f32
      %max3A_38 = vector.broadcast %max3A : f32 to vector<64x1xf32>
      %max3A_39 = arith.maximumf %get3A_37, %max3A_38 : vector<64x1xf32>
      %div3A = vector.broadcast %max3A_39 : vector<64x1xf32> to vector<64x128xf32>
      %div3A_40 = arith.divf %get3A_34, %div3A : vector<64x128xf32>
      %get3A_41 = arith.constant 0 : index
      %get3A_42 = arith.constant 0 : index
      %get3A_43 = vector.load %arg3[%get3A_41, %get3A_42] : memref<128x64xf32, #tpu.memory_space<vmem>>, vector<128x64xf32>
      %dot_general3A_44 = arith.constant dense<0.000000e+00> : vector<64x64xf32>
      %dot_general3A_45 = tpu.matmul %div3A_40, %get3A_43, %dot_general3A_44 {dimension_numbers = #tpu.dot_dimension_numbers<[1], [0], [0], [1], [0, 0, 1, 1], [], []>, transpose_lhs_hint = false} : vector<64x128xf32>, vector<128x64xf32>, vector<64x64xf32> -> vector<64x64xf32>
      %get3A_46 = arith.constant 0 : index
      %get3A_47 = arith.constant 0 : index
      %get3A_48 = vector.load %arg4[%get3A_46, %get3A_47] : memref<1x64xf32, #tpu.memory_space<vmem>>, vector<1x64xf32>
      %add3A_49 = vector.broadcast %get3A_48 : vector<1x64xf32> to vector<64x64xf32>
      %add3A_50 = arith.addf %dot_general3A_45, %add3A_49 : vector<64x64xf32>
      %max3A_51 = arith.constant 0.000000e+00 : f32
      %max3A_52 = vector.broadcast %max3A_51 : f32 to vector<64x64xf32>
      %max3A_53 = arith.maximumf %add3A_50, %max3A_52 : vector<64x64xf32>
      %get3A_54 = arith.constant 0 : index
      %get3A_55 = arith.constant 0 : index
      %get3A_56 = vector.load %arg5[%get3A_54, %get3A_55] : memref<64x1xf32, #tpu.memory_space<vmem>>, vector<64x1xf32>
      %dot_general3A_57 = arith.constant dense<0.000000e+00> : vector<64x1xf32>
      %dot_general3A_58 = tpu.matmul %max3A_53, %get3A_56, %dot_general3A_57 {dimension_numbers = #tpu.dot_dimension_numbers<[1], [0], [0], [1], [0, 0, 1, 1], [], []>, transpose_lhs_hint = false} : vector<64x64xf32>, vector<64x1xf32>, vector<64x1xf32> -> vector<64x1xf32>
      %get3A_59 = arith.constant 0 : index
      %get3A_60 = arith.constant 0 : index
      %get3A_61 = vector.load %arg6[%get3A_59, %get3A_60] : memref<1x1xf32, #tpu.memory_space<vmem>>, vector<1x1xf32>
      %add3A_62 = vector.broadcast %get3A_61 : vector<1x1xf32> to vector<64x1xf32>
      %add3A_63 = arith.addf %dot_general3A_58, %add3A_62 : vector<64x1xf32>
      %swap3A_64 = arith.constant 0 : index
      %swap3A_65 = arith.constant 0 : index
      %swap3A_66 = vector.load %arg7[%swap3A_64, %swap3A_65] : memref<64x1xf32, #tpu.memory_space<vmem>>, vector<64x1xf32>
      tpu.vector_store %arg7[%swap3A_64, %swap3A_65], %add3A_63 {strides = array<i32>} : memref<64x1xf32, #tpu.memory_space<vmem>>, vector<64x1xf32>,
    } else {
    }
    return
  }
  func.func @transform_0(%arg0: i32) -> (i32, i32) {
    %c0_i32 = arith.constant 0 : i32
    %c0_i32_0 = arith.constant 0 : i32
    return %arg0, %c0_i32 : i32, i32
  }
  func.func @transform_1(%arg0: i32) -> (i32, i32, i32) {
    %c0_i32 = arith.constant 0 : i32
    %c0_i32_0 = arith.constant 0 : i32
    %c0_i32_1 = arith.constant 0 : i32
    return %arg0, %c0_i32, %c0_i32_0 : i32, i32, i32
  }
  func.func @transform_2(%arg0: i32) -> (i32, i32) {
    %c0_i32 = arith.constant 0 : i32
    %c0_i32_0 = arith.constant 0 : i32
    %c0_i32_1 = arith.constant 0 : i32
    return %c0_i32, %c0_i32_0 : i32, i32
  }
  func.func @transform_3(%arg0: i32) -> (i32, i32) {
    %c0_i32 = arith.constant 0 : i32
    %c0_i32_0 = arith.constant 0 : i32
    %c0_i32_1 = arith.constant 0 : i32
    return %c0_i32, %c0_i32_0 : i32, i32
  }
  func.func @transform_4(%arg0: i32) -> (i32, i32) {
    %c0_i32 = arith.constant 0 : i32
    %c0_i32_0 = arith.constant 0 : i32
    %c0_i32_1 = arith.constant 0 : i32
    return %c0_i32, %c0_i32_0 : i32, i32
  }
  func.func @transform_5(%arg0: i32) -> (i32, i32) {
    %c0_i32 = arith.constant 0 : i32
    %c0_i32_0 = arith.constant 0 : i32
    %c0_i32_1 = arith.constant 0 : i32
    return %c0_i32, %c0_i32_0 : i32, i32
  }
  func.func @transform_6(%arg0: i32) -> (i32, i32) {
    %c0_i32 = arith.constant 0 : i32
    %c0_i32_0 = arith.constant 0 : i32
    %c0_i32_1 = arith.constant 0 : i32
    return %c0_i32, %c0_i32_0 : i32, i32
  }
}

</mosaic_0001>

<sc_bundles>
// kernel: kernel.12.cloned.1.call-start
scs
__scs_entry_jumppad:
0x0: {  	(pc) =	sbr.rel $0x88, $3  }
0x1: {  	(tag) =	ssettag $0x0;
	lr =	simm.s32 $0x1  }
0x2: {  	[smem:$0x3F88] =	sst lr;
	_ =	strace $0xD0000000  }
0x3: {  	_ = 	snop  }
0x4: {  	_ = 	snop  }
0x5: {  	_ = 	snop  }
0x6: {  	_ = 	snop  }
0x7: {  	_ = 	snop  }
__scs_overlays_trampoline_lowered:
0x8: {  	[smem:$0x3F97] =	sst s0  }
0x9: {  	[smem:$0x3F98] =	sst s1  }
0xa: {  	[smem:$0x3F99] =	sst s2  }
0xb: {  	[smem:$0x3F9A] =	sst s3  }
0xc: {  	[smem:$0x3F9B] =	sst s4  }
0xd: {  	[smem:$0x3F9C] =	sst s5  }
0xe: {  	[smem:$0x3F9D] =	sst s6  }
0xf: {  	[smem:$0x3F9E] =	sst s7  }
0x10: {  	[smem:$0x3F9F] =	sst s8  }
0x11: {  	[smem:$0x3FA0] =	sst s9;
	s0 =	simm.s32 @!p0 $0x0  }
0x12: {  	s1 =	sld [smem:$0x3F86];
	s0 =	simm.s32 @p0 $0x1  }
0x13: {  	[smem:$0x3FA1] =	sst s0;
	s0 =	simm.s32 @!p1 $0x0  }
0x14: {  	s2 =	sld [smem:$0x3F85];
	s0 =	simm.s32 @p1 $0x1  }
0x15: {  	[smem:$0x3FA2] =	sst s0;
	s0 =	simm.s32 @!p2 $0x0  }
0x16: {  	s3 =	sld [smem:$0x3FDB];
	s0 =	simm.s32 @p2 $0x1  }
0x17: {  	s4 =	simm.s32 $0x1BF5;
	[smem:$0x3FA4] =	sst s0  }
0x18: {  	s0 =	sld [smem:$0x3F87];
	_ =	swait.ge [sflag:s4], $0x0  }
0x19: {  	s7 =	sld [smem:$0x3F88]  }
0x1a: {  	s8 =	sadd.s32 $0xFFFFE003, lr  }
0x1b: {  	s9 =	sadd.s32 $0xFFFFFEF7, lr;
	s5 =	simm.s32 $0xFFFFFFFF;
	p2 =	slt.u32 s8, $0xFFFFF086  }
0x1c: {  	p1 =	slt.u32 s9, $0xF7A;
	s5 =	simm.s32 @!p2 $0x0  }
0x1d: {  	s5 =	simm.s32 @p1 $0x1;
	p0 =	seq.s32 s7, s2  }
0x1e: {  	s7 =	smul.u32 @!p0 $0xF7A, s2;
	p2 =	seq.s32 @!p0 s5, $0x0  }
0x1f: {  	s9 =	smul.u32 $0xF7A, s1;
	s8 =	simm.s32 @!p0 $0x1BF5;
	p2 =	por !p2, p0  }
0x20: {  	[sflag:s8] =	ssyncset.s32 @!p0 $0xFFFFF086;
	s6 =	sadd.s32 @!p0 s3, s7;
	s7 =	simm.s32 @!p0 $0x108  }
0x21: {  	s3 =	sadd.s32 s3, s9;
	s6 =	sadd.s32 @!p0 $0x88, s6;
	s7 =	simm.s32 @p2 $0x1082  }
0x22: {  	[simem:s7], [sflag:s8] =	dma.local @!p0 [hbm:s6], $0xF7A  }
0x23: {  	s9 =	sor.u32 $0xD0000000, s2;
	s6 =	simm.s32 $0x108;
	_ =	swait.ge @!p0 [sflag:s8], $0x0  }
0x24: {  	s3 =	sadd.s32 $0x88, s3;
	s6 =	simm.s32 @!p1 $0x1082;
	[sflag:s4] =	ssyncset.s32 $0xFFFFF086  }
0x25: {  	[simem:s6], [sflag:s4] =	dma.local [hbm:s3], $0xF7A  }
0x26: {  	[smem:$0x3F88] =	sst s1;
	(tag) =	ssettag s2;
	_ =	strace s9  }
0x27: {  	s1 =	sld [smem:$0x3F98]  }
0x28: {  	s2 =	sld [smem:$0x3F99]  }
0x29: {  	s4 =	sld [smem:$0x3F9B]  }
0x2a: {  	p0 =	seq.s32 s5, $0x0;
	s5 =	sld [smem:$0x3F9C]  }
0x2b: {  	s6 =	sld [smem:$0x3F9D]  }
0x2c: {  	s7 =	sld [smem:$0x3F9E]  }
0x2d: {  	s3 =	simm.s32 $0x108;
	s8 =	sld [smem:$0x3F9F]  }
0x2e: {  	s3 =	simm.s32 @!p0 $0x1082;
	s9 =	sld [smem:$0x3FA0]  }
0x2f: {  	lr =	sadd.s32 s0, s3;
	s0 =	sld [smem:$0x3F97]  }
0x30: {  	s3 =	sld [smem:$0x3F9A]  }
0x31: {  	[smem:$0x3FA3] =	sst s10  }
0x32: {  	s10 =	sld [smem:$0x3FA1];
	_ =	sdelay $0x3  }
0x33: {  	p0 =	seq.s32 s10, $0x1;
	s10 =	sld [smem:$0x3FA3];
	_ =	sdelay $0x3  }
0x34: {  	[smem:$0x3FA3] =	sst s10  }
0x35: {  	s10 =	sld [smem:$0x3FA2];
	_ =	sdelay $0x3  }
0x36: {  	p1 =	seq.s32 s10, $0x1;
	s10 =	sld [smem:$0x3FA3];
	_ =	sdelay $0x3  }
0x37: {  	[smem:$0x3FA3] =	sst s10  }
0x38: {  	s10 =	sld [smem:$0x3FA4]  }
0x39: {  	_ = 	snop;
	(pc) =	sbr.ind lr, $3  }
0x3a: {  	_ = 	snop  }
0x3b: {  	_ = 	snop  }
0x3c: {  	p2 =	seq.s32 s10, $0x1;
	s10 =	sld [smem:$0x3FA3]  }
0x3d: {  	_ =	shalt  }
0x3e: {  	_ =	shalt  }
0x3f: {  	_ =	shalt  }
0x40: {  	_ =	shalt  }
0x41: {  	_ =	shalt  }
0x42: {  	_ =	shalt  }
0x43: {  	_ =	shalt  }
0x44: {  	_ =	shalt  }
0x45: {  	_ =	shalt  }
0x46: {  	_ =	shalt  }
0x47: {  	_ =	shalt  }
0x48: {  	_ =	shalt  }
0x49: {  	_ =	shalt  }
0x4a: {  	_ =	shalt  }
0x4b: {  	_ =	shalt  }
0x4c: {  	_ =	shalt  }
0x4d: {  	_ =	shalt  }
0x4e: {  	_ =	shalt  }
0x4f: {  	_ =	shalt  }
0x50: {  	_ =	shalt  }
0x51: {  	_ =	shalt  }
0x52: {  	_ =	shalt  }
0x53: {  	_ =	shalt  }
0x54: {  	_ =	shalt  }
0x55: {  	_ =	shalt  }
0x56: {  	_ =	shalt  }
0x57: {  	_ =	shalt  }
0x58: {  	_ =	shalt  }
0x59: {  	_ =	shalt  }
0x5a: {  	_ =	shalt  }
0x5b: {  	_ =	shalt  }
0x5c: {  	_ =	shalt  }
0x5d: {  	_ =	shalt  }
0x5e: {  	_ =	shalt  }
0x5f: {  	_ =	shalt  }
0x60: {  	_ =	shalt  }
0x61: {  	_ =	shalt  }
0x62: {  	_ =	shalt  }
0x63: {  	_ =	shalt  }
0x64: {  	_ =	shalt  }
0x65: {  	_ =	shalt  }
0x66: {  	_ =	shalt  }
0x67: {  	_ =	shalt  }
0x68: {  	_ =	shalt  }
0x69: {  	_ =	shalt  }
0x6a: {  	_ =	shalt  }
0x6b: {  	_ =	shalt  }
0x6c: {  	_ =	shalt  }
0x6d: {  	_ =	shalt  }
0x6e: {  	_ =	shalt  }
0x6f: {  	_ =	shalt  }
0x70: {  	_ =	shalt  }
0x71: {  	_ =	shalt  }
0x72: {  	_ =	shalt  }
0x73: {  	_ =	shalt  }
0x74: {  	_ =	shalt  }
0x75: {  	_ =	shalt  }
0x76: {  	_ =	shalt  }
0x77: {  	_ =	shalt  }
0x78: {  	_ =	shalt  }
0x79: {  	_ =	shalt  }
0x7a: {  	_ =	shalt  }
0x7b: {  	_ =	shalt  }
0x7c: {  	_ =	shalt  }
0x7d: {  	_ =	shalt  }
0x7e: {  	_ =	shalt  }
0x7f: {  	_ =	shalt  }
0x80: {  	_ =	shalt  }
0x81: {  	_ =	shalt  }
0x82: {  	_ =	shalt  }
0x83: {  	_ =	shalt  }
0x84: {  	_ =	shalt  }
0x85: {  	_ =	shalt  }
0x86: {  	_ =	shalt  }
0x87: {  	_ =	shalt  }
.Lfunc_end0:
.L_simem_size_0:
called_computation.1_lowered:
.L_overlay_start_0:
0x88: {  	s2 =	sld [smem:$0x3FD9]  }
0x89: {  	s3 =	sld [smem:$0x3FFE];
	_ =	sdelay $0x1  }
0x8a: {  	s1 =	srdreg.scid  }
0x8b: {  	s0 =	sand.u32 $0x1, s1  }
0x8c: {  	s17 =	sshll.u32 s0, $0xA;
	s2 =	sadd.s32 s3, s2  }
0x8d: {  	s2 =	sadd.s32 s2, s17  }
0x8e: {  	[smem:$0x3FAF] =	sst s2  }
0x8f: {  	_ = 	snop  }
0x90: {  	s2 =	sld [smem:$0x3FC8];
	(tm) =	ssettm $0x1  }
0x91: {  	s18 =	sld [smem:$0x3FFB];
	_ =	sdelay $0x3  }
0x92: {  	_ =	strace s18  }
0x93: {  	s3 =	sld [smem:$0x3FFC];
	_ =	sdelay $0x3  }
0x94: {  	_ =	strace s3  }
0x95: {  	s3 =	sld [smem:$0x3FFD];
	_ =	sdelay $0x3  }
0x96: {  	_ =	strace s3  }
0x97: {  	_ =	strace $0x8FFFFFFF  }
0x98: {  	s19 =	sld [smem:$0x3FDB];
	_ =	sdelay $0x1  }
0x99: {  	s4 =	simm.s32 $_scs_section_size  }
0x9a: {  	s5 =	simm.s32 $_size__tile_overlayer_lowered;
	s6 =	simm.s32 $_tile_overlayer_lowered  }
0x9b: {  	s22 =	simm.s32 $0x1BFF;
	s21 =	sshll.u32 s6, $0x1;
	s3 =	sadd.s32 s4, s19  }
0x9c: {  	s7 =	simm.s32 $0x0;
	s20 =	sshll.u32 s5, $0x1;
	s5 =	sadd.s32 s21, s3  }
0x9d: {  	[timem:s7], [sflag:s22] =	dma.local [hbm:s5], s20  }
0x9e: {  	_ =	swait.ge [sflag:s22], s20  }
0x9f: {  	s4 =	ssub.s32 $0x0, s20;
	[sflag:s22] =	ssyncset.done $0x0  }
0xa0: {  	[sflag:s22] =	ssyncadd.s32 s4;
	_ =	sdelay $0x1  }
0xa1: {  	s23 =	simm.s32 $0x1B8B  }
0xa2: {  	_ =	swait.ge [sflag:s23], $0x1  }
0xa3: {  	[sflag:s23] =	ssyncset.done $0x0  }
0xa4: {  	s25 =	simm.s32 $0x1B8E;
	s24 =	sld [smem:$0x3FFE];
	[sflag:s23] =	ssyncadd.s32 $0xFFFFFFFF  }
0xa5: {  	s26 =	simm.s32 $execute0_lowered;
	[smem:$0x3FD2] =	sst s25  }
0xa6: {  	s5 =	sshll.u32 s26, $0x1;
	_ =	strace $0x80000049;
	[dreg:$0x1] =	wrdreg $0xFFFFFFFF  }
0xa7: {  	s28 =	simm.s32 $_size_execute0_lowered;
	s3 =	sadd.s32 s3, s5;
	[dreg:$0x0] =	wrdreg $0x0  }
0xa8: {  	s5 =	sshll.u32 s28, $0x1;
	[dreg:$0x2] =	wrdreg s3  }
0xa9: {  	[dreg:$0x3] =	wrdreg s5  }
0xaa: {  	[dreg:$0x4] =	wrdreg $0xC0  }
0xab: {  	_ =	task [dreg:s7], $0x5FFFF  }
0xac: {  	[dreg:$0x1] =	wrdreg $0xFFFFFFFF  }
0xad: {  	[dreg:$0x0] =	wrdreg $0x60  }
0xae: {  	[dreg:$0x2] =	wrdreg s24  }
0xaf: {  	[dreg:$0x3] =	wrdreg s2  }
0xb0: {  	[dreg:$0x4] =	wrdreg $0xA8000  }
0xb1: {  	[dreg:$0x5] =	wrdreg $0x9  }
0xb2: {  	_ =	task.clear_ibuf [dreg:s7], $0x6FFFF;
	_ =	strace $0x90000049  }
0xb3: {  	s29 =	simm.s32 $0x9;
	_ =	strace $0x8000004B  }
0xb4: {  	_ =	swait.ge [sflag:s29], $0x1  }
0xb5: {  	[sflag:s29] =	ssyncadd.s32 $0xFFFFFFFF  }
0xb6: {  	_ =	strace $0x9000004B  }
0xb7: {  	_ =	sfence  }
0xb8: {  	s30 =	sld [smem:$0x0];
	_ =	sdelay $0x2  }
0xb9: {  	s31 =	sshll.u32 s1, $0xD;
	s1 =	sshrl.u32 s1, $0x2  }
0xba: {  	s3 =	sand.u32 $0x4000, s31;
	s1 =	sadd.s32 s1, s30  }
0xbb: {  	s0 =	sor.u32 s3, s0;
	s1 =	sshll.u32 s1, $0x11  }
0xbc: {  	s0 =	sor.u32 s1, s0  }
0xbd: {  	s0 =	sadd.s32 $0x8F2B, s0  }
0xbe: {  	[sflag:s0] =	ssyncadd.remote.s32 $0x1  }
0xbf: {  	_ =	sfence.sel $0xFFFF  }
0xc0: {  	[dreg:$0x0] =	wrdreg $0xFFFFFFFF;
	(pc) =	sbr.abs _section_cstart, $3  }
0xc1: {  	[dreg:$0x1] =	wrdreg $0xFFFFFFFF  }
0xc2: {  	_ =	task.clear_ibuf [dreg:s7], $0x2FFFF;
	_ =	strace $0x9FFFFFFF  }
0xc3: {  	(tm) =	ssettm $0x7FFFFFFF  }
tec
execute0_lowered:
.L_overlay_start_1:
0x0: {  	(tag) =	ssettag $0x1  }
0x1: {  	s0 =	rddreg [dreg:$0x0]  }
0x2: {  	s2 =	rddreg [dreg:$0x1]  }
0x3: {  	s1 =	rddreg [dreg:$0x2]  }
0x4: {  	s3 =	simm.s32 $0x0;
	s4 =	srdreg.scid;
	s28 =	simm.s32 $0x2  }
0x5: {  	s30 =	simm.s32 $0x100;
	s31 =	simm.s32 $0x0;
	[smem:$0x7FF] =	sst s3  }
0x6: {  	s3 =	sadd.s32 $0x8400, s0;
	s5 =	sadd.s32 $0x5C00, s0;
	s11 =	sadd.s32 $0x2F600, s0  }
0x7: {  	s6 =	sand.u32 $0x1, s4;
	s4 =	stileid.u32;
	s22 =	sadd.s32 $0x56800, s0  }
0x8: {  	s15 =	sadd.s32 $0x12C000, s1;
	s26 =	sadd.s32 $0x13600, s2;
	s13 =	sadd.s32 $0x13610, s2  }
0x9: {  	_ =	strace $0x8000004A;
	s7 =	ssub.s32 $0x2, s6;
	s8 =	sshll.u32 s6, $0x4  }
0xa: {  	s10 =	smul.u32 $0x50000, s4;
	p0 =	seq.s32 s4, $0xF;
	[dreg:$0x8] =	wrdreg s26  }
0xb: {  	p1 =	sne.s32 s4, $0xF;
	p3 =	seq.s32 s6, $0x0;
	[dreg:$0x4] =	wrdreg s11  }
0xc: {  	s29 =	smul.u32 $0x2800, s4;
	p4 =	seq.s32 s6, $0x1;
	[dreg:$0x5] =	wrdreg s22  }
0xd: {  	[dreg:$0x6] =	wrdreg s15;
	s26 =	simm.s32 $0x3;
	s9 =	sshrl.u32 s7, $0x1  }
0xe: {  	s14 =	sor.u32 s4, s8;
	p2 =	por !p3, !p1;
	p3 =	por !p3, !p0  }
0xf: {  	s6 =	simm.s32 @!p4 $0x0;
	p1 =	por !p1, !p4;
	s0 =	sshll.u32 @!p0 s4, $0x6  }
0x10: {  	s19 =	sshrl.u32 @p0 s15, $0x3;
	s23 =	ssub.s32 s7, s9;
	s24 =	smul.u32 $0xA00, s14  }
0x11: {  	s12 =	smul.u32 $0x5000, s14;
	s10 =	sshrl.u32 s10, $0x2;
	p2 =	por !p2, !p2  }
0x12: {  	s6 =	simm.s32 @p4 $0x1;
	s16 =	sadd.s32 s11, s29;
	p3 =	por !p3, !p3  }
0x13: {  	p1 =	por !p1, !p1;
	s17 =	sadd.s32 s22, s29;
	s20 =	sor.u32 @!p0 $0x1C01, s0  }
0x14: {  	p4 =	sne.s32 s14, $0x1F;
	s22 =	simm.s32 $0x80;
	p5 =	seq.s32 s14, $0x1F  }
0x15: {  	s10 =	sadd.s32 s10, s1;
	[smem:$0x7FC] =	sst s6;
	s18 =	smax.u32 s23, $0x1  }
0x16: {  	s23 =	simm.s32 $0x2800;
	s0 =	simm.s32 @!p5 $0x0;
	s9 =	sadd.s32 s2, s24  }
.Ltmp0:
0x17: {  	s25 =	sshrl.u32 s12, $0x3;
	s0 =	simm.s32 @p5 $0x1;
	(pc) =	sbr.rel .LBB2_1-.Ltmp0, $4  }
0x18: {  	s7 =	sadd.s32 $0x10, s9;
	s2 =	sadd.s32 s2, s25;
	[smem:$0x7FD] =	sst s0  }
0x19: {  	p6 =	por !p1, p3;
	[dreg:$0x7] =	wrdreg s7;
	s7 =	sadd.s32 $0x500, s2  }
0x1a: {  	s21 =	sshrl.u32 @!p0 s10, $0x3;
	s2 =	sadd.s32 $0x510, s2;
	[dreg:$0x9] =	wrdreg s7  }
0x1b: {  	s24 =	simm.s32 $0x6800;
	s25 =	simm.s32 $0x1;
	[dreg:$0xa] =	wrdreg s2  }
.LBB2_9:
0x1c: {  	s31 =	sadd.s32 $0x1, s31  }
0x1d: {  	p1 =	sne.s32 s31, s18  }
.Ltmp1:
0x1e: {  	_ = 	snop;
	(pc) =	sbr.rel @!p1 .LBB2_10-.Ltmp1, $1  }
0x1f: {  	_ =	sdelay $0x3  }
.LBB2_1:
0x20: {  	s0 =	simm.s32 @p0 $0x1FC1  }
0x21: {  	[spmem:s19], [sflag:s0] =	dma.local @p0 [hbm:s5], $0x1900  }
0x22: {  	s2 =	simm.s32 @p4 $0x100;
	s6 =	simm.s32 @p4 $0x0;
	s0 =	simm.s32 @p4 $0x80  }
0x23: {  	[spmem:s21], [sflag:s20] =	dma.local @!p0 [hbm:s5], $0x2800  }
0x24: {  	[tilespmem:s6], [sflag:$0x2] =	stream.strided.gather @p4 [hbm4b:s9+s0], $0x1400, s2, s0, $0x38;
	[tilespmem:$0x1E080] =	vst v63  }
0x25: {  	s6 =	simm.s32 @p4 $0x1400;
	s7 =	rddreg [dreg:$0x7]  }
0x26: {  	[tilespmem:s6], [sflag:$0x1] =	stream.strided.gather @p4 [hbm4b:s7+s0], $0x1400, s2, s0, $0x38;
	[tilespmem:$0x1E080] =	vst v63  }
0x27: {  	s0 =	simm.s32 @!p4 $0x80  }
0x28: {  	s2 =	simm.s32 @!p4 $0x100;
	s6 =	simm.s32 @!p4 $0x0;
	s7 =	rddreg [dreg:$0x8]  }
0x29: {  	[tilespmem:s6], [sflag:$0x2] =	stream.strided.gather @!p4 [hbm4b:s7+s0], $0xA00, s2, s0, $0x38;
	[tilespmem:$0x1E080] =	vst v63  }
0x2a: {  	s6 =	simm.s32 @!p4 $0x1400  }
0x2b: {  	[tilespmem:s6], [sflag:$0x1] =	stream.strided.gather @!p4 [hbm4b:s13+s0], $0xA00, s2, s0, $0x38;
	[tilespmem:$0x1E080] =	vst v63  }
0x2c: {  	s0 =	simm.s32 @p0 $0x1  }
0x2d: {  	_ =	swait.ge @p0 [sflag:s0], $0x1900  }
0x2e: {  	[sflag:s0] =	ssyncset.done @p0 $0x0  }
0x2f: {  	[sflag:s0] =	ssyncadd.s32 @p0 $0xFFFFE700;
	s0 =	simm.s32 @!p0 $0x1  }
0x30: {  	_ =	swait.ge @!p0 [sflag:s0], $0x2800  }
0x31: {  	[sflag:s0] =	ssyncset.done @!p0 $0x0  }
0x32: {  	[sflag:s0] =	ssyncadd.s32 @!p0 $0xFFFFD800  }
0x33: {  	s0 =	simm.s32 @p4 $0x2;
	[bflag:$0x0] =	sbarrier.arrive $0xFFFF  }
0x34: {  	_ =	swait.ge @p4 [sflag:s0], $0x1400  }
0x35: {  	[sflag:s0] =	ssyncset.done @p4 $0x0  }
0x36: {  	[sflag:s0] =	ssyncadd.s32 @p4 $0xFFFFEC00;
	s0 =	simm.s32 @p4 $0x1  }
0x37: {  	_ =	swait.ge @p4 [sflag:s0], $0x1400  }
0x38: {  	[sflag:s0] =	ssyncset.done @p4 $0x0  }
0x39: {  	[sflag:s0] =	ssyncadd.s32 @p4 $0xFFFFEC00;
	s0 =	simm.s32 @!p4 $0x2  }
0x3a: {  	_ =	swait.ge @!p4 [sflag:s0], $0xA00  }
0x3b: {  	[sflag:s0] =	ssyncset.done @!p4 $0x0  }
0x3c: {  	[sflag:s0] =	ssyncadd.s32 @!p4 $0xFFFFF600;
	s0 =	simm.s32 @!p4 $0x1  }
0x3d: {  	_ =	swait.ge @!p4 [sflag:s0], $0xA00  }
0x3e: {  	[sflag:s0] =	ssyncset.done @!p4 $0x0  }
0x3f: {  	s12 =	simm.s32 $0x0;
	[sflag:s0] =	ssyncadd.s32 @!p4 $0xFFFFF600  }
0x40: {  	[tilespmem:s23], [sflag:$0x1] =	stream.indirect.gather [hbm4b:s3+s22], $0x80, s12, s22, $0xb8;
	[tilespmem:$0x1E080] =	vst v63  }
0x41: {  	_ = 	snop  }
0x42: {  	[tilespmem:s24], [sflag:$0x2] =	stream.indirect.gather [hbm4b:s3+s22], $0x80, s22, s22, $0xb8;
	[tilespmem:$0x1E080] =	vst v63  }
0x43: {  	_ =	swait.ge [sflag:s25], $0x4000  }
0x44: {  	s14 =	simm.s32 $0x1400;
	[sflag:s25] =	ssyncset.done $0x0  }
0x45: {  	s2 =	simm.s32 @!p4 $0xA;
	s0 =	simm.s32 @!p4 $0x14;
	[sflag:s25] =	ssyncadd.s32 $0xFFFFC000  }
0x46: {  	[spmem:s1] =	stream.indirect.scatter.add.f32 [tilespmem:s23], [sflag:$0x3], $0x80, s14, s22, $0xb8;
	[tilespmem:$0x1E080] =	vst v63  }
0x47: {  	s2 =	simm.s32 @p4 $0x14;
	s0 =	simm.s32 @p4 $0x28;
	_ =	swait.ge [sflag:s26], $0x4000  }
0x48: {  	s29 =	sshll.u32 s2, $0x1;
	p1 =	sle.u32 s0, $0x2;
	[sflag:s26] =	ssyncset.done $0x0  }
0x49: {  	s6 =	simm.s32 @!p1 $0x80;
	s7 =	simm.s32 @!p1 $0x2800;
	[sflag:s26] =	ssyncadd.s32 $0xFFFFC000  }
0x4a: {  	[tilespmem:s7], [sflag:$0x1] =	stream.indirect.gather @!p1 [hbm4b:s3+s6], $0x80, s30, s6, $0xb8;
	[tilespmem:$0x1E080] =	vst v63  }
0x4b: {  	p1 =	sne.s32 s29, $0x2;
	_ =	swait.ge [sflag:s28], $0x4000  }
.Ltmp2:
0x4c: {  	s15 =	simm.s32 $0x1480;
	[sflag:s28] =	ssyncset.done $0x0;
	(pc) =	sbr.rel @!p1 .LBB2_3-.Ltmp2, $4  }
0x4d: {  	s2 =	simm.s32 $0x2;
	p5 =	sle.u32 s0, $0x3;
	[sflag:s28] =	ssyncadd.s32 $0xFFFFC000  }
0x4e: {  	[spmem:s1] =	stream.indirect.scatter.add.f32 [tilespmem:s24], [sflag:$0x3], $0x80, s15, s22, $0xb8;
	[tilespmem:$0x1E080] =	vst v63  }
0x4f: {  	s14 =	simm.s32 $0x1580;
	s6 =	simm.s32 $0x200;
	_ =	swait.ge [sflag:s26], $0x4000  }
0x50: {  	s7 =	simm.s32 @!p5 $0x80;
	s15 =	simm.s32 @!p5 $0x180;
	[sflag:s26] =	ssyncset.done $0x0  }
.LBB2_2:
0x51: {  	[sflag:s26] =	ssyncadd.s32 $0xFFFFC000;
	s8 =	simm.s32 @!p5 $0x6800  }
0x52: {  	s11 =	smov.u32 s2;
	s2 =	sadd.s32 $0x2, s2;
	s12 =	smov.u32 s6  }
0x53: {  	[tilespmem:s8], [sflag:$0x2] =	stream.indirect.gather @!p5 [hbm4b:s3+s7], $0x80, s15, s7, $0xb8;
	[tilespmem:$0x1E080] =	vst v63  }
0x54: {  	p1 =	sne.s32 s29, s2;
	_ =	swait.ge [sflag:s25], $0x4000  }
0x55: {  	s7 =	sadd.s32 $0xFFFFFF80, s14;
	[sflag:s25] =	ssyncset.done $0x0  }
0x56: {  	[sflag:s25] =	ssyncadd.s32 $0xFFFFC000  }
0x57: {  	[spmem:s1] =	stream.indirect.scatter.add.f32 [tilespmem:s23], [sflag:$0x3], $0x80, s7, s22, $0xb8;
	[tilespmem:$0x1E080] =	vst v63  }
0x58: {  	p5 =	sge.u32 s2, s0;
	_ =	swait.ge [sflag:s26], $0x4000  }
0x59: {  	s8 =	simm.s32 @!p5 $0x2800;
	s7 =	simm.s32 @!p5 $0x80;
	[sflag:s26] =	ssyncset.done $0x0  }
0x5a: {  	[sflag:s26] =	ssyncadd.s32 $0xFFFFC000  }
0x5b: {  	[tilespmem:s8], [sflag:$0x1] =	stream.indirect.gather @!p5 [hbm4b:s3+s7], $0x80, s6, s7, $0xb8;
	[tilespmem:$0x1E080] =	vst v63  }
0x5c: {  	_ =	swait.ge [sflag:s28], $0x4000  }
.Ltmp3:
0x5d: {  	[sflag:s28] =	ssyncset.done $0x0;
	(pc) =	sbr.rel @p1 .LBB2_2-.Ltmp3, $4  }
0x5e: {  	s7 =	sadd.s32 $0x3, s11;
	s6 =	sadd.s32 $0x100, s6;
	[sflag:s28] =	ssyncadd.s32 $0xFFFFC000  }
0x5f: {  	[spmem:s1] =	stream.indirect.scatter.add.f32 [tilespmem:s24], [sflag:$0x3], $0x80, s14, s22, $0xb8;
	[tilespmem:$0x1E080] =	vst v63  }
0x60: {  	p5 =	sge.u32 s7, s0;
	s14 =	sadd.s32 $0x100, s14;
	_ =	swait.ge [sflag:s26], $0x4000  }
0x61: {  	s15 =	sadd.s32 @!p5 $0x80, s12;
	s7 =	simm.s32 @!p5 $0x80;
	[sflag:s26] =	ssyncset.done $0x0  }
.LBB2_3:
0x62: {  	s29 =	sld [smem:$0x7FD];
	_ =	sdelay $0x2  }
0x63: {  	p1 =	seq.s32 s29, $0x1  }
.Ltmp4:
0x64: {  	_ = 	snop;
	(pc) =	sbr.rel @p1 .LBB2_7-.Ltmp4, $3  }
0x65: {  	_ =	sdelay $0x1  }
0x66: {  	[sflag:s26] =	ssyncadd.s32 $0xFFFFC000;
	s0 =	simm.s32 @!p5 $0x6800  }
0x67: {  	[tilespmem:s0], [sflag:$0x2] =	stream.indirect.gather @!p5 [hbm4b:s3+s7], $0x80, s15, s7, $0xb8;
	[tilespmem:$0x1E080] =	vst v63  }
0x68: {  	s0 =	simm.s32 $0x0;
	s2 =	rddreg [dreg:$0x9]  }
0x69: {  	[tilespmem:s0], [sflag:$0x2] =	stream.strided.gather [hbm4b:s2+s22], $0x1400, s30, s22, $0x38;
	[tilespmem:$0x1E080] =	vst v63  }
0x6a: {  	s12 =	rddreg [dreg:$0xa];
	s6 =	simm.s32 $0x1400  }
0x6b: {  	[tilespmem:s6], [sflag:$0x1] =	stream.strided.gather [hbm4b:s12+s22], $0x1400, s30, s22, $0x38;
	[tilespmem:$0x1E080] =	vst v63  }
0x6c: {  	_ =	swait.ge [sflag:s28], $0x1400  }
0x6d: {  	[sflag:s28] =	ssyncset.done $0x0  }
0x6e: {  	[sflag:s28] =	ssyncadd.s32 $0xFFFFEC00  }
0x6f: {  	_ =	swait.ge [sflag:s25], $0x1400  }
0x70: {  	[sflag:s25] =	ssyncset.done $0x0  }
0x71: {  	[sflag:s25] =	ssyncadd.s32 $0xFFFFEC00  }
0x72: {  	[tilespmem:s23], [sflag:$0x1] =	stream.indirect.gather [hbm4b:s3+s22], $0x80, s0, s22, $0xb8;
	[tilespmem:$0x1E080] =	vst v63  }
0x73: {  	_ = 	snop  }
0x74: {  	[tilespmem:s24], [sflag:$0x2] =	stream.indirect.gather [hbm4b:s3+s22], $0x80, s22, s22, $0xb8;
	[tilespmem:$0x1E080] =	vst v63  }
0x75: {  	_ =	swait.ge [sflag:s25], $0x4000  }
0x76: {  	[sflag:s25] =	ssyncset.done $0x0  }
0x77: {  	s14 =	simm.s32 $0x1400;
	[sflag:s25] =	ssyncadd.s32 $0xFFFFC000  }
0x78: {  	[spmem:s1] =	stream.indirect.scatter.add.f32 [tilespmem:s23], [sflag:$0x3], $0x80, s14, s22, $0xb8;
	[tilespmem:$0x1E080] =	vst v63  }
0x79: {  	_ =	swait.ge [sflag:s26], $0x4000  }
0x7a: {  	[sflag:s26] =	ssyncset.done $0x0  }
0x7b: {  	s15 =	simm.s32 $0x100;
	[sflag:s26] =	ssyncadd.s32 $0xFFFFC000  }
0x7c: {  	[tilespmem:s23], [sflag:$0x1] =	stream.indirect.gather [hbm4b:s3+s22], $0x80, s15, s22, $0xb8;
	[tilespmem:$0x1E080] =	vst v63  }
0x7d: {  	_ =	swait.ge [sflag:s28], $0x4000  }
0x7e: {  	[sflag:s28] =	ssyncset.done $0x0  }
0x7f: {  	s29 =	simm.s32 $0x1480;
	[sflag:s28] =	ssyncadd.s32 $0xFFFFC000  }
0x80: {  	[spmem:s1] =	stream.indirect.scatter.add.f32 [tilespmem:s24], [sflag:$0x3], $0x80, s29, s22, $0xb8;
	[tilespmem:$0x1E080] =	vst v63  }
0x81: {  	_ =	swait.ge [sflag:s26], $0x4000  }
0x82: {  	[sflag:s26] =	ssyncset.done $0x0  }
0x83: {  	s2 =	simm.s32 $0x180;
	s0 =	simm.s32 $0x400;
	[sflag:s26] =	ssyncadd.s32 $0xFFFFC000  }
.LBB2_5:
0x84: {  	[tilespmem:s24], [sflag:$0x2] =	stream.indirect.gather [hbm4b:s3+s22], $0x80, s2, s22, $0xb8;
	[tilespmem:$0x1E080] =	vst v63  }
0x85: {  	s2 =	smov.u32 s0  }
0x86: {  	p1 =	sne.s32 s0, $0x4800;
	s0 =	sadd.s32 $0x400, s0;
	_ =	swait.ge [sflag:s25], $0x4000  }
0x87: {  	s2 =	sshra.s32 s2, $0x2;
	[sflag:s25] =	ssyncset.done $0x0  }
0x88: {  	s6 =	sadd.s32 $0x1400, s2;
	[sflag:s25] =	ssyncadd.s32 $0xFFFFC000  }
0x89: {  	[spmem:s1] =	stream.indirect.scatter.add.f32 [tilespmem:s23], [sflag:$0x3], $0x80, s6, s22, $0xb8;
	[tilespmem:$0x1E080] =	vst v63  }
0x8a: {  	_ =	swait.ge [sflag:s26], $0x4000  }
0x8b: {  	[sflag:s26] =	ssyncset.done $0x0  }
0x8c: {  	s6 =	sadd.s32 $0x100, s2;
	[sflag:s26] =	ssyncadd.s32 $0xFFFFC000  }
0x8d: {  	[tilespmem:s23], [sflag:$0x1] =	stream.indirect.gather [hbm4b:s3+s22], $0x80, s6, s22, $0xb8;
	[tilespmem:$0x1E080] =	vst v63  }
0x8e: {  	_ =	swait.ge [sflag:s28], $0x4000  }
0x8f: {  	[sflag:s28] =	ssyncset.done $0x0  }
.Ltmp5:
0x90: {  	s6 =	sadd.s32 $0x1480, s2;
	[sflag:s28] =	ssyncadd.s32 $0xFFFFC000;
	(pc) =	sbr.rel @p1 .LBB2_5-.Ltmp5, $4  }
0x91: {  	[spmem:s1] =	stream.indirect.scatter.add.f32 [tilespmem:s24], [sflag:$0x3], $0x80, s6, s22, $0xb8;
	[tilespmem:$0x1E080] =	vst v63  }
0x92: {  	_ =	swait.ge [sflag:s26], $0x4000  }
0x93: {  	[sflag:s26] =	ssyncset.done $0x0  }
0x94: {  	s2 =	sadd.s32 $0x180, s2;
	[sflag:s26] =	ssyncadd.s32 $0xFFFFC000  }
0x95: {  	[tilespmem:s24], [sflag:$0x2] =	stream.indirect.gather [hbm4b:s3+s22], $0x80, s2, s22, $0xb8;
	[tilespmem:$0x1E080] =	vst v63  }
0x96: {  	_ =	swait.ge [sflag:s25], $0x4000  }
0x97: {  	[sflag:s25] =	ssyncset.done $0x0  }
0x98: {  	s0 =	simm.s32 $0x2700;
	[sflag:s25] =	ssyncadd.s32 $0xFFFFC000  }
0x99: {  	[spmem:s1] =	stream.indirect.scatter.add.f32 [tilespmem:s23], [sflag:$0x3], $0x80, s0, s22, $0xb8;
	[tilespmem:$0x1E080] =	vst v63  }
0x9a: {  	_ =	swait.ge [sflag:s26], $0x4000  }
0x9b: {  	[sflag:s26] =	ssyncset.done $0x0  }
0x9c: {  	[sflag:s26] =	ssyncadd.s32 $0xFFFFC000  }
0x9d: {  	_ =	swait.ge [sflag:s28], $0x4000  }
0x9e: {  	[sflag:s28] =	ssyncset.done $0x0  }
0x9f: {  	s29 =	simm.s32 $0x2780;
	[sflag:s28] =	ssyncadd.s32 $0xFFFFC000  }
0xa0: {  	[spmem:s1] =	stream.indirect.scatter.add.f32 [tilespmem:s24], [sflag:$0x3], $0x80, s29, s22, $0xb8;
	[tilespmem:$0x1E080] =	vst v63  }
0xa1: {  	_ =	swait.ge [sflag:s26], $0x4000  }
0xa2: {  	[sflag:s26] =	ssyncset.done $0x0  }
0xa3: {  	[sflag:s26] =	ssyncadd.s32 $0xFFFFC000  }
.LBB2_7:
0xa4: {  	s0 =	sshll.u32 @p2 s4, $0x6  }
0xa5: {  	[bflag:$0x0] =	sbarrier.arrive $0xFFFF;
	s2 =	sshrl.u32 @p2 s10, $0x3;
	s0 =	sor.u32 @p2 $0x1C03, s0  }
0xa6: {  	[hbm:s16], [sflag:s0] =	dma.local @p2 [spmem:s2], $0x2800  }
0xa7: {  	s0 =	simm.s32 @p2 $0x3  }
0xa8: {  	_ =	swait.ge @p2 [sflag:s0], $0x2800  }
0xa9: {  	s2 =	sshll.u32 @!p6 s4, $0x6;
	[sflag:s0] =	ssyncset.done @p2 $0x0  }
0xaa: {  	[sflag:s0] =	ssyncadd.s32 @p2 $0xFFFFD800;
	s0 =	sor.u32 @!p6 $0x1C03, s2;
	s2 =	sshrl.u32 @!p6 s10, $0x3  }
0xab: {  	[hbm:s17], [sflag:s0] =	dma.local @!p6 [spmem:s2], $0x2800  }
0xac: {  	s0 =	sld [smem:$0x7FC];
	_ =	sdelay $0x2  }
0xad: {  	p1 =	por @!p6 $0x1, $0x1;
	p5 =	seq.s32 s0, $0x1  }
0xae: {  	p5 =	por @!p6 p1, p1  }
0xaf: {  	p1 =	por @!p3 !p5, !p0  }
0xb0: {  	p1 =	por @!p3 !p1, !p1  }
0xb1: {  	p1 =	por p3, p1  }
.Ltmp6:
0xb2: {  	_ = 	snop;
	(pc) =	sbr.rel @!p1 .LBB2_9-.Ltmp6, $4  }
0xb3: {  	s0 =	simm.s32 @!p6 $0x3  }
0xb4: {  	_ =	swait.ge @!p6 [sflag:s0], $0x2800  }
0xb5: {  	[sflag:s0] =	ssyncset.done @!p6 $0x0  }
0xb6: {  	[sflag:s0] =	ssyncadd.s32 @!p6 $0xFFFFD800  }
0xb7: {  	s0 =	rddreg [dreg:$0x5]  }
0xb8: {  	s2 =	rddreg [dreg:$0x4]  }
0xb9: {  	s29 =	rddreg [dreg:$0x6];
	s6 =	simm.s32 $0x1FC3;
	s0 =	smov.u32 @p3 s2  }
.Ltmp7:
0xba: {  	s2 =	sshrl.u32 s29, $0x3;
	s0 =	sadd.s32 $0x25800, s0;
	(pc) =	sbr.rel .LBB2_9-.Ltmp7, $4  }
0xbb: {  	[hbm:s0], [sflag:s6] =	dma.local [spmem:s2], $0x1900  }
0xbc: {  	_ =	swait.ge [sflag:s26], $0x1900  }
0xbd: {  	[sflag:s26] =	ssyncset.done $0x0  }
0xbe: {  	[sflag:s26] =	ssyncadd.s32 $0xFFFFE700  }
.LBB2_10:
0xbf: {  	_ =	sfence.sel $0x180000  }
0xc0: {  	[bflag:$0x0] =	sbarrier.arrive $0xFFFF  }
0xc1: {  	_ =	strace $0x9000004A  }
0xc2: {  	[bflag:$0x2] =	sbarrier.arrive $0xFFFF  }
0xc3: {  	p0 =	sne.s32 s4, $0x0;
	s0 =	rddreg [dreg:$0x3]  }
0xc4: {  	s0 =	sadd.s32 @!p0 $0x100000, s0  }
0xc5: {  	[sflag:s0] =	ssyncadd.tile.s32 @!p0 $0x1;
	_ =	shalt  }
.Lfunc_end2:
_tile_overlayer_lowered:
.L_overlay_start_2:
0xc6: {  	(tag) =	ssettag $0x2  }
0xc7: {  	s0 =	rddreg [dreg:$0x0];
	s2 =	stileid.u32  }
0xc8: {  	s1 =	rddreg [dreg:$0x1];
	p0 =	sne.s32 s2, $0x0  }
0xc9: {  	s3 =	rddreg [dreg:$0x2];
	[bflag:$0x3] =	sbarrier.arrive $0xFFFF;
	s2 =	simm.s32 @!p0 $0x1C03  }
0xca: {  	[timem:s3], [sflag:s2] =	dma.local @!p0 [hbm:s0], s1  }
0xcb: {  	s0 =	simm.s32 @!p0 $0x3  }
0xcc: {  	_ =	swait.ge @!p0 [sflag:s0], s1  }
0xcd: {  	s1 =	ssub.s32 @!p0 $0x0, s1;
	[sflag:s0] =	ssyncset.done @!p0 $0x0  }
0xce: {  	[sflag:s0] =	ssyncadd.s32 @!p0 s1  }
0xcf: {  	[bflag:$0x3] =	sbarrier.arrive $0xFFFF  }
0xd0: {  	_ =	shalt  }

// kernel: kernel.15.cloned.1.call-start
scs
__scs_entry_jumppad:
0x0: {  	(pc) =	sbr.rel $0x88, $3  }
0x1: {  	(tag) =	ssettag $0x0;
	lr =	simm.s32 $0x1  }
0x2: {  	[smem:$0x3F88] =	sst lr;
	_ =	strace $0xD0000000  }
0x3: {  	_ = 	snop  }
0x4: {  	_ = 	snop  }
0x5: {  	_ = 	snop  }
0x6: {  	_ = 	snop  }
0x7: {  	_ = 	snop  }
__scs_overlays_trampoline_lowered:
0x8: {  	[smem:$0x3F97] =	sst s0  }
0x9: {  	[smem:$0x3F98] =	sst s1  }
0xa: {  	[smem:$0x3F99] =	sst s2  }
0xb: {  	[smem:$0x3F9A] =	sst s3  }
0xc: {  	[smem:$0x3F9B] =	sst s4  }
0xd: {  	[smem:$0x3F9C] =	sst s5  }
0xe: {  	[smem:$0x3F9D] =	sst s6  }
0xf: {  	[smem:$0x3F9E] =	sst s7  }
0x10: {  	[smem:$0x3F9F] =	sst s8  }
0x11: {  	[smem:$0x3FA0] =	sst s9;
	s0 =	simm.s32 @!p0 $0x0  }
0x12: {  	s1 =	sld [smem:$0x3F86];
	s0 =	simm.s32 @p0 $0x1  }
0x13: {  	[smem:$0x3FA1] =	sst s0;
	s0 =	simm.s32 @!p1 $0x0  }
0x14: {  	s2 =	sld [smem:$0x3F85];
	s0 =	simm.s32 @p1 $0x1  }
0x15: {  	[smem:$0x3FA2] =	sst s0;
	s0 =	simm.s32 @!p2 $0x0  }
0x16: {  	s3 =	sld [smem:$0x3FDB];
	s0 =	simm.s32 @p2 $0x1  }
0x17: {  	s4 =	simm.s32 $0x1BF5;
	[smem:$0x3FA4] =	sst s0  }
0x18: {  	s0 =	sld [smem:$0x3F87];
	_ =	swait.ge [sflag:s4], $0x0  }
0x19: {  	s7 =	sld [smem:$0x3F88]  }
0x1a: {  	s8 =	sadd.s32 $0xFFFFE003, lr  }
0x1b: {  	s9 =	sadd.s32 $0xFFFFFEF7, lr;
	s5 =	simm.s32 $0xFFFFFFFF;
	p2 =	slt.u32 s8, $0xFFFFF086  }
0x1c: {  	p1 =	slt.u32 s9, $0xF7A;
	s5 =	simm.s32 @!p2 $0x0  }
0x1d: {  	s5 =	simm.s32 @p1 $0x1;
	p0 =	seq.s32 s7, s2  }
0x1e: {  	s7 =	smul.u32 @!p0 $0xF7A, s2;
	p2 =	seq.s32 @!p0 s5, $0x0  }
0x1f: {  	s9 =	smul.u32 $0xF7A, s1;
	s8 =	simm.s32 @!p0 $0x1BF5;
	p2 =	por !p2, p0  }
0x20: {  	[sflag:s8] =	ssyncset.s32 @!p0 $0xFFFFF086;
	s6 =	sadd.s32 @!p0 s3, s7;
	s7 =	simm.s32 @!p0 $0x108  }
0x21: {  	s3 =	sadd.s32 s3, s9;
	s6 =	sadd.s32 @!p0 $0x88, s6;
	s7 =	simm.s32 @p2 $0x1082  }
0x22: {  	[simem:s7], [sflag:s8] =	dma.local @!p0 [hbm:s6], $0xF7A  }
0x23: {  	s9 =	sor.u32 $0xD0000000, s2;
	s6 =	simm.s32 $0x108;
	_ =	swait.ge @!p0 [sflag:s8], $0x0  }
0x24: {  	s3 =	sadd.s32 $0x88, s3;
	s6 =	simm.s32 @!p1 $0x1082;
	[sflag:s4] =	ssyncset.s32 $0xFFFFF086  }
0x25: {  	[simem:s6], [sflag:s4] =	dma.local [hbm:s3], $0xF7A  }
0x26: {  	[smem:$0x3F88] =	sst s1;
	(tag) =	ssettag s2;
	_ =	strace s9  }
0x27: {  	s1 =	sld [smem:$0x3F98]  }
0x28: {  	s2 =	sld [smem:$0x3F99]  }
0x29: {  	s4 =	sld [smem:$0x3F9B]  }
0x2a: {  	p0 =	seq.s32 s5, $0x0;
	s5 =	sld [smem:$0x3F9C]  }
0x2b: {  	s6 =	sld [smem:$0x3F9D]  }
0x2c: {  	s7 =	sld [smem:$0x3F9E]  }
0x2d: {  	s3 =	simm.s32 $0x108;
	s8 =	sld [smem:$0x3F9F]  }
0x2e: {  	s3 =	simm.s32 @!p0 $0x1082;
	s9 =	sld [smem:$0x3FA0]  }
0x2f: {  	lr =	sadd.s32 s0, s3;
	s0 =	sld [smem:$0x3F97]  }
0x30: {  	s3 =	sld [smem:$0x3F9A]  }
0x31: {  	[smem:$0x3FA3] =	sst s10  }
0x32: {  	s10 =	sld [smem:$0x3FA1];
	_ =	sdelay $0x3  }
0x33: {  	p0 =	seq.s32 s10, $0x1;
	s10 =	sld [smem:$0x3FA3];
	_ =	sdelay $0x3  }
0x34: {  	[smem:$0x3FA3] =	sst s10  }
0x35: {  	s10 =	sld [smem:$0x3FA2];
	_ =	sdelay $0x3  }
0x36: {  	p1 =	seq.s32 s10, $0x1;
	s10 =	sld [smem:$0x3FA3];
	_ =	sdelay $0x3  }
0x37: {  	[smem:$0x3FA3] =	sst s10  }
0x38: {  	s10 =	sld [smem:$0x3FA4]  }
0x39: {  	_ = 	snop;
	(pc) =	sbr.ind lr, $3  }
0x3a: {  	_ = 	snop  }
0x3b: {  	_ = 	snop  }
0x3c: {  	p2 =	seq.s32 s10, $0x1;
	s10 =	sld [smem:$0x3FA3]  }
0x3d: {  	_ =	shalt  }
0x3e: {  	_ =	shalt  }
0x3f: {  	_ =	shalt  }
0x40: {  	_ =	shalt  }
0x41: {  	_ =	shalt  }
0x42: {  	_ =	shalt  }
0x43: {  	_ =	shalt  }
0x44: {  	_ =	shalt  }
0x45: {  	_ =	shalt  }
0x46: {  	_ =	shalt  }
0x47: {  	_ =	shalt  }
0x48: {  	_ =	shalt  }
0x49: {  	_ =	shalt  }
0x4a: {  	_ =	shalt  }
0x4b: {  	_ =	shalt  }
0x4c: {  	_ =	shalt  }
0x4d: {  	_ =	shalt  }
0x4e: {  	_ =	shalt  }
0x4f: {  	_ =	shalt  }
0x50: {  	_ =	shalt  }
0x51: {  	_ =	shalt  }
0x52: {  	_ =	shalt  }
0x53: {  	_ =	shalt  }
0x54: {  	_ =	shalt  }
0x55: {  	_ =	shalt  }
0x56: {  	_ =	shalt  }
0x57: {  	_ =	shalt  }
0x58: {  	_ =	shalt  }
0x59: {  	_ =	shalt  }
0x5a: {  	_ =	shalt  }
0x5b: {  	_ =	shalt  }
0x5c: {  	_ =	shalt  }
0x5d: {  	_ =	shalt  }
0x5e: {  	_ =	shalt  }
0x5f: {  	_ =	shalt  }
0x60: {  	_ =	shalt  }
0x61: {  	_ =	shalt  }
0x62: {  	_ =	shalt  }
0x63: {  	_ =	shalt  }
0x64: {  	_ =	shalt  }
0x65: {  	_ =	shalt  }
0x66: {  	_ =	shalt  }
0x67: {  	_ =	shalt  }
0x68: {  	_ =	shalt  }
0x69: {  	_ =	shalt  }
0x6a: {  	_ =	shalt  }
0x6b: {  	_ =	shalt  }
0x6c: {  	_ =	shalt  }
0x6d: {  	_ =	shalt  }
0x6e: {  	_ =	shalt  }
0x6f: {  	_ =	shalt  }
0x70: {  	_ =	shalt  }
0x71: {  	_ =	shalt  }
0x72: {  	_ =	shalt  }
0x73: {  	_ =	shalt  }
0x74: {  	_ =	shalt  }
0x75: {  	_ =	shalt  }
0x76: {  	_ =	shalt  }
0x77: {  	_ =	shalt  }
0x78: {  	_ =	shalt  }
0x79: {  	_ =	shalt  }
0x7a: {  	_ =	shalt  }
0x7b: {  	_ =	shalt  }
0x7c: {  	_ =	shalt  }
0x7d: {  	_ =	shalt  }
0x7e: {  	_ =	shalt  }
0x7f: {  	_ =	shalt  }
0x80: {  	_ =	shalt  }
0x81: {  	_ =	shalt  }
0x82: {  	_ =	shalt  }
0x83: {  	_ =	shalt  }
0x84: {  	_ =	shalt  }
0x85: {  	_ =	shalt  }
0x86: {  	_ =	shalt  }
0x87: {  	_ =	shalt  }
.Lfunc_end0:
.L_simem_size_0:
called_computation.2_lowered:
.L_overlay_start_0:
0x88: {  	s2 =	sld [smem:$0x3FD9]  }
0x89: {  	s3 =	sld [smem:$0x3FFE];
	_ =	sdelay $0x1  }
0x8a: {  	s1 =	srdreg.scid  }
0x8b: {  	s0 =	sand.u32 $0x1, s1  }
0x8c: {  	s17 =	sshll.u32 s0, $0xA;
	s2 =	sadd.s32 s3, s2  }
0x8d: {  	s2 =	sadd.s32 s2, s17  }
0x8e: {  	[smem:$0x3FAF] =	sst s2  }
0x8f: {  	_ = 	snop  }
0x90: {  	s2 =	sld [smem:$0x3FC8];
	(tm) =	ssettm $0x1  }
0x91: {  	s18 =	sld [smem:$0x3FFB];
	_ =	sdelay $0x3  }
0x92: {  	_ =	strace s18  }
0x93: {  	s3 =	sld [smem:$0x3FFC];
	_ =	sdelay $0x3  }
0x94: {  	_ =	strace s3  }
0x95: {  	s3 =	sld [smem:$0x3FFD];
	_ =	sdelay $0x3  }
0x96: {  	_ =	strace s3  }
0x97: {  	_ =	strace $0x8FFFFFFF  }
0x98: {  	s19 =	sld [smem:$0x3FDB];
	_ =	sdelay $0x1  }
0x99: {  	s4 =	simm.s32 $_scs_section_size  }
0x9a: {  	s5 =	simm.s32 $_size__tile_overlayer_lowered;
	s6 =	simm.s32 $_tile_overlayer_lowered  }
0x9b: {  	s22 =	simm.s32 $0x1BFF;
	s21 =	sshll.u32 s6, $0x1;
	s3 =	sadd.s32 s4, s19  }
0x9c: {  	s7 =	simm.s32 $0x0;
	s20 =	sshll.u32 s5, $0x1;
	s5 =	sadd.s32 s21, s3  }
0x9d: {  	[timem:s7], [sflag:s22] =	dma.local [hbm:s5], s20  }
0x9e: {  	_ =	swait.ge [sflag:s22], s20  }
0x9f: {  	s4 =	ssub.s32 $0x0, s20;
	[sflag:s22] =	ssyncset.done $0x0  }
0xa0: {  	[sflag:s22] =	ssyncadd.s32 s4;
	_ =	sdelay $0x1  }
0xa1: {  	s23 =	simm.s32 $0x1B8B  }
0xa2: {  	_ =	swait.ge [sflag:s23], $0x1  }
0xa3: {  	[sflag:s23] =	ssyncset.done $0x0  }
0xa4: {  	s25 =	simm.s32 $0x1B8E;
	s24 =	sld [smem:$0x3FFE];
	[sflag:s23] =	ssyncadd.s32 $0xFFFFFFFF  }
0xa5: {  	s26 =	simm.s32 $execute0_lowered;
	[smem:$0x3FD2] =	sst s25  }
0xa6: {  	s5 =	sshll.u32 s26, $0x1;
	_ =	strace $0x8000004C;
	[dreg:$0x1] =	wrdreg $0xFFFFFFFF  }
0xa7: {  	s28 =	simm.s32 $_size_execute0_lowered;
	s3 =	sadd.s32 s3, s5;
	[dreg:$0x0] =	wrdreg $0x0  }
0xa8: {  	s5 =	sshll.u32 s28, $0x1;
	[dreg:$0x2] =	wrdreg s3  }
0xa9: {  	[dreg:$0x3] =	wrdreg s5  }
0xaa: {  	[dreg:$0x4] =	wrdreg $0xC0  }
0xab: {  	_ =	task [dreg:s7], $0x5FFFF  }
0xac: {  	[dreg:$0x1] =	wrdreg $0xFFFFFFFF  }
0xad: {  	[dreg:$0x0] =	wrdreg $0x60  }
0xae: {  	[dreg:$0x2] =	wrdreg s24  }
0xaf: {  	[dreg:$0x3] =	wrdreg s2  }
0xb0: {  	[dreg:$0x4] =	wrdreg $0xA8000  }
0xb1: {  	[dreg:$0x5] =	wrdreg $0x9  }
0xb2: {  	_ =	task.clear_ibuf [dreg:s7], $0x6FFFF;
	_ =	strace $0x9000004C  }
0xb3: {  	s29 =	simm.s32 $0x9;
	_ =	strace $0x8000004E  }
0xb4: {  	_ =	swait.ge [sflag:s29], $0x1  }
0xb5: {  	[sflag:s29] =	ssyncadd.s32 $0xFFFFFFFF  }
0xb6: {  	_ =	strace $0x9000004E  }
0xb7: {  	_ =	sfence  }
0xb8: {  	s30 =	sld [smem:$0x0];
	_ =	sdelay $0x2  }
0xb9: {  	s31 =	sshll.u32 s1, $0xD;
	s1 =	sshrl.u32 s1, $0x2  }
0xba: {  	s3 =	sand.u32 $0x4000, s31;
	s1 =	sadd.s32 s1, s30  }
0xbb: {  	s0 =	sor.u32 s3, s0;
	s1 =	sshll.u32 s1, $0x11  }
0xbc: {  	s0 =	sor.u32 s1, s0  }
0xbd: {  	s0 =	sadd.s32 $0x8F2B, s0  }
0xbe: {  	[sflag:s0] =	ssyncadd.remote.s32 $0x1  }
0xbf: {  	_ =	sfence.sel $0xFFFF  }
0xc0: {  	[dreg:$0x0] =	wrdreg $0xFFFFFFFF;
	(pc) =	sbr.abs _section_cstart, $3  }
0xc1: {  	[dreg:$0x1] =	wrdreg $0xFFFFFFFF  }
0xc2: {  	_ =	task.clear_ibuf [dreg:s7], $0x2FFFF;
	_ =	strace $0x9FFFFFFF  }
0xc3: {  	(tm) =	ssettm $0x7FFFFFFF  }
tec
execute0_lowered:
.L_overlay_start_1:
0x0: {  	(tag) =	ssettag $0x1  }
0x1: {  	s0 =	rddreg [dreg:$0x0]  }
0x2: {  	s2 =	rddreg [dreg:$0x1]  }
0x3: {  	s1 =	rddreg [dreg:$0x2]  }
0x4: {  	s3 =	simm.s32 $0x0;
	s4 =	srdreg.scid;
	s28 =	simm.s32 $0x2  }
0x5: {  	s30 =	simm.s32 $0x100;
	s31 =	simm.s32 $0x0;
	[smem:$0x7FF] =	sst s3  }
0x6: {  	s3 =	sadd.s32 $0x8400, s0;
	s5 =	sadd.s32 $0x5C00, s0;
	s11 =	sadd.s32 $0x2F600, s0  }
0x7: {  	s6 =	sand.u32 $0x1, s4;
	s4 =	stileid.u32;
	s22 =	sadd.s32 $0x56800, s0  }
0x8: {  	s15 =	sadd.s32 $0x12C000, s1;
	s26 =	sadd.s32 $0x13600, s2;
	s13 =	sadd.s32 $0x13610, s2  }
0x9: {  	_ =	strace $0x8000004D;
	s7 =	ssub.s32 $0x2, s6;
	s8 =	sshll.u32 s6, $0x4  }
0xa: {  	s10 =	smul.u32 $0x50000, s4;
	p0 =	seq.s32 s4, $0xF;
	[dreg:$0x8] =	wrdreg s26  }
0xb: {  	p1 =	sne.s32 s4, $0xF;
	p3 =	seq.s32 s6, $0x0;
	[dreg:$0x4] =	wrdreg s11  }
0xc: {  	s29 =	smul.u32 $0x2800, s4;
	p4 =	seq.s32 s6, $0x1;
	[dreg:$0x5] =	wrdreg s22  }
0xd: {  	[dreg:$0x6] =	wrdreg s15;
	s26 =	simm.s32 $0x3;
	s9 =	sshrl.u32 s7, $0x1  }
0xe: {  	s14 =	sor.u32 s4, s8;
	p2 =	por !p3, !p1;
	p3 =	por !p3, !p0  }
0xf: {  	s6 =	simm.s32 @!p4 $0x0;
	p1 =	por !p1, !p4;
	s0 =	sshll.u32 @!p0 s4, $0x6  }
0x10: {  	s19 =	sshrl.u32 @p0 s15, $0x3;
	s23 =	ssub.s32 s7, s9;
	s24 =	smul.u32 $0xA00, s14  }
0x11: {  	s12 =	smul.u32 $0x5000, s14;
	s10 =	sshrl.u32 s10, $0x2;
	p2 =	por !p2, !p2  }
0x12: {  	s6 =	simm.s32 @p4 $0x1;
	s16 =	sadd.s32 s11, s29;
	p3 =	por !p3, !p3  }
0x13: {  	p1 =	por !p1, !p1;
	s17 =	sadd.s32 s22, s29;
	s20 =	sor.u32 @!p0 $0x1C01, s0  }
0x14: {  	p4 =	sne.s32 s14, $0x1F;
	s22 =	simm.s32 $0x80;
	p5 =	seq.s32 s14, $0x1F  }
0x15: {  	s10 =	sadd.s32 s10, s1;
	[smem:$0x7FC] =	sst s6;
	s18 =	smax.u32 s23, $0x1  }
0x16: {  	s23 =	simm.s32 $0x2800;
	s0 =	simm.s32 @!p5 $0x0;
	s9 =	sadd.s32 s2, s24  }
.Ltmp0:
0x17: {  	s25 =	sshrl.u32 s12, $0x3;
	s0 =	simm.s32 @p5 $0x1;
	(pc) =	sbr.rel .LBB2_1-.Ltmp0, $4  }
0x18: {  	s7 =	sadd.s32 $0x10, s9;
	s2 =	sadd.s32 s2, s25;
	[smem:$0x7FD] =	sst s0  }
0x19: {  	p6 =	por !p1, p3;
	[dreg:$0x7] =	wrdreg s7;
	s7 =	sadd.s32 $0x500, s2  }
0x1a: {  	s21 =	sshrl.u32 @!p0 s10, $0x3;
	s2 =	sadd.s32 $0x510, s2;
	[dreg:$0x9] =	wrdreg s7  }
0x1b: {  	s24 =	simm.s32 $0x6800;
	s25 =	simm.s32 $0x1;
	[dreg:$0xa] =	wrdreg s2  }
.LBB2_9:
0x1c: {  	s31 =	sadd.s32 $0x1, s31  }
0x1d: {  	p1 =	sne.s32 s31, s18  }
.Ltmp1:
0x1e: {  	_ = 	snop;
	(pc) =	sbr.rel @!p1 .LBB2_10-.Ltmp1, $1  }
0x1f: {  	_ =	sdelay $0x3  }
.LBB2_1:
0x20: {  	s0 =	simm.s32 @p0 $0x1FC1  }
0x21: {  	[spmem:s19], [sflag:s0] =	dma.local @p0 [hbm:s5], $0x1900  }
0x22: {  	s2 =	simm.s32 @p4 $0x100;
	s6 =	simm.s32 @p4 $0x0;
	s0 =	simm.s32 @p4 $0x80  }
0x23: {  	[spmem:s21], [sflag:s20] =	dma.local @!p0 [hbm:s5], $0x2800  }
0x24: {  	[tilespmem:s6], [sflag:$0x2] =	stream.strided.gather @p4 [hbm4b:s9+s0], $0x1400, s2, s0, $0x38;
	[tilespmem:$0x1E080] =	vst v63  }
0x25: {  	s6 =	simm.s32 @p4 $0x1400;
	s7 =	rddreg [dreg:$0x7]  }
0x26: {  	[tilespmem:s6], [sflag:$0x1] =	stream.strided.gather @p4 [hbm4b:s7+s0], $0x1400, s2, s0, $0x38;
	[tilespmem:$0x1E080] =	vst v63  }
0x27: {  	s0 =	simm.s32 @!p4 $0x80  }
0x28: {  	s2 =	simm.s32 @!p4 $0x100;
	s6 =	simm.s32 @!p4 $0x0;
	s7 =	rddreg [dreg:$0x8]  }
0x29: {  	[tilespmem:s6], [sflag:$0x2] =	stream.strided.gather @!p4 [hbm4b:s7+s0], $0xA00, s2, s0, $0x38;
	[tilespmem:$0x1E080] =	vst v63  }
0x2a: {  	s6 =	simm.s32 @!p4 $0x1400  }
0x2b: {  	[tilespmem:s6], [sflag:$0x1] =	stream.strided.gather @!p4 [hbm4b:s13+s0], $0xA00, s2, s0, $0x38;
	[tilespmem:$0x1E080] =	vst v63  }
0x2c: {  	s0 =	simm.s32 @p0 $0x1  }
0x2d: {  	_ =	swait.ge @p0 [sflag:s0], $0x1900  }
0x2e: {  	[sflag:s0] =	ssyncset.done @p0 $0x0  }
0x2f: {  	[sflag:s0] =	ssyncadd.s32 @p0 $0xFFFFE700;
	s0 =	simm.s32 @!p0 $0x1  }
0x30: {  	_ =	swait.ge @!p0 [sflag:s0], $0x2800  }
0x31: {  	[sflag:s0] =	ssyncset.done @!p0 $0x0  }
0x32: {  	[sflag:s0] =	ssyncadd.s32 @!p0 $0xFFFFD800  }
0x33: {  	s0 =	simm.s32 @p4 $0x2;
	[bflag:$0x0] =	sbarrier.arrive $0xFFFF  }
0x34: {  	_ =	swait.ge @p4 [sflag:s0], $0x1400  }
0x35: {  	[sflag:s0] =	ssyncset.done @p4 $0x0  }
0x36: {  	[sflag:s0] =	ssyncadd.s32 @p4 $0xFFFFEC00;
	s0 =	simm.s32 @p4 $0x1  }
0x37: {  	_ =	swait.ge @p4 [sflag:s0], $0x1400  }
0x38: {  	[sflag:s0] =	ssyncset.done @p4 $0x0  }
0x39: {  	[sflag:s0] =	ssyncadd.s32 @p4 $0xFFFFEC00;
	s0 =	simm.s32 @!p4 $0x2  }
0x3a: {  	_ =	swait.ge @!p4 [sflag:s0], $0xA00  }
0x3b: {  	[sflag:s0] =	ssyncset.done @!p4 $0x0  }
0x3c: {  	[sflag:s0] =	ssyncadd.s32 @!p4 $0xFFFFF600;
	s0 =	simm.s32 @!p4 $0x1  }
0x3d: {  	_ =	swait.ge @!p4 [sflag:s0], $0xA00  }
0x3e: {  	[sflag:s0] =	ssyncset.done @!p4 $0x0  }
0x3f: {  	s12 =	simm.s32 $0x0;
	[sflag:s0] =	ssyncadd.s32 @!p4 $0xFFFFF600  }
0x40: {  	[tilespmem:s23], [sflag:$0x1] =	stream.indirect.gather [hbm4b:s3+s22], $0x80, s12, s22, $0xb8;
	[tilespmem:$0x1E080] =	vst v63  }
0x41: {  	_ = 	snop  }
0x42: {  	[tilespmem:s24], [sflag:$0x2] =	stream.indirect.gather [hbm4b:s3+s22], $0x80, s22, s22, $0xb8;
	[tilespmem:$0x1E080] =	vst v63  }
0x43: {  	_ =	swait.ge [sflag:s25], $0x4000  }
0x44: {  	s14 =	simm.s32 $0x1400;
	[sflag:s25] =	ssyncset.done $0x0  }
0x45: {  	s2 =	simm.s32 @!p4 $0xA;
	s0 =	simm.s32 @!p4 $0x14;
	[sflag:s25] =	ssyncadd.s32 $0xFFFFC000  }
0x46: {  	[spmem:s1] =	stream.indirect.scatter.add.f32 [tilespmem:s23], [sflag:$0x3], $0x80, s14, s22, $0xb8;
	[tilespmem:$0x1E080] =	vst v63  }
0x47: {  	s2 =	simm.s32 @p4 $0x14;
	s0 =	simm.s32 @p4 $0x28;
	_ =	swait.ge [sflag:s26], $0x4000  }
0x48: {  	s29 =	sshll.u32 s2, $0x1;
	p1 =	sle.u32 s0, $0x2;
	[sflag:s26] =	ssyncset.done $0x0  }
0x49: {  	s6 =	simm.s32 @!p1 $0x80;
	s7 =	simm.s32 @!p1 $0x2800;
	[sflag:s26] =	ssyncadd.s32 $0xFFFFC000  }
0x4a: {  	[tilespmem:s7], [sflag:$0x1] =	stream.indirect.gather @!p1 [hbm4b:s3+s6], $0x80, s30, s6, $0xb8;
	[tilespmem:$0x1E080] =	vst v63  }
0x4b: {  	p1 =	sne.s32 s29, $0x2;
	_ =	swait.ge [sflag:s28], $0x4000  }
.Ltmp2:
0x4c: {  	s15 =	simm.s32 $0x1480;
	[sflag:s28] =	ssyncset.done $0x0;
	(pc) =	sbr.rel @!p1 .LBB2_3-.Ltmp2, $4  }
0x4d: {  	s2 =	simm.s32 $0x2;
	p5 =	sle.u32 s0, $0x3;
	[sflag:s28] =	ssyncadd.s32 $0xFFFFC000  }
0x4e: {  	[spmem:s1] =	stream.indirect.scatter.add.f32 [tilespmem:s24], [sflag:$0x3], $0x80, s15, s22, $0xb8;
	[tilespmem:$0x1E080] =	vst v63  }
0x4f: {  	s14 =	simm.s32 $0x1580;
	s6 =	simm.s32 $0x200;
	_ =	swait.ge [sflag:s26], $0x4000  }
0x50: {  	s7 =	simm.s32 @!p5 $0x80;
	s15 =	simm.s32 @!p5 $0x180;
	[sflag:s26] =	ssyncset.done $0x0  }
.LBB2_2:
0x51: {  	[sflag:s26] =	ssyncadd.s32 $0xFFFFC000;
	s8 =	simm.s32 @!p5 $0x6800  }
0x52: {  	s11 =	smov.u32 s2;
	s2 =	sadd.s32 $0x2, s2;
	s12 =	smov.u32 s6  }
0x53: {  	[tilespmem:s8], [sflag:$0x2] =	stream.indirect.gather @!p5 [hbm4b:s3+s7], $0x80, s15, s7, $0xb8;
	[tilespmem:$0x1E080] =	vst v63  }
0x54: {  	p1 =	sne.s32 s29, s2;
	_ =	swait.ge [sflag:s25], $0x4000  }
0x55: {  	s7 =	sadd.s32 $0xFFFFFF80, s14;
	[sflag:s25] =	ssyncset.done $0x0  }
0x56: {  	[sflag:s25] =	ssyncadd.s32 $0xFFFFC000  }
0x57: {  	[spmem:s1] =	stream.indirect.scatter.add.f32 [tilespmem:s23], [sflag:$0x3], $0x80, s7, s22, $0xb8;
	[tilespmem:$0x1E080] =	vst v63  }
0x58: {  	p5 =	sge.u32 s2, s0;
	_ =	swait.ge [sflag:s26], $0x4000  }
0x59: {  	s8 =	simm.s32 @!p5 $0x2800;
	s7 =	simm.s32 @!p5 $0x80;
	[sflag:s26] =	ssyncset.done $0x0  }
0x5a: {  	[sflag:s26] =	ssyncadd.s32 $0xFFFFC000  }
0x5b: {  	[tilespmem:s8], [sflag:$0x1] =	stream.indirect.gather @!p5 [hbm4b:s3+s7], $0x80, s6, s7, $0xb8;
	[tilespmem:$0x1E080] =	vst v63  }
0x5c: {  	_ =	swait.ge [sflag:s28], $0x4000  }
.Ltmp3:
0x5d: {  	[sflag:s28] =	ssyncset.done $0x0;
	(pc) =	sbr.rel @p1 .LBB2_2-.Ltmp3, $4  }
0x5e: {  	s7 =	sadd.s32 $0x3, s11;
	s6 =	sadd.s32 $0x100, s6;
	[sflag:s28] =	ssyncadd.s32 $0xFFFFC000  }
0x5f: {  	[spmem:s1] =	stream.indirect.scatter.add.f32 [tilespmem:s24], [sflag:$0x3], $0x80, s14, s22, $0xb8;
	[tilespmem:$0x1E080] =	vst v63  }
0x60: {  	p5 =	sge.u32 s7, s0;
	s14 =	sadd.s32 $0x100, s14;
	_ =	swait.ge [sflag:s26], $0x4000  }
0x61: {  	s15 =	sadd.s32 @!p5 $0x80, s12;
	s7 =	simm.s32 @!p5 $0x80;
	[sflag:s26] =	ssyncset.done $0x0  }
.LBB2_3:
0x62: {  	s29 =	sld [smem:$0x7FD];
	_ =	sdelay $0x2  }
0x63: {  	p1 =	seq.s32 s29, $0x1  }
.Ltmp4:
0x64: {  	_ = 	snop;
	(pc) =	sbr.rel @p1 .LBB2_7-.Ltmp4, $3  }
0x65: {  	_ =	sdelay $0x1  }
0x66: {  	[sflag:s26] =	ssyncadd.s32 $0xFFFFC000;
	s0 =	simm.s32 @!p5 $0x6800  }
0x67: {  	[tilespmem:s0], [sflag:$0x2] =	stream.indirect.gather @!p5 [hbm4b:s3+s7], $0x80, s15, s7, $0xb8;
	[tilespmem:$0x1E080] =	vst v63  }
0x68: {  	s0 =	simm.s32 $0x0;
	s2 =	rddreg [dreg:$0x9]  }
0x69: {  	[tilespmem:s0], [sflag:$0x2] =	stream.strided.gather [hbm4b:s2+s22], $0x1400, s30, s22, $0x38;
	[tilespmem:$0x1E080] =	vst v63  }
0x6a: {  	s12 =	rddreg [dreg:$0xa];
	s6 =	simm.s32 $0x1400  }
0x6b: {  	[tilespmem:s6], [sflag:$0x1] =	stream.strided.gather [hbm4b:s12+s22], $0x1400, s30, s22, $0x38;
	[tilespmem:$0x1E080] =	vst v63  }
0x6c: {  	_ =	swait.ge [sflag:s28], $0x1400  }
0x6d: {  	[sflag:s28] =	ssyncset.done $0x0  }
0x6e: {  	[sflag:s28] =	ssyncadd.s32 $0xFFFFEC00  }
0x6f: {  	_ =	swait.ge [sflag:s25], $0x1400  }
0x70: {  	[sflag:s25] =	ssyncset.done $0x0  }
0x71: {  	[sflag:s25] =	ssyncadd.s32 $0xFFFFEC00  }
0x72: {  	[tilespmem:s23], [sflag:$0x1] =	stream.indirect.gather [hbm4b:s3+s22], $0x80, s0, s22, $0xb8;
	[tilespmem:$0x1E080] =	vst v63  }
0x73: {  	_ = 	snop  }
0x74: {  	[tilespmem:s24], [sflag:$0x2] =	stream.indirect.gather [hbm4b:s3+s22], $0x80, s22, s22, $0xb8;
	[tilespmem:$0x1E080] =	vst v63  }
0x75: {  	_ =	swait.ge [sflag:s25], $0x4000  }
0x76: {  	[sflag:s25] =	ssyncset.done $0x0  }
0x77: {  	s14 =	simm.s32 $0x1400;
	[sflag:s25] =	ssyncadd.s32 $0xFFFFC000  }
0x78: {  	[spmem:s1] =	stream.indirect.scatter.add.f32 [tilespmem:s23], [sflag:$0x3], $0x80, s14, s22, $0xb8;
	[tilespmem:$0x1E080] =	vst v63  }
0x79: {  	_ =	swait.ge [sflag:s26], $0x4000  }
0x7a: {  	[sflag:s26] =	ssyncset.done $0x0  }
0x7b: {  	s15 =	simm.s32 $0x100;
	[sflag:s26] =	ssyncadd.s32 $0xFFFFC000  }
0x7c: {  	[tilespmem:s23], [sflag:$0x1] =	stream.indirect.gather [hbm4b:s3+s22], $0x80, s15, s22, $0xb8;
	[tilespmem:$0x1E080] =	vst v63  }
0x7d: {  	_ =	swait.ge [sflag:s28], $0x4000  }
0x7e: {  	[sflag:s28] =	ssyncset.done $0x0  }
0x7f: {  	s29 =	simm.s32 $0x1480;
	[sflag:s28] =	ssyncadd.s32 $0xFFFFC000  }
0x80: {  	[spmem:s1] =	stream.indirect.scatter.add.f32 [tilespmem:s24], [sflag:$0x3], $0x80, s29, s22, $0xb8;
	[tilespmem:$0x1E080] =	vst v63  }
0x81: {  	_ =	swait.ge [sflag:s26], $0x4000  }
0x82: {  	[sflag:s26] =	ssyncset.done $0x0  }
0x83: {  	s2 =	simm.s32 $0x180;
	s0 =	simm.s32 $0x400;
	[sflag:s26] =	ssyncadd.s32 $0xFFFFC000  }
.LBB2_5:
0x84: {  	[tilespmem:s24], [sflag:$0x2] =	stream.indirect.gather [hbm4b:s3+s22], $0x80, s2, s22, $0xb8;
	[tilespmem:$0x1E080] =	vst v63  }
0x85: {  	s2 =	smov.u32 s0  }
0x86: {  	p1 =	sne.s32 s0, $0x4800;
	s0 =	sadd.s32 $0x400, s0;
	_ =	swait.ge [sflag:s25], $0x4000  }
0x87: {  	s2 =	sshra.s32 s2, $0x2;
	[sflag:s25] =	ssyncset.done $0x0  }
0x88: {  	s6 =	sadd.s32 $0x1400, s2;
	[sflag:s25] =	ssyncadd.s32 $0xFFFFC000  }
0x89: {  	[spmem:s1] =	stream.indirect.scatter.add.f32 [tilespmem:s23], [sflag:$0x3], $0x80, s6, s22, $0xb8;
	[tilespmem:$0x1E080] =	vst v63  }
0x8a: {  	_ =	swait.ge [sflag:s26], $0x4000  }
0x8b: {  	[sflag:s26] =	ssyncset.done $0x0  }
0x8c: {  	s6 =	sadd.s32 $0x100, s2;
	[sflag:s26] =	ssyncadd.s32 $0xFFFFC000  }
0x8d: {  	[tilespmem:s23], [sflag:$0x1] =	stream.indirect.gather [hbm4b:s3+s22], $0x80, s6, s22, $0xb8;
	[tilespmem:$0x1E080] =	vst v63  }
0x8e: {  	_ =	swait.ge [sflag:s28], $0x4000  }
0x8f: {  	[sflag:s28] =	ssyncset.done $0x0  }
.Ltmp5:
0x90: {  	s6 =	sadd.s32 $0x1480, s2;
	[sflag:s28] =	ssyncadd.s32 $0xFFFFC000;
	(pc) =	sbr.rel @p1 .LBB2_5-.Ltmp5, $4  }
0x91: {  	[spmem:s1] =	stream.indirect.scatter.add.f32 [tilespmem:s24], [sflag:$0x3], $0x80, s6, s22, $0xb8;
	[tilespmem:$0x1E080] =	vst v63  }
0x92: {  	_ =	swait.ge [sflag:s26], $0x4000  }
0x93: {  	[sflag:s26] =	ssyncset.done $0x0  }
0x94: {  	s2 =	sadd.s32 $0x180, s2;
	[sflag:s26] =	ssyncadd.s32 $0xFFFFC000  }
0x95: {  	[tilespmem:s24], [sflag:$0x2] =	stream.indirect.gather [hbm4b:s3+s22], $0x80, s2, s22, $0xb8;
	[tilespmem:$0x1E080] =	vst v63  }
0x96: {  	_ =	swait.ge [sflag:s25], $0x4000  }
0x97: {  	[sflag:s25] =	ssyncset.done $0x0  }
0x98: {  	s0 =	simm.s32 $0x2700;
	[sflag:s25] =	ssyncadd.s32 $0xFFFFC000  }
0x99: {  	[spmem:s1] =	stream.indirect.scatter.add.f32 [tilespmem:s23], [sflag:$0x3], $0x80, s0, s22, $0xb8;
	[tilespmem:$0x1E080] =	vst v63  }
0x9a: {  	_ =	swait.ge [sflag:s26], $0x4000  }
0x9b: {  	[sflag:s26] =	ssyncset.done $0x0  }
0x9c: {  	[sflag:s26] =	ssyncadd.s32 $0xFFFFC000  }
0x9d: {  	_ =	swait.ge [sflag:s28], $0x4000  }
0x9e: {  	[sflag:s28] =	ssyncset.done $0x0  }
0x9f: {  	s29 =	simm.s32 $0x2780;
	[sflag:s28] =	ssyncadd.s32 $0xFFFFC000  }
0xa0: {  	[spmem:s1] =	stream.indirect.scatter.add.f32 [tilespmem:s24], [sflag:$0x3], $0x80, s29, s22, $0xb8;
	[tilespmem:$0x1E080] =	vst v63  }
0xa1: {  	_ =	swait.ge [sflag:s26], $0x4000  }
0xa2: {  	[sflag:s26] =	ssyncset.done $0x0  }
0xa3: {  	[sflag:s26] =	ssyncadd.s32 $0xFFFFC000  }
.LBB2_7:
0xa4: {  	s0 =	sshll.u32 @p2 s4, $0x6  }
0xa5: {  	[bflag:$0x0] =	sbarrier.arrive $0xFFFF;
	s2 =	sshrl.u32 @p2 s10, $0x3;
	s0 =	sor.u32 @p2 $0x1C03, s0  }
0xa6: {  	[hbm:s16], [sflag:s0] =	dma.local @p2 [spmem:s2], $0x2800  }
0xa7: {  	s0 =	simm.s32 @p2 $0x3  }
0xa8: {  	_ =	swait.ge @p2 [sflag:s0], $0x2800  }
0xa9: {  	s2 =	sshll.u32 @!p6 s4, $0x6;
	[sflag:s0] =	ssyncset.done @p2 $0x0  }
0xaa: {  	[sflag:s0] =	ssyncadd.s32 @p2 $0xFFFFD800;
	s0 =	sor.u32 @!p6 $0x1C03, s2;
	s2 =	sshrl.u32 @!p6 s10, $0x3  }
0xab: {  	[hbm:s17], [sflag:s0] =	dma.local @!p6 [spmem:s2], $0x2800  }
0xac: {  	s0 =	sld [smem:$0x7FC];
	_ =	sdelay $0x2  }
0xad: {  	p1 =	por @!p6 $0x1, $0x1;
	p5 =	seq.s32 s0, $0x1  }
0xae: {  	p5 =	por @!p6 p1, p1  }
0xaf: {  	p1 =	por @!p3 !p5, !p0  }
0xb0: {  	p1 =	por @!p3 !p1, !p1  }
0xb1: {  	p1 =	por p3, p1  }
.Ltmp6:
0xb2: {  	_ = 	snop;
	(pc) =	sbr.rel @!p1 .LBB2_9-.Ltmp6, $4  }
0xb3: {  	s0 =	simm.s32 @!p6 $0x3  }
0xb4: {  	_ =	swait.ge @!p6 [sflag:s0], $0x2800  }
0xb5: {  	[sflag:s0] =	ssyncset.done @!p6 $0x0  }
0xb6: {  	[sflag:s0] =	ssyncadd.s32 @!p6 $0xFFFFD800  }
0xb7: {  	s0 =	rddreg [dreg:$0x5]  }
0xb8: {  	s2 =	rddreg [dreg:$0x4]  }
0xb9: {  	s29 =	rddreg [dreg:$0x6];
	s6 =	simm.s32 $0x1FC3;
	s0 =	smov.u32 @p3 s2  }
.Ltmp7:
0xba: {  	s2 =	sshrl.u32 s29, $0x3;
	s0 =	sadd.s32 $0x25800, s0;
	(pc) =	sbr.rel .LBB2_9-.Ltmp7, $4  }
0xbb: {  	[hbm:s0], [sflag:s6] =	dma.local [spmem:s2], $0x1900  }
0xbc: {  	_ =	swait.ge [sflag:s26], $0x1900  }
0xbd: {  	[sflag:s26] =	ssyncset.done $0x0  }
0xbe: {  	[sflag:s26] =	ssyncadd.s32 $0xFFFFE700  }
.LBB2_10:
0xbf: {  	_ =	sfence.sel $0x180000  }
0xc0: {  	[bflag:$0x0] =	sbarrier.arrive $0xFFFF  }
0xc1: {  	_ =	strace $0x9000004D  }
0xc2: {  	[bflag:$0x2] =	sbarrier.arrive $0xFFFF  }
0xc3: {  	p0 =	sne.s32 s4, $0x0;
	s0 =	rddreg [dreg:$0x3]  }
0xc4: {  	s0 =	sadd.s32 @!p0 $0x100000, s0  }
0xc5: {  	[sflag:s0] =	ssyncadd.tile.s32 @!p0 $0x1;
	_ =	shalt  }
.Lfunc_end2:
_tile_overlayer_lowered:
.L_overlay_start_2:
0xc6: {  	(tag) =	ssettag $0x2  }
0xc7: {  	s0 =	rddreg [dreg:$0x0];
	s2 =	stileid.u32  }
0xc8: {  	s1 =	rddreg [dreg:$0x1];
	p0 =	sne.s32 s2, $0x0  }
0xc9: {  	s3 =	rddreg [dreg:$0x2];
	[bflag:$0x3] =	sbarrier.arrive $0xFFFF;
	s2 =	simm.s32 @!p0 $0x1C03  }
0xca: {  	[timem:s3], [sflag:s2] =	dma.local @!p0 [hbm:s0], s1  }
0xcb: {  	s0 =	simm.s32 @!p0 $0x3  }
0xcc: {  	_ =	swait.ge @!p0 [sflag:s0], s1  }
0xcd: {  	s1 =	ssub.s32 @!p0 $0x0, s1;
	[sflag:s0] =	ssyncset.done @!p0 $0x0  }
0xce: {  	[sflag:s0] =	ssyncadd.s32 @!p0 s1  }
0xcf: {  	[bflag:$0x3] =	sbarrier.arrive $0xFFFF  }
0xd0: {  	_ =	shalt  }

// kernel: kernel.9.cloned.1.call-start
scs
__scs_entry_jumppad:
0x0: {  	(pc) =	sbr.rel $0x88, $3  }
0x1: {  	(tag) =	ssettag $0x0;
	lr =	simm.s32 $0x1  }
0x2: {  	[smem:$0x3F88] =	sst lr;
	_ =	strace $0xD0000000  }
0x3: {  	_ = 	snop  }
0x4: {  	_ = 	snop  }
0x5: {  	_ = 	snop  }
0x6: {  	_ = 	snop  }
0x7: {  	_ = 	snop  }
__scs_overlays_trampoline_lowered:
0x8: {  	[smem:$0x3F97] =	sst s0  }
0x9: {  	[smem:$0x3F98] =	sst s1  }
0xa: {  	[smem:$0x3F99] =	sst s2  }
0xb: {  	[smem:$0x3F9A] =	sst s3  }
0xc: {  	[smem:$0x3F9B] =	sst s4  }
0xd: {  	[smem:$0x3F9C] =	sst s5  }
0xe: {  	[smem:$0x3F9D] =	sst s6  }
0xf: {  	[smem:$0x3F9E] =	sst s7  }
0x10: {  	[smem:$0x3F9F] =	sst s8  }
0x11: {  	[smem:$0x3FA0] =	sst s9;
	s0 =	simm.s32 @!p0 $0x0  }
0x12: {  	s1 =	sld [smem:$0x3F86];
	s0 =	simm.s32 @p0 $0x1  }
0x13: {  	[smem:$0x3FA1] =	sst s0;
	s0 =	simm.s32 @!p1 $0x0  }
0x14: {  	s2 =	sld [smem:$0x3F85];
	s0 =	simm.s32 @p1 $0x1  }
0x15: {  	[smem:$0x3FA2] =	sst s0;
	s0 =	simm.s32 @!p2 $0x0  }
0x16: {  	s3 =	sld [smem:$0x3FDB];
	s0 =	simm.s32 @p2 $0x1  }
0x17: {  	s4 =	simm.s32 $0x1BF5;
	[smem:$0x3FA4] =	sst s0  }
0x18: {  	s0 =	sld [smem:$0x3F87];
	_ =	swait.ge [sflag:s4], $0x0  }
0x19: {  	s7 =	sld [smem:$0x3F88]  }
0x1a: {  	s8 =	sadd.s32 $0xFFFFE003, lr  }
0x1b: {  	s9 =	sadd.s32 $0xFFFFFEF7, lr;
	s5 =	simm.s32 $0xFFFFFFFF;
	p2 =	slt.u32 s8, $0xFFFFF086  }
0x1c: {  	p1 =	slt.u32 s9, $0xF7A;
	s5 =	simm.s32 @!p2 $0x0  }
0x1d: {  	s5 =	simm.s32 @p1 $0x1;
	p0 =	seq.s32 s7, s2  }
0x1e: {  	s7 =	smul.u32 @!p0 $0xF7A, s2;
	p2 =	seq.s32 @!p0 s5, $0x0  }
0x1f: {  	s9 =	smul.u32 $0xF7A, s1;
	s8 =	simm.s32 @!p0 $0x1BF5;
	p2 =	por !p2, p0  }
0x20: {  	[sflag:s8] =	ssyncset.s32 @!p0 $0xFFFFF086;
	s6 =	sadd.s32 @!p0 s3, s7;
	s7 =	simm.s32 @!p0 $0x108  }
0x21: {  	s3 =	sadd.s32 s3, s9;
	s6 =	sadd.s32 @!p0 $0x88, s6;
	s7 =	simm.s32 @p2 $0x1082  }
0x22: {  	[simem:s7], [sflag:s8] =	dma.local @!p0 [hbm:s6], $0xF7A  }
0x23: {  	s9 =	sor.u32 $0xD0000000, s2;
	s6 =	simm.s32 $0x108;
	_ =	swait.ge @!p0 [sflag:s8], $0x0  }
0x24: {  	s3 =	sadd.s32 $0x88, s3;
	s6 =	simm.s32 @!p1 $0x1082;
	[sflag:s4] =	ssyncset.s32 $0xFFFFF086  }
0x25: {  	[simem:s6], [sflag:s4] =	dma.local [hbm:s3], $0xF7A  }
0x26: {  	[smem:$0x3F88] =	sst s1;
	(tag) =	ssettag s2;
	_ =	strace s9  }
0x27: {  	s1 =	sld [smem:$0x3F98]  }
0x28: {  	s2 =	sld [smem:$0x3F99]  }
0x29: {  	s4 =	sld [smem:$0x3F9B]  }
0x2a: {  	p0 =	seq.s32 s5, $0x0;
	s5 =	sld [smem:$0x3F9C]  }
0x2b: {  	s6 =	sld [smem:$0x3F9D]  }
0x2c: {  	s7 =	sld [smem:$0x3F9E]  }
0x2d: {  	s3 =	simm.s32 $0x108;
	s8 =	sld [smem:$0x3F9F]  }
0x2e: {  	s3 =	simm.s32 @!p0 $0x1082;
	s9 =	sld [smem:$0x3FA0]  }
0x2f: {  	lr =	sadd.s32 s0, s3;
	s0 =	sld [smem:$0x3F97]  }
0x30: {  	s3 =	sld [smem:$0x3F9A]  }
0x31: {  	[smem:$0x3FA3] =	sst s10  }
0x32: {  	s10 =	sld [smem:$0x3FA1];
	_ =	sdelay $0x3  }
0x33: {  	p0 =	seq.s32 s10, $0x1;
	s10 =	sld [smem:$0x3FA3];
	_ =	sdelay $0x3  }
0x34: {  	[smem:$0x3FA3] =	sst s10  }
0x35: {  	s10 =	sld [smem:$0x3FA2];
	_ =	sdelay $0x3  }
0x36: {  	p1 =	seq.s32 s10, $0x1;
	s10 =	sld [smem:$0x3FA3];
	_ =	sdelay $0x3  }
0x37: {  	[smem:$0x3FA3] =	sst s10  }
0x38: {  	s10 =	sld [smem:$0x3FA4]  }
0x39: {  	_ = 	snop;
	(pc) =	sbr.ind lr, $3  }
0x3a: {  	_ = 	snop  }
0x3b: {  	_ = 	snop  }
0x3c: {  	p2 =	seq.s32 s10, $0x1;
	s10 =	sld [smem:$0x3FA3]  }
0x3d: {  	_ =	shalt  }
0x3e: {  	_ =	shalt  }
0x3f: {  	_ =	shalt  }
0x40: {  	_ =	shalt  }
0x41: {  	_ =	shalt  }
0x42: {  	_ =	shalt  }
0x43: {  	_ =	shalt  }
0x44: {  	_ =	shalt  }
0x45: {  	_ =	shalt  }
0x46: {  	_ =	shalt  }
0x47: {  	_ =	shalt  }
0x48: {  	_ =	shalt  }
0x49: {  	_ =	shalt  }
0x4a: {  	_ =	shalt  }
0x4b: {  	_ =	shalt  }
0x4c: {  	_ =	shalt  }
0x4d: {  	_ =	shalt  }
0x4e: {  	_ =	shalt  }
0x4f: {  	_ =	shalt  }
0x50: {  	_ =	shalt  }
0x51: {  	_ =	shalt  }
0x52: {  	_ =	shalt  }
0x53: {  	_ =	shalt  }
0x54: {  	_ =	shalt  }
0x55: {  	_ =	shalt  }
0x56: {  	_ =	shalt  }
0x57: {  	_ =	shalt  }
0x58: {  	_ =	shalt  }
0x59: {  	_ =	shalt  }
0x5a: {  	_ =	shalt  }
0x5b: {  	_ =	shalt  }
0x5c: {  	_ =	shalt  }
0x5d: {  	_ =	shalt  }
0x5e: {  	_ =	shalt  }
0x5f: {  	_ =	shalt  }
0x60: {  	_ =	shalt  }
0x61: {  	_ =	shalt  }
0x62: {  	_ =	shalt  }
0x63: {  	_ =	shalt  }
0x64: {  	_ =	shalt  }
0x65: {  	_ =	shalt  }
0x66: {  	_ =	shalt  }
0x67: {  	_ =	shalt  }
0x68: {  	_ =	shalt  }
0x69: {  	_ =	shalt  }
0x6a: {  	_ =	shalt  }
0x6b: {  	_ =	shalt  }
0x6c: {  	_ =	shalt  }
0x6d: {  	_ =	shalt  }
0x6e: {  	_ =	shalt  }
0x6f: {  	_ =	shalt  }
0x70: {  	_ =	shalt  }
0x71: {  	_ =	shalt  }
0x72: {  	_ =	shalt  }
0x73: {  	_ =	shalt  }
0x74: {  	_ =	shalt  }
0x75: {  	_ =	shalt  }
0x76: {  	_ =	shalt  }
0x77: {  	_ =	shalt  }
0x78: {  	_ =	shalt  }
0x79: {  	_ =	shalt  }
0x7a: {  	_ =	shalt  }
0x7b: {  	_ =	shalt  }
0x7c: {  	_ =	shalt  }
0x7d: {  	_ =	shalt  }
0x7e: {  	_ =	shalt  }
0x7f: {  	_ =	shalt  }
0x80: {  	_ =	shalt  }
0x81: {  	_ =	shalt  }
0x82: {  	_ =	shalt  }
0x83: {  	_ =	shalt  }
0x84: {  	_ =	shalt  }
0x85: {  	_ =	shalt  }
0x86: {  	_ =	shalt  }
0x87: {  	_ =	shalt  }
.Lfunc_end0:
.L_simem_size_0:
called_computation_lowered:
.L_overlay_start_0:
0x88: {  	s2 =	sld [smem:$0x3FD9]  }
0x89: {  	s3 =	sld [smem:$0x3FFE];
	_ =	sdelay $0x1  }
0x8a: {  	s1 =	srdreg.scid  }
0x8b: {  	s0 =	sand.u32 $0x1, s1  }
0x8c: {  	s17 =	sshll.u32 s0, $0xA;
	s2 =	sadd.s32 s3, s2  }
0x8d: {  	s2 =	sadd.s32 s2, s17  }
0x8e: {  	[smem:$0x3FAF] =	sst s2  }
0x8f: {  	_ = 	snop  }
0x90: {  	s2 =	sld [smem:$0x3FC9]  }
0x91: {  	s18 =	sld [smem:$0x3FC8];
	(tm) =	ssettm $0x1  }
0x92: {  	s4 =	sld [smem:$0x3FFB];
	_ =	sdelay $0x3  }
0x93: {  	_ =	strace s4  }
0x94: {  	s4 =	sld [smem:$0x3FFC];
	_ =	sdelay $0x3  }
0x95: {  	_ =	strace s4  }
0x96: {  	s4 =	sld [smem:$0x3FFD];
	_ =	sdelay $0x3  }
0x97: {  	_ =	strace s4  }
0x98: {  	_ =	strace $0x8FFFFFFF  }
0x99: {  	s19 =	sld [smem:$0x3FDB];
	_ =	sdelay $0x1  }
0x9a: {  	s5 =	simm.s32 $_scs_section_size  }
0x9b: {  	s6 =	simm.s32 $_size__tile_overlayer_lowered;
	s7 =	simm.s32 $_tile_overlayer_lowered  }
0x9c: {  	s22 =	simm.s32 $0x1BFF;
	s21 =	sshll.u32 s7, $0x1;
	s4 =	sadd.s32 s5, s19  }
0x9d: {  	s8 =	simm.s32 $0x0;
	s20 =	sshll.u32 s6, $0x1;
	s6 =	sadd.s32 s21, s4  }
0x9e: {  	[timem:s8], [sflag:s22] =	dma.local [hbm:s6], s20  }
0x9f: {  	_ =	swait.ge [sflag:s22], s20  }
0xa0: {  	s5 =	ssub.s32 $0x0, s20;
	[sflag:s22] =	ssyncset.done $0x0  }
0xa1: {  	[sflag:s22] =	ssyncadd.s32 s5;
	_ =	sdelay $0x1  }
0xa2: {  	s23 =	simm.s32 $0x1B8B  }
0xa3: {  	_ =	swait.ge [sflag:s23], $0x1  }
0xa4: {  	[sflag:s23] =	ssyncset.done $0x0  }
0xa5: {  	s25 =	simm.s32 $0x1B8E;
	s24 =	sld [smem:$0x3FFE];
	[sflag:s23] =	ssyncadd.s32 $0xFFFFFFFF  }
0xa6: {  	s26 =	simm.s32 $execute0_lowered;
	[smem:$0x3FD2] =	sst s25  }
0xa7: {  	s6 =	sshll.u32 s26, $0x1;
	_ =	strace $0x80000046;
	[dreg:$0x1] =	wrdreg $0xFFFFFFFF  }
0xa8: {  	s28 =	simm.s32 $_size_execute0_lowered;
	s4 =	sadd.s32 s4, s6;
	[dreg:$0x0] =	wrdreg $0x0  }
0xa9: {  	s6 =	sshll.u32 s28, $0x1;
	[dreg:$0x2] =	wrdreg s4  }
0xaa: {  	[dreg:$0x3] =	wrdreg s6  }
0xab: {  	[dreg:$0x4] =	wrdreg $0xC0  }
0xac: {  	_ =	task [dreg:s8], $0x5FFFF  }
0xad: {  	[dreg:$0x1] =	wrdreg $0xFFFFFFFF  }
0xae: {  	[dreg:$0x0] =	wrdreg $0x60  }
0xaf: {  	[dreg:$0x2] =	wrdreg s2  }
0xb0: {  	[dreg:$0x3] =	wrdreg s18  }
0xb1: {  	[dreg:$0x4] =	wrdreg s24  }
0xb2: {  	[dreg:$0x5] =	wrdreg $0xA8000  }
0xb3: {  	[dreg:$0x6] =	wrdreg $0x9  }
0xb4: {  	_ =	task.clear_ibuf [dreg:s8], $0x7FFFF;
	_ =	strace $0x90000046  }
0xb5: {  	s29 =	simm.s32 $0x9;
	_ =	strace $0x80000048  }
0xb6: {  	_ =	swait.ge [sflag:s29], $0x1  }
0xb7: {  	[sflag:s29] =	ssyncadd.s32 $0xFFFFFFFF  }
0xb8: {  	_ =	strace $0x90000048  }
0xb9: {  	_ =	sfence  }
0xba: {  	s30 =	sld [smem:$0x0];
	_ =	sdelay $0x2  }
0xbb: {  	s31 =	sshll.u32 s1, $0xD;
	s1 =	sshrl.u32 s1, $0x2  }
0xbc: {  	s3 =	sand.u32 $0x4000, s31;
	s1 =	sadd.s32 s1, s30  }
0xbd: {  	s0 =	sor.u32 s3, s0;
	s1 =	sshll.u32 s1, $0x11  }
0xbe: {  	s0 =	sor.u32 s1, s0  }
0xbf: {  	s0 =	sadd.s32 $0x8F2B, s0  }
0xc0: {  	[sflag:s0] =	ssyncadd.remote.s32 $0x1  }
0xc1: {  	_ =	sfence.sel $0xFFFF  }
0xc2: {  	[dreg:$0x0] =	wrdreg $0xFFFFFFFF;
	(pc) =	sbr.abs _section_cstart, $3  }
0xc3: {  	[dreg:$0x1] =	wrdreg $0xFFFFFFFF  }
0xc4: {  	_ =	task.clear_ibuf [dreg:s8], $0x2FFFF;
	_ =	strace $0x9FFFFFFF  }
0xc5: {  	(tm) =	ssettm $0x7FFFFFFF  }
tec
execute0_lowered:
.L_overlay_start_1:
0x0: {  	(tag) =	ssettag $0x1  }
0x1: {  	s1 =	rddreg [dreg:$0x0]  }
0x2: {  	s0 =	rddreg [dreg:$0x1]  }
0x3: {  	s3 =	rddreg [dreg:$0x2]  }
0x4: {  	s2 =	rddreg [dreg:$0x3];
	s4 =	simm.s32 $0x0;
	s21 =	srdreg.scid  }
0x5: {  	s28 =	simm.s32 $0x2;
	s30 =	simm.s32 $0x100;
	s31 =	simm.s32 $0x0  }
0x6: {  	[smem:$0x7FF] =	sst s4;
	s5 =	sadd.s32 $0x5C00, s3;
	s11 =	sadd.s32 $0x8400, s3  }
0x7: {  	s6 =	sand.u32 $0x1, s21;
	s4 =	stileid.u32;
	s22 =	sadd.s32 $0x2F600, s3  }
0x8: {  	s15 =	sadd.s32 $0x12C000, s2;
	s26 =	sadd.s32 $0x13600, s0;
	s13 =	sadd.s32 $0x13610, s0  }
0x9: {  	_ =	strace $0x80000047;
	s7 =	ssub.s32 $0x2, s6;
	s8 =	sshll.u32 s6, $0x4  }
0xa: {  	s10 =	smul.u32 $0x50000, s4;
	p0 =	seq.s32 s4, $0xF;
	[dreg:$0x9] =	wrdreg s26  }
0xb: {  	p1 =	sne.s32 s4, $0xF;
	p3 =	seq.s32 s6, $0x0;
	[dreg:$0x5] =	wrdreg s11  }
0xc: {  	s29 =	smul.u32 $0x2800, s4;
	p4 =	seq.s32 s6, $0x1;
	[dreg:$0x6] =	wrdreg s22  }
0xd: {  	[dreg:$0x7] =	wrdreg s15;
	s26 =	simm.s32 $0x3;
	s9 =	sshrl.u32 s7, $0x1  }
0xe: {  	s14 =	sor.u32 s4, s8;
	p2 =	por !p3, !p1;
	p3 =	por !p3, !p0  }
0xf: {  	s6 =	simm.s32 @!p4 $0x0;
	p1 =	por !p1, !p4;
	s24 =	smul.u32 $0xA00, s14  }
0x10: {  	s19 =	sshrl.u32 @p0 s15, $0x3;
	s23 =	ssub.s32 s7, s9;
	s12 =	smul.u32 $0x5000, s14  }
0x11: {  	s10 =	sshrl.u32 s10, $0x2;
	p2 =	por !p2, !p2;
	s6 =	simm.s32 @p4 $0x1  }
0x12: {  	s16 =	sadd.s32 s11, s29;
	p3 =	por !p3, !p3;
	p1 =	por !p1, !p1  }
0x13: {  	s17 =	sadd.s32 s22, s29;
	p4 =	sne.s32 s14, $0x1F;
	s22 =	simm.s32 $0x80  }
0x14: {  	p5 =	seq.s32 s14, $0x1F;
	s10 =	sadd.s32 s10, s2;
	s9 =	sadd.s32 s0, s24  }
0x15: {  	[smem:$0x7FC] =	sst s6;
	s25 =	sshrl.u32 s12, $0x3;
	s7 =	sadd.s32 $0x10, s9  }
0x16: {  	s18 =	smax.u32 s23, $0x1;
	s0 =	sadd.s32 s0, s25;
	[dreg:$0x8] =	wrdreg s7  }
.Ltmp0:
0x17: {  	s7 =	sadd.s32 $0x500, s0;
	s0 =	sadd.s32 $0x510, s0;
	(pc) =	sbr.rel .LBB2_1-.Ltmp0, $4  }
0x18: {  	s23 =	simm.s32 $0x2800;
	[dreg:$0xb] =	wrdreg s0;
	s0 =	sshll.u32 @!p0 s4, $0x6  }
0x19: {  	p6 =	por !p1, p3;
	s20 =	sor.u32 @!p0 $0x1C01, s0;
	s0 =	simm.s32 @!p5 $0x0  }
0x1a: {  	s21 =	sshrl.u32 @!p0 s10, $0x3;
	[dreg:$0xa] =	wrdreg s7;
	s0 =	simm.s32 @p5 $0x1  }
0x1b: {  	s24 =	simm.s32 $0x6800;
	s25 =	simm.s32 $0x1;
	[smem:$0x7FD] =	sst s0  }
.LBB2_9:
0x1c: {  	s31 =	sadd.s32 $0x1, s31  }
0x1d: {  	p1 =	sne.s32 s31, s18  }
.Ltmp1:
0x1e: {  	_ = 	snop;
	(pc) =	sbr.rel @!p1 .LBB2_10-.Ltmp1, $1  }
0x1f: {  	_ =	sdelay $0x3  }
.LBB2_1:
0x20: {  	s0 =	simm.s32 @p0 $0x1FC1  }
0x21: {  	[spmem:s19], [sflag:s0] =	dma.local @p0 [hbm:s5], $0x1900  }
0x22: {  	s3 =	simm.s32 @p4 $0x100;
	s6 =	simm.s32 @p4 $0x0;
	s0 =	simm.s32 @p4 $0x80  }
0x23: {  	[spmem:s21], [sflag:s20] =	dma.local @!p0 [hbm:s5], $0x2800  }
0x24: {  	[tilespmem:s6], [sflag:$0x2] =	stream.strided.gather @p4 [hbm4b:s9+s0], $0x1400, s3, s0, $0x38;
	[tilespmem:$0x1E080] =	vst v63  }
0x25: {  	s6 =	simm.s32 @p4 $0x1400;
	s7 =	rddreg [dreg:$0x8]  }
0x26: {  	[tilespmem:s6], [sflag:$0x1] =	stream.strided.gather @p4 [hbm4b:s7+s0], $0x1400, s3, s0, $0x38;
	[tilespmem:$0x1E080] =	vst v63  }
0x27: {  	s0 =	simm.s32 @!p4 $0x80  }
0x28: {  	s3 =	simm.s32 @!p4 $0x100;
	s6 =	simm.s32 @!p4 $0x0;
	s7 =	rddreg [dreg:$0x9]  }
0x29: {  	[tilespmem:s6], [sflag:$0x2] =	stream.strided.gather @!p4 [hbm4b:s7+s0], $0xA00, s3, s0, $0x38;
	[tilespmem:$0x1E080] =	vst v63  }
0x2a: {  	s6 =	simm.s32 @!p4 $0x1400  }
0x2b: {  	[tilespmem:s6], [sflag:$0x1] =	stream.strided.gather @!p4 [hbm4b:s13+s0], $0xA00, s3, s0, $0x38;
	[tilespmem:$0x1E080] =	vst v63  }
0x2c: {  	s0 =	simm.s32 @p0 $0x1  }
0x2d: {  	_ =	swait.ge @p0 [sflag:s0], $0x1900  }
0x2e: {  	[sflag:s0] =	ssyncset.done @p0 $0x0  }
0x2f: {  	[sflag:s0] =	ssyncadd.s32 @p0 $0xFFFFE700;
	s0 =	simm.s32 @!p0 $0x1  }
0x30: {  	_ =	swait.ge @!p0 [sflag:s0], $0x2800  }
0x31: {  	[sflag:s0] =	ssyncset.done @!p0 $0x0  }
0x32: {  	[sflag:s0] =	ssyncadd.s32 @!p0 $0xFFFFD800  }
0x33: {  	s0 =	simm.s32 @p4 $0x2;
	[bflag:$0x0] =	sbarrier.arrive $0xFFFF  }
0x34: {  	_ =	swait.ge @p4 [sflag:s0], $0x1400  }
0x35: {  	[sflag:s0] =	ssyncset.done @p4 $0x0  }
0x36: {  	[sflag:s0] =	ssyncadd.s32 @p4 $0xFFFFEC00;
	s0 =	simm.s32 @p4 $0x1  }
0x37: {  	_ =	swait.ge @p4 [sflag:s0], $0x1400  }
0x38: {  	[sflag:s0] =	ssyncset.done @p4 $0x0  }
0x39: {  	[sflag:s0] =	ssyncadd.s32 @p4 $0xFFFFEC00;
	s0 =	simm.s32 @!p4 $0x2  }
0x3a: {  	_ =	swait.ge @!p4 [sflag:s0], $0xA00  }
0x3b: {  	[sflag:s0] =	ssyncset.done @!p4 $0x0  }
0x3c: {  	[sflag:s0] =	ssyncadd.s32 @!p4 $0xFFFFF600;
	s0 =	simm.s32 @!p4 $0x1  }
0x3d: {  	_ =	swait.ge @!p4 [sflag:s0], $0xA00  }
0x3e: {  	[sflag:s0] =	ssyncset.done @!p4 $0x0  }
0x3f: {  	s12 =	simm.s32 $0x0;
	[sflag:s0] =	ssyncadd.s32 @!p4 $0xFFFFF600  }
0x40: {  	[tilespmem:s23], [sflag:$0x1] =	stream.indirect.gather [hbm4b:s1+s22], $0x80, s12, s22, $0xb8;
	[tilespmem:$0x1E080] =	vst v63  }
0x41: {  	_ = 	snop  }
0x42: {  	[tilespmem:s24], [sflag:$0x2] =	stream.indirect.gather [hbm4b:s1+s22], $0x80, s22, s22, $0xb8;
	[tilespmem:$0x1E080] =	vst v63  }
0x43: {  	_ =	swait.ge [sflag:s25], $0x4000  }
0x44: {  	s14 =	simm.s32 $0x1400;
	[sflag:s25] =	ssyncset.done $0x0  }
0x45: {  	s3 =	simm.s32 @!p4 $0xA;
	s0 =	simm.s32 @!p4 $0x14;
	[sflag:s25] =	ssyncadd.s32 $0xFFFFC000  }
0x46: {  	[spmem:s2] =	stream.indirect.scatter.add.f32 [tilespmem:s23], [sflag:$0x3], $0x80, s14, s22, $0xb8;
	[tilespmem:$0x1E080] =	vst v63  }
0x47: {  	s3 =	simm.s32 @p4 $0x14;
	s0 =	simm.s32 @p4 $0x28;
	_ =	swait.ge [sflag:s26], $0x4000  }
0x48: {  	s29 =	sshll.u32 s3, $0x1;
	p1 =	sle.u32 s0, $0x2;
	[sflag:s26] =	ssyncset.done $0x0  }
0x49: {  	s6 =	simm.s32 @!p1 $0x80;
	s7 =	simm.s32 @!p1 $0x2800;
	[sflag:s26] =	ssyncadd.s32 $0xFFFFC000  }
0x4a: {  	[tilespmem:s7], [sflag:$0x1] =	stream.indirect.gather @!p1 [hbm4b:s1+s6], $0x80, s30, s6, $0xb8;
	[tilespmem:$0x1E080] =	vst v63  }
0x4b: {  	p1 =	sne.s32 s29, $0x2;
	_ =	swait.ge [sflag:s28], $0x4000  }
.Ltmp2:
0x4c: {  	s15 =	simm.s32 $0x1480;
	[sflag:s28] =	ssyncset.done $0x0;
	(pc) =	sbr.rel @!p1 .LBB2_3-.Ltmp2, $4  }
0x4d: {  	s3 =	simm.s32 $0x2;
	p5 =	sle.u32 s0, $0x3;
	[sflag:s28] =	ssyncadd.s32 $0xFFFFC000  }
0x4e: {  	[spmem:s2] =	stream.indirect.scatter.add.f32 [tilespmem:s24], [sflag:$0x3], $0x80, s15, s22, $0xb8;
	[tilespmem:$0x1E080] =	vst v63  }
0x4f: {  	s14 =	simm.s32 $0x1580;
	s6 =	simm.s32 $0x200;
	_ =	swait.ge [sflag:s26], $0x4000  }
0x50: {  	s7 =	simm.s32 @!p5 $0x80;
	s15 =	simm.s32 @!p5 $0x180;
	[sflag:s26] =	ssyncset.done $0x0  }
.LBB2_2:
0x51: {  	[sflag:s26] =	ssyncadd.s32 $0xFFFFC000;
	s8 =	simm.s32 @!p5 $0x6800  }
0x52: {  	s11 =	smov.u32 s3;
	s3 =	sadd.s32 $0x2, s3;
	s12 =	smov.u32 s6  }
0x53: {  	[tilespmem:s8], [sflag:$0x2] =	stream.indirect.gather @!p5 [hbm4b:s1+s7], $0x80, s15, s7, $0xb8;
	[tilespmem:$0x1E080] =	vst v63  }
0x54: {  	p1 =	sne.s32 s29, s3;
	_ =	swait.ge [sflag:s25], $0x4000  }
0x55: {  	s7 =	sadd.s32 $0xFFFFFF80, s14;
	[sflag:s25] =	ssyncset.done $0x0  }
0x56: {  	[sflag:s25] =	ssyncadd.s32 $0xFFFFC000  }
0x57: {  	[spmem:s2] =	stream.indirect.scatter.add.f32 [tilespmem:s23], [sflag:$0x3], $0x80, s7, s22, $0xb8;
	[tilespmem:$0x1E080] =	vst v63  }
0x58: {  	p5 =	sge.u32 s3, s0;
	_ =	swait.ge [sflag:s26], $0x4000  }
0x59: {  	s8 =	simm.s32 @!p5 $0x2800;
	s7 =	simm.s32 @!p5 $0x80;
	[sflag:s26] =	ssyncset.done $0x0  }
0x5a: {  	[sflag:s26] =	ssyncadd.s32 $0xFFFFC000  }
0x5b: {  	[tilespmem:s8], [sflag:$0x1] =	stream.indirect.gather @!p5 [hbm4b:s1+s7], $0x80, s6, s7, $0xb8;
	[tilespmem:$0x1E080] =	vst v63  }
0x5c: {  	_ =	swait.ge [sflag:s28], $0x4000  }
.Ltmp3:
0x5d: {  	[sflag:s28] =	ssyncset.done $0x0;
	(pc) =	sbr.rel @p1 .LBB2_2-.Ltmp3, $4  }
0x5e: {  	s7 =	sadd.s32 $0x3, s11;
	s6 =	sadd.s32 $0x100, s6;
	[sflag:s28] =	ssyncadd.s32 $0xFFFFC000  }
0x5f: {  	[spmem:s2] =	stream.indirect.scatter.add.f32 [tilespmem:s24], [sflag:$0x3], $0x80, s14, s22, $0xb8;
	[tilespmem:$0x1E080] =	vst v63  }
0x60: {  	p5 =	sge.u32 s7, s0;
	s14 =	sadd.s32 $0x100, s14;
	_ =	swait.ge [sflag:s26], $0x4000  }
0x61: {  	s15 =	sadd.s32 @!p5 $0x80, s12;
	s7 =	simm.s32 @!p5 $0x80;
	[sflag:s26] =	ssyncset.done $0x0  }
.LBB2_3:
0x62: {  	s29 =	sld [smem:$0x7FD];
	_ =	sdelay $0x2  }
0x63: {  	p1 =	seq.s32 s29, $0x1  }
.Ltmp4:
0x64: {  	_ = 	snop;
	(pc) =	sbr.rel @p1 .LBB2_7-.Ltmp4, $3  }
0x65: {  	_ =	sdelay $0x1  }
0x66: {  	[sflag:s26] =	ssyncadd.s32 $0xFFFFC000;
	s0 =	simm.s32 @!p5 $0x6800  }
0x67: {  	[tilespmem:s0], [sflag:$0x2] =	stream.indirect.gather @!p5 [hbm4b:s1+s7], $0x80, s15, s7, $0xb8;
	[tilespmem:$0x1E080] =	vst v63  }
0x68: {  	s0 =	simm.s32 $0x0;
	s3 =	rddreg [dreg:$0xa]  }
0x69: {  	[tilespmem:s0], [sflag:$0x2] =	stream.strided.gather [hbm4b:s3+s22], $0x1400, s30, s22, $0x38;
	[tilespmem:$0x1E080] =	vst v63  }
0x6a: {  	s12 =	rddreg [dreg:$0xb];
	s6 =	simm.s32 $0x1400  }
0x6b: {  	[tilespmem:s6], [sflag:$0x1] =	stream.strided.gather [hbm4b:s12+s22], $0x1400, s30, s22, $0x38;
	[tilespmem:$0x1E080] =	vst v63  }
0x6c: {  	_ =	swait.ge [sflag:s28], $0x1400  }
0x6d: {  	[sflag:s28] =	ssyncset.done $0x0  }
0x6e: {  	[sflag:s28] =	ssyncadd.s32 $0xFFFFEC00  }
0x6f: {  	_ =	swait.ge [sflag:s25], $0x1400  }
0x70: {  	[sflag:s25] =	ssyncset.done $0x0  }
0x71: {  	[sflag:s25] =	ssyncadd.s32 $0xFFFFEC00  }
0x72: {  	[tilespmem:s23], [sflag:$0x1] =	stream.indirect.gather [hbm4b:s1+s22], $0x80, s0, s22, $0xb8;
	[tilespmem:$0x1E080] =	vst v63  }
0x73: {  	_ = 	snop  }
0x74: {  	[tilespmem:s24], [sflag:$0x2] =	stream.indirect.gather [hbm4b:s1+s22], $0x80, s22, s22, $0xb8;
	[tilespmem:$0x1E080] =	vst v63  }
0x75: {  	_ =	swait.ge [sflag:s25], $0x4000  }
0x76: {  	[sflag:s25] =	ssyncset.done $0x0  }
0x77: {  	s14 =	simm.s32 $0x1400;
	[sflag:s25] =	ssyncadd.s32 $0xFFFFC000  }
0x78: {  	[spmem:s2] =	stream.indirect.scatter.add.f32 [tilespmem:s23], [sflag:$0x3], $0x80, s14, s22, $0xb8;
	[tilespmem:$0x1E080] =	vst v63  }
0x79: {  	_ =	swait.ge [sflag:s26], $0x4000  }
0x7a: {  	[sflag:s26] =	ssyncset.done $0x0  }
0x7b: {  	s15 =	simm.s32 $0x100;
	[sflag:s26] =	ssyncadd.s32 $0xFFFFC000  }
0x7c: {  	[tilespmem:s23], [sflag:$0x1] =	stream.indirect.gather [hbm4b:s1+s22], $0x80, s15, s22, $0xb8;
	[tilespmem:$0x1E080] =	vst v63  }
0x7d: {  	_ =	swait.ge [sflag:s28], $0x4000  }
0x7e: {  	[sflag:s28] =	ssyncset.done $0x0  }
0x7f: {  	s29 =	simm.s32 $0x1480;
	[sflag:s28] =	ssyncadd.s32 $0xFFFFC000  }
0x80: {  	[spmem:s2] =	stream.indirect.scatter.add.f32 [tilespmem:s24], [sflag:$0x3], $0x80, s29, s22, $0xb8;
	[tilespmem:$0x1E080] =	vst v63  }
0x81: {  	_ =	swait.ge [sflag:s26], $0x4000  }
0x82: {  	[sflag:s26] =	ssyncset.done $0x0  }
0x83: {  	s3 =	simm.s32 $0x180;
	s0 =	simm.s32 $0x400;
	[sflag:s26] =	ssyncadd.s32 $0xFFFFC000  }
.LBB2_5:
0x84: {  	[tilespmem:s24], [sflag:$0x2] =	stream.indirect.gather [hbm4b:s1+s22], $0x80, s3, s22, $0xb8;
	[tilespmem:$0x1E080] =	vst v63  }
0x85: {  	s3 =	smov.u32 s0  }
0x86: {  	p1 =	sne.s32 s0, $0x4800;
	s0 =	sadd.s32 $0x400, s0;
	_ =	swait.ge [sflag:s25], $0x4000  }
0x87: {  	s3 =	sshra.s32 s3, $0x2;
	[sflag:s25] =	ssyncset.done $0x0  }
0x88: {  	s6 =	sadd.s32 $0x1400, s3;
	[sflag:s25] =	ssyncadd.s32 $0xFFFFC000  }
0x89: {  	[spmem:s2] =	stream.indirect.scatter.add.f32 [tilespmem:s23], [sflag:$0x3], $0x80, s6, s22, $0xb8;
	[tilespmem:$0x1E080] =	vst v63  }
0x8a: {  	_ =	swait.ge [sflag:s26], $0x4000  }
0x8b: {  	[sflag:s26] =	ssyncset.done $0x0  }
0x8c: {  	s6 =	sadd.s32 $0x100, s3;
	[sflag:s26] =	ssyncadd.s32 $0xFFFFC000  }
0x8d: {  	[tilespmem:s23], [sflag:$0x1] =	stream.indirect.gather [hbm4b:s1+s22], $0x80, s6, s22, $0xb8;
	[tilespmem:$0x1E080] =	vst v63  }
0x8e: {  	_ =	swait.ge [sflag:s28], $0x4000  }
0x8f: {  	[sflag:s28] =	ssyncset.done $0x0  }
.Ltmp5:
0x90: {  	s6 =	sadd.s32 $0x1480, s3;
	[sflag:s28] =	ssyncadd.s32 $0xFFFFC000;
	(pc) =	sbr.rel @p1 .LBB2_5-.Ltmp5, $4  }
0x91: {  	[spmem:s2] =	stream.indirect.scatter.add.f32 [tilespmem:s24], [sflag:$0x3], $0x80, s6, s22, $0xb8;
	[tilespmem:$0x1E080] =	vst v63  }
0x92: {  	_ =	swait.ge [sflag:s26], $0x4000  }
0x93: {  	[sflag:s26] =	ssyncset.done $0x0  }
0x94: {  	s3 =	sadd.s32 $0x180, s3;
	[sflag:s26] =	ssyncadd.s32 $0xFFFFC000  }
0x95: {  	[tilespmem:s24], [sflag:$0x2] =	stream.indirect.gather [hbm4b:s1+s22], $0x80, s3, s22, $0xb8;
	[tilespmem:$0x1E080] =	vst v63  }
0x96: {  	_ =	swait.ge [sflag:s25], $0x4000  }
0x97: {  	[sflag:s25] =	ssyncset.done $0x0  }
0x98: {  	s0 =	simm.s32 $0x2700;
	[sflag:s25] =	ssyncadd.s32 $0xFFFFC000  }
0x99: {  	[spmem:s2] =	stream.indirect.scatter.add.f32 [tilespmem:s23], [sflag:$0x3], $0x80, s0, s22, $0xb8;
	[tilespmem:$0x1E080] =	vst v63  }
0x9a: {  	_ =	swait.ge [sflag:s26], $0x4000  }
0x9b: {  	[sflag:s26] =	ssyncset.done $0x0  }
0x9c: {  	[sflag:s26] =	ssyncadd.s32 $0xFFFFC000  }
0x9d: {  	_ =	swait.ge [sflag:s28], $0x4000  }
0x9e: {  	[sflag:s28] =	ssyncset.done $0x0  }
0x9f: {  	s29 =	simm.s32 $0x2780;
	[sflag:s28] =	ssyncadd.s32 $0xFFFFC000  }
0xa0: {  	[spmem:s2] =	stream.indirect.scatter.add.f32 [tilespmem:s24], [sflag:$0x3], $0x80, s29, s22, $0xb8;
	[tilespmem:$0x1E080] =	vst v63  }
0xa1: {  	_ =	swait.ge [sflag:s26], $0x4000  }
0xa2: {  	[sflag:s26] =	ssyncset.done $0x0  }
0xa3: {  	[sflag:s26] =	ssyncadd.s32 $0xFFFFC000  }
.LBB2_7:
0xa4: {  	s0 =	sshll.u32 @p2 s4, $0x6  }
0xa5: {  	[bflag:$0x0] =	sbarrier.arrive $0xFFFF;
	s3 =	sshrl.u32 @p2 s10, $0x3;
	s0 =	sor.u32 @p2 $0x1C03, s0  }
0xa6: {  	[hbm:s16], [sflag:s0] =	dma.local @p2 [spmem:s3], $0x2800  }
0xa7: {  	s0 =	simm.s32 @p2 $0x3  }
0xa8: {  	_ =	swait.ge @p2 [sflag:s0], $0x2800  }
0xa9: {  	s3 =	sshll.u32 @!p6 s4, $0x6;
	[sflag:s0] =	ssyncset.done @p2 $0x0  }
0xaa: {  	[sflag:s0] =	ssyncadd.s32 @p2 $0xFFFFD800;
	s0 =	sor.u32 @!p6 $0x1C03, s3;
	s3 =	sshrl.u32 @!p6 s10, $0x3  }
0xab: {  	[hbm:s17], [sflag:s0] =	dma.local @!p6 [spmem:s3], $0x2800  }
0xac: {  	s0 =	sld [smem:$0x7FC];
	_ =	sdelay $0x2  }
0xad: {  	p1 =	por @!p6 $0x1, $0x1;
	p5 =	seq.s32 s0, $0x1  }
0xae: {  	p5 =	por @!p6 p1, p1  }
0xaf: {  	p1 =	por @!p3 !p5, !p0  }
0xb0: {  	p1 =	por @!p3 !p1, !p1  }
0xb1: {  	p1 =	por p3, p1  }
.Ltmp6:
0xb2: {  	_ = 	snop;
	(pc) =	sbr.rel @!p1 .LBB2_9-.Ltmp6, $4  }
0xb3: {  	s0 =	simm.s32 @!p6 $0x3  }
0xb4: {  	_ =	swait.ge @!p6 [sflag:s0], $0x2800  }
0xb5: {  	[sflag:s0] =	ssyncset.done @!p6 $0x0  }
0xb6: {  	[sflag:s0] =	ssyncadd.s32 @!p6 $0xFFFFD800  }
0xb7: {  	s0 =	rddreg [dreg:$0x6]  }
0xb8: {  	s3 =	rddreg [dreg:$0x5]  }
0xb9: {  	s29 =	rddreg [dreg:$0x7];
	s6 =	simm.s32 $0x1FC3;
	s0 =	smov.u32 @p3 s3  }
.Ltmp7:
0xba: {  	s3 =	sshrl.u32 s29, $0x3;
	s0 =	sadd.s32 $0x25800, s0;
	(pc) =	sbr.rel .LBB2_9-.Ltmp7, $4  }
0xbb: {  	[hbm:s0], [sflag:s6] =	dma.local [spmem:s3], $0x1900  }
0xbc: {  	_ =	swait.ge [sflag:s26], $0x1900  }
0xbd: {  	[sflag:s26] =	ssyncset.done $0x0  }
0xbe: {  	[sflag:s26] =	ssyncadd.s32 $0xFFFFE700  }
.LBB2_10:
0xbf: {  	_ =	sfence.sel $0x180000  }
0xc0: {  	[bflag:$0x0] =	sbarrier.arrive $0xFFFF  }
0xc1: {  	_ =	strace $0x90000047  }
0xc2: {  	[bflag:$0x2] =	sbarrier.arrive $0xFFFF  }
0xc3: {  	p0 =	sne.s32 s4, $0x0;
	s0 =	rddreg [dreg:$0x4]  }
0xc4: {  	s0 =	sadd.s32 @!p0 $0x100000, s0  }
0xc5: {  	[sflag:s0] =	ssyncadd.tile.s32 @!p0 $0x1;
	_ =	shalt  }
.Lfunc_end2:
_tile_overlayer_lowered:
.L_overlay_start_2:
0xc6: {  	(tag) =	ssettag $0x2  }
0xc7: {  	s0 =	rddreg [dreg:$0x0];
	s2 =	stileid.u32  }
0xc8: {  	s1 =	rddreg [dreg:$0x1];
	p0 =	sne.s32 s2, $0x0  }
0xc9: {  	s3 =	rddreg [dreg:$0x2];
	[bflag:$0x3] =	sbarrier.arrive $0xFFFF;
	s2 =	simm.s32 @!p0 $0x1C03  }
0xca: {  	[timem:s3], [sflag:s2] =	dma.local @!p0 [hbm:s0], s1  }
0xcb: {  	s0 =	simm.s32 @!p0 $0x3  }
0xcc: {  	_ =	swait.ge @!p0 [sflag:s0], s1  }
0xcd: {  	s1 =	ssub.s32 @!p0 $0x0, s1;
	[sflag:s0] =	ssyncset.done @!p0 $0x0  }
0xce: {  	[sflag:s0] =	ssyncadd.s32 @!p0 s1  }
0xcf: {  	[bflag:$0x3] =	sbarrier.arrive $0xFFFF  }
0xd0: {  	_ =	shalt  }

</sc_bundles>
